<compile_context>
chip_gen: v7x
topology: tpu7x:2x2x1
jax: 0.10.2.dev20260603
libtpu: 0.0.44.dev20260713+nightly
codegen_flags: <defaults>
</compile_context>

<pallas_src>
import functools

import jax
import jax.numpy as jnp
from jax import lax
from jax.experimental import pallas as pl
from jax.experimental.pallas import tpu as pltpu
from jax.experimental.pallas import tpu_sc as plsc

N = 10000
E = 320000
D = 128
NPAD = 10240
NB = NPAD // 128
CH = 128
NC = 2
NS = 16
NW = NC * NS
MAXCH = 80
EPAD = NW * MAXCH * CH
PER_TILE_N = NPAD // NS
ZR = 64

_mesh = functools.partial(
    plsc.VectorSubcoreMesh, core_axis_name="c", subcore_axis_name="s")


NDB = 8


def _deg_body(dst_hbm, ones_hbm, zeros_hbm, out_hbm, *refs):
    idxs = refs[0:NDB]
    onesv = refs[NDB]
    stagev = refs[NDB + 1]
    deg_sp = refs[NDB + 2]
    semi = refs[NDB + 3:NDB + 3 + NDB]
    sema = refs[NDB + 3 + NDB:]

    c = lax.axis_index("c")
    s = lax.axis_index("s")
    wid = c * NS + s
    pltpu.sync_copy(ones_hbm, onesv)
    pltpu.sync_copy(zeros_hbm, stagev)
    pltpu.sync_copy(stagev, deg_sp.at[pl.ds(s * PER_TILE_N, PER_TILE_N)])
    plsc.subcore_barrier()
    base = wid * MAXCH * 2 * CH

    def load(k, p):
        pltpu.async_copy(dst_hbm.at[pl.ds(base + (2 * k + 1) * CH, CH)],
                         idxs[p], semi[p])

    def add(k, p):
        pltpu.make_async_copy(dst_hbm.at[pl.ds(base + (2 * k + 1) * CH, CH)],
                              idxs[p], semi[p]).wait()
        pltpu.async_copy(onesv, deg_sp.at[idxs[p]], sema[p], add=True)

    def drain(p):
        pltpu.make_async_copy(onesv, deg_sp.at[idxs[p]], sema[p]).wait()

    for p in range(NDB):
        load(p, p)

    def body(gg, carry):
        k = NDB * gg
        for p in range(NDB):
            add(k + p, p)
        for p in range(NDB):
            drain(p)
            load(k + NDB + p, p)
        return carry

    lax.fori_loop(0, MAXCH // NDB - 1, body, 0)
    for p in range(NDB):
        add(MAXCH - NDB + p, p)
    for p in range(NDB):
        drain(p)
    plsc.subcore_barrier()
    pltpu.sync_copy(deg_sp.at[pl.ds(s * PER_TILE_N, PER_TILE_N)], stagev)
    pltpu.sync_copy(stagev, out_hbm.at[c, pl.ds(s * PER_TILE_N, PER_TILE_N)])


def _deg_call(dst1, ones1, zeros1):
    return pl.kernel(
        _deg_body,
        out_type=jax.ShapeDtypeStruct((NC, NPAD), jnp.float32),
        mesh=_mesh(),
        scratch_types=(
            [pltpu.VMEM((CH,), jnp.int32)] * NDB
            + [pltpu.VMEM((CH,), jnp.float32),
               pltpu.VMEM((PER_TILE_N,), jnp.float32),
               pltpu.VMEM_SHARED((NPAD,), jnp.float32)]
            + [pltpu.SemaphoreType.DMA] * (2 * NDB)
        ),
    )(dst1, ones1, zeros1)


def _dot(a, b):
    return lax.dot_general(a, b, (((1,), (0,)), ((), ())),
                           preferred_element_type=jnp.float32)


def _mm_body(x_ref, w_ref, xw_ref):
    xw_ref[...] = lax.dot_general(x_ref[...], w_ref[...],
                                  (((1,), (1,)), ((), ())),
                                  preferred_element_type=jnp.float32)


def _mm_call(x, w):
    return pl.pallas_call(
        _mm_body,
        grid=(10,),
        in_specs=[
            pl.BlockSpec((1024, D), lambda i: (i, 0)),
            pl.BlockSpec((D, D), lambda i: (0, 0)),
        ],
        out_specs=pl.BlockSpec((1024, D), lambda i: (i, 0)),
        out_shape=jax.ShapeDtypeStruct((NPAD, D), jnp.float32),
    )(x, w)


def _scale_body(xw_ref, dp_ref, eye_ref, y_ref):
    deg = dp_ref[0] + dp_ref[1] + 1.0
    dis = lax.rsqrt(deg)
    eye = eye_ref[...]
    for j in range(8):
        diagm = dis[j:j + 1, :] * eye
        y_ref[128 * j:128 * (j + 1), :] = _dot(
            diagm, xw_ref[128 * j:128 * (j + 1), :])


def _scale_call(xw, dp3, eye):
    return pl.pallas_call(
        _scale_body,
        grid=(10,),
        in_specs=[
            pl.BlockSpec((1024, D), lambda i: (i, 0)),
            pl.BlockSpec((NC, 8, 128), lambda i: (0, i, 0)),
            pl.BlockSpec((D, D), lambda i: (0, 0)),
        ],
        out_specs=pl.BlockSpec((1024, D), lambda i: (i, 0)),
        out_shape=jax.ShapeDtypeStruct((NPAD, D), jnp.float32),
    )(xw, dp3, eye)


def _edge_body(y_hbm, src_hbm, dst_hbm, zeros_hbm, out_hbm, src0, src1, dst0,
               dst1, rows0, rows1, stage, acc_sp, semi0, semi1, semid0, semid1,
               semg0, semg1):
    c = lax.axis_index("c")
    s = lax.axis_index("s")
    wid = c * NS + s
    stages = (stage, rows0)
    pltpu.sync_copy(zeros_hbm, stage)
    for k in range(PER_TILE_N // ZR):
        pltpu.async_copy(stage, acc_sp.at[pl.ds(s * PER_TILE_N + k * ZR, ZR)],
                         semg0)
    for k in range(PER_TILE_N // ZR):
        pltpu.make_async_copy(
            stage, acc_sp.at[pl.ds(s * PER_TILE_N + k * ZR, ZR)], semg0).wait()
    plsc.subcore_barrier()

    base = wid * MAXCH * 2 * CH
    srcs = (src0, src1)
    dsts = (dst0, dst1)
    rows = (rows0, rows1)
    semis = (semi0, semi1)
    semid = (semid0, semid1)
    semg = (semg0, semg1)

    def load_src(k, p):
        pltpu.async_copy(src_hbm.at[pl.ds(base + 2 * k * CH, CH)], srcs[p],
                         semis[p])

    def load_dst(k, p):
        pltpu.async_copy(dst_hbm.at[pl.ds(base + (2 * k + 1) * CH, CH)],
                         dsts[p], semid[p])

    def gather(k, p):
        pltpu.make_async_copy(src_hbm.at[pl.ds(base + 2 * k * CH, CH)],
                              srcs[p], semis[p]).wait()
        pltpu.async_copy(y_hbm.at[srcs[p]], rows[p], semg[p])

    def wait_gather(p):
        pltpu.make_async_copy(y_hbm.at[srcs[p]], rows[p], semg[p]).wait()

    def scatter(k, p):
        pltpu.make_async_copy(dst_hbm.at[pl.ds(base + (2 * k + 1) * CH, CH)],
                              dsts[p], semid[p]).wait()
        pltpu.sync_copy(rows[p], acc_sp.at[dsts[p]], add=True)

    load_src(0, 0)
    load_dst(0, 0)
    load_src(1, 1)
    load_dst(1, 1)
    gather(0, 0)

    def body(gg, carry):
        k0 = 2 * gg
        k1 = 2 * gg + 1
        gather(k1, 1)
        wait_gather(0)
        load_src(k0 + 2, 0)
        scatter(k0, 0)
        load_dst(k0 + 2, 0)
        gather(k0 + 2, 0)
        wait_gather(1)
        load_src(k1 + 2, 1)
        scatter(k1, 1)
        load_dst(k1 + 2, 1)
        return carry

    lax.fori_loop(0, MAXCH // 2 - 1, body, 0)
    gather(MAXCH - 1, 1)
    wait_gather(0)
    scatter(MAXCH - 2, 0)
    wait_gather(1)
    scatter(MAXCH - 1, 1)
    plsc.subcore_barrier()
    stg = (stage, rows0.at[pl.ds(0, ZR)])
    semw = (semi0, semi1)
    nwr = PER_TILE_N // ZR

    def wr_slice(k):
        return pl.ds(s * PER_TILE_N + k * ZR, ZR)

    for k in range(nwr):
        p = k % 2
        if k >= 2:
            pltpu.make_async_copy(stg[p], out_hbm.at[c, wr_slice(k - 2)],
                                  semw[p]).wait()
        pltpu.sync_copy(acc_sp.at[wr_slice(k)], stg[p])
        pltpu.async_copy(stg[p], out_hbm.at[c, wr_slice(k)], semw[p])
    for k in range(nwr - 2, nwr):
        pltpu.make_async_copy(stg[k % 2], out_hbm.at[c, wr_slice(k)],
                              semw[k % 2]).wait()


def _edge_call(y, src1d, dst1d, zeros2):
    return pl.kernel(
        _edge_body,
        out_type=jax.ShapeDtypeStruct((NC, NPAD, D), jnp.float32),
        mesh=_mesh(),
        scratch_types=[
            pltpu.VMEM((CH,), jnp.int32),
            pltpu.VMEM((CH,), jnp.int32),
            pltpu.VMEM((CH,), jnp.int32),
            pltpu.VMEM((CH,), jnp.int32),
            pltpu.VMEM((CH, D), jnp.float32),
            pltpu.VMEM((CH, D), jnp.float32),
            pltpu.VMEM((ZR, D), jnp.float32),
            pltpu.VMEM_SHARED((NPAD, D), jnp.float32),
            pltpu.SemaphoreType.DMA,
            pltpu.SemaphoreType.DMA,
            pltpu.SemaphoreType.DMA,
            pltpu.SemaphoreType.DMA,
            pltpu.SemaphoreType.DMA,
            pltpu.SemaphoreType.DMA,
        ],
    )(y, src1d, dst1d, zeros2)


def _ep_body(acc_ref, xw_ref, dp_ref, b_ref, eye_ref, out_ref):
    deg = dp_ref[0] + dp_ref[1] + 1.0
    dis = lax.rsqrt(deg)
    invd = 1.0 / deg
    eye = eye_ref[...]
    acc = acc_ref[0] + acc_ref[1]
    for j in range(8):
        sl = slice(128 * j, 128 * (j + 1))
        dism = dis[j:j + 1, :] * eye
        invm = invd[j:j + 1, :] * eye
        h = _dot(dism, acc[sl, :]) + _dot(invm, xw_ref[sl, :]) + b_ref[0:1, :]
        out_ref[sl, :] = jnp.maximum(h, 0.0)


def _ep_call(accs, xw, dp3, b8, eye):
    return pl.pallas_call(
        _ep_body,
        grid=(10,),
        in_specs=[
            pl.BlockSpec((NC, 1024, D), lambda i: (0, i, 0)),
            pl.BlockSpec((1024, D), lambda i: (i, 0)),
            pl.BlockSpec((NC, 8, 128), lambda i: (0, i, 0)),
            pl.BlockSpec((8, D), lambda i: (0, 0)),
            pl.BlockSpec((D, D), lambda i: (0, 0)),
        ],
        out_specs=pl.BlockSpec((1024, D), lambda i: (i, 0)),
        out_shape=jax.ShapeDtypeStruct((N, D), jnp.float32),
    )(accs, xw, dp3, b8, eye)


def kernel(x, edge_index, W, b):
    ei3 = jnp.swapaxes(edge_index.reshape(2, E // CH, CH), 0, 1)
    pad = N + jax.lax.rem(jnp.arange((EPAD - E) * 2, dtype=jnp.int32),
                          jnp.int32(NPAD - N))
    eiflat = jnp.concatenate([ei3.reshape(-1), pad])
    x_pad = jnp.pad(x, ((0, NPAD - N), (0, 0)))
    ones1 = jnp.ones((CH,), jnp.float32)
    zeros1 = jnp.zeros((PER_TILE_N,), jnp.float32)
    zeros2 = jnp.zeros((ZR, D), jnp.float32)
    b8 = jnp.broadcast_to(b[None, :], (8, D))
    eye = jnp.eye(D, dtype=jnp.float32)

    dpart = _deg_call(eiflat, ones1, zeros1)
    dp3 = dpart.reshape(NC, NB, 128)
    xw = _mm_call(x_pad, W)
    y = _scale_call(xw, dp3, eye)
    accs = _edge_call(y, eiflat, eiflat, zeros2)
    return _ep_call(accs, xw, dp3, b8, eye)

# --- scband reference (transcript-rebuilt; emitter-appended) ---
"""Pipeline reference for scband-gcn-27891517620705 (READ-ONLY COPY).

The authoritative reference and input builder live on the scoring server;
editing this copy changes nothing except your own understanding.
"""

import jax, jax.numpy as jnp
import numpy as np

N = 10000
E = 320000
D_IN = 128
D_OUT = 128


def setup_inputs(seed: int = 0) -> dict:
    key = jax.random.key(seed)
    k1, k2, k3 = jax.random.split(key, 3)
    x = jax.random.normal(k1, (N, D_IN), dtype=jnp.float32)
    edge_index = jax.random.randint(k2, (2, E), 0, N, dtype=jnp.int32)
    # GCNConv parameters: linear weight [out, in] (Glorot), bias [out] (zeros at init)
    W = jax.random.normal(k3, (D_OUT, D_IN), dtype=jnp.float32) * np.sqrt(1.0 / D_IN)
    b = jnp.zeros((D_OUT,), dtype=jnp.float32)
    return {"x": x, "edge_index": edge_index, "W": W, "b": b}


def gcn_conv(x, edge_index, W, b):
    # x' = x @ W^T
    xw = x @ W.T
    # add self-loops
    loop = jnp.arange(N, dtype=edge_index.dtype)
    row = jnp.concatenate([edge_index[0], loop])  # src
    col = jnp.concatenate([edge_index[1], loop])  # dst
    ew = jnp.ones(row.shape[0], dtype=xw.dtype)
    # symmetric normalization: deg computed over dst with self-loops
    deg = jax.ops.segment_sum(ew, col, num_segments=N)
    deg_inv_sqrt = jnp.where(deg > 0, deg ** -0.5, 0.0)
    norm = deg_inv_sqrt[row] * ew * deg_inv_sqrt[col]
    # message = norm * x'[src], aggregate sum at dst
    msgs = norm[:, None] * jnp.take(xw, row, axis=0)
    out = jax.ops.segment_sum(msgs, col, num_segments=N)
    return out + b


def reference(x, edge_index, W, b):
    h = gcn_conv(x, edge_index, W, b)
    return jax.nn.relu(h)

if __name__ == "__main__":
    import jax
    _d = setup_inputs()
    print(jax.jit(kernel)(*tuple(_d.values())))

</pallas_src>

<mosaic_0001>
#map = affine_map<(d0, d1) -> (0)>
#map1 = affine_map<(d0, d1) -> (0, 0)>
module attributes {stable_mosaic.version = 14 : i64} {
  func.func @_deg_body(%arg0: i32, %arg1: i32, %arg2: memref<655360xi32, #tpu.memory_space<hbm>>, %arg3: memref<128xf32, #tpu.memory_space<hbm>>, %arg4: memref<640xf32, #tpu.memory_space<hbm>>, %arg5: memref<2x10240xf32, #tpu.memory_space<hbm>>, %arg6: memref<128xi32, #tpu.memory_space<vmem>>, %arg7: memref<128xi32, #tpu.memory_space<vmem>>, %arg8: memref<128xi32, #tpu.memory_space<vmem>>, %arg9: memref<128xi32, #tpu.memory_space<vmem>>, %arg10: memref<128xi32, #tpu.memory_space<vmem>>, %arg11: memref<128xi32, #tpu.memory_space<vmem>>, %arg12: memref<128xi32, #tpu.memory_space<vmem>>, %arg13: memref<128xi32, #tpu.memory_space<vmem>>, %arg14: memref<128xf32, #tpu.memory_space<vmem>>, %arg15: memref<640xf32, #tpu.memory_space<vmem>>, %arg16: memref<10240xf32, #tpu.memory_space<vmem_shared>>, %arg17: memref<!tpu.dma_semaphore, #tpu.memory_space<semaphore_mem>>, %arg18: memref<!tpu.dma_semaphore, #tpu.memory_space<semaphore_mem>>, %arg19: memref<!tpu.dma_semaphore, #tpu.memory_space<semaphore_mem>>, %arg20: memref<!tpu.dma_semaphore, #tpu.memory_space<semaphore_mem>>, %arg21: memref<!tpu.dma_semaphore, #tpu.memory_space<semaphore_mem>>, %arg22: memref<!tpu.dma_semaphore, #tpu.memory_space<semaphore_mem>>, %arg23: memref<!tpu.dma_semaphore, #tpu.memory_space<semaphore_mem>>, %arg24: memref<!tpu.dma_semaphore, #tpu.memory_space<semaphore_mem>>, %arg25: memref<!tpu.dma_semaphore, #tpu.memory_space<semaphore_mem>>, %arg26: memref<!tpu.dma_semaphore, #tpu.memory_space<semaphore_mem>>, %arg27: memref<!tpu.dma_semaphore, #tpu.memory_space<semaphore_mem>>, %arg28: memref<!tpu.dma_semaphore, #tpu.memory_space<semaphore_mem>>, %arg29: memref<!tpu.dma_semaphore, #tpu.memory_space<semaphore_mem>>, %arg30: memref<!tpu.dma_semaphore, #tpu.memory_space<semaphore_mem>>, %arg31: memref<!tpu.dma_semaphore, #tpu.memory_space<semaphore_mem>>, %arg32: memref<!tpu.dma_semaphore, #tpu.memory_space<semaphore_mem>>) attributes {dimension_semantics = [#tpu.dimension_semantics<core_parallel>, #tpu.dimension_semantics<subcore_parallel>], iteration_bounds = array<i64: 2, 16>, scalar_prefetch = 0 : i64, scratch_operands = 27 : i64, tpu.core_type = #tpu.core_type<sc_vector_subcore>, window_params = [{transform_indices = #map}, {transform_indices = #map}, {transform_indices = #map}, {transform_indices = #map1}]} {
    %mul3A = arith.constant 16 : i32
    %mul3A_0 = arith.muli %arg0, %mul3A : i32
    %add3A = arith.addi %mul3A_0, %arg1 : i32
    "tpu.region"() ({
      %run_scoped3A = tpu.sem_alloc : memref<!tpu.dma_semaphore, #tpu.memory_space<semaphore_mem>>
      tpu.enqueue_dma source(%arg3 : memref<128xf32, #tpu.memory_space<hbm>>) target(%arg14 : memref<128xf32, #tpu.memory_space<vmem>>) target_semaphore(%run_scoped3A : memref<!tpu.dma_semaphore, #tpu.memory_space<semaphore_mem>>)
      tpu.wait_dma2 semaphore(%run_scoped3A : memref<!tpu.dma_semaphore, #tpu.memory_space<semaphore_mem>>) src(%arg3 : memref<128xf32, #tpu.memory_space<hbm>>) dst(%arg14 : memref<128xf32, #tpu.memory_space<vmem>>)
      tpu.yield
    }) : () -> ()
    "tpu.region"() ({
      %run_scoped3A = tpu.sem_alloc : memref<!tpu.dma_semaphore, #tpu.memory_space<semaphore_mem>>
      tpu.enqueue_dma source(%arg4 : memref<640xf32, #tpu.memory_space<hbm>>) target(%arg15 : memref<640xf32, #tpu.memory_space<vmem>>) target_semaphore(%run_scoped3A : memref<!tpu.dma_semaphore, #tpu.memory_space<semaphore_mem>>)
      tpu.wait_dma2 semaphore(%run_scoped3A : memref<!tpu.dma_semaphore, #tpu.memory_space<semaphore_mem>>) src(%arg4 : memref<640xf32, #tpu.memory_space<hbm>>) dst(%arg15 : memref<640xf32, #tpu.memory_space<vmem>>)
      tpu.yield
    }) : () -> ()
    %mul3A_1 = arith.constant 640 : i32
    %mul3A_2 = arith.muli %arg1, %mul3A_1 : i32
    "tpu.region"() ({
      %run_scoped3A = tpu.sem_alloc : memref<!tpu.dma_semaphore, #tpu.memory_space<semaphore_mem>>
      %dma_start3A_113 = tpu.memref_slice %arg16[%mul3A_2] : memref<10240xf32, #tpu.memory_space<vmem_shared>> -> memref<640xf32, #tpu.memory_space<vmem_shared>>
      %dma_start3A_114 = tpu.memref_slice %arg16[%mul3A_2] : memref<10240xf32, #tpu.memory_space<vmem_shared>> -> memref<640xf32, #tpu.memory_space<vmem_shared>>
      tpu.enqueue_dma source(%arg15 : memref<640xf32, #tpu.memory_space<vmem>>) target(%dma_start3A_114 : memref<640xf32, #tpu.memory_space<vmem_shared>>) target_semaphore(%run_scoped3A : memref<!tpu.dma_semaphore, #tpu.memory_space<semaphore_mem>>)
      %dma_wait3A_115 = tpu.memref_slice %arg16[%mul3A_2] : memref<10240xf32, #tpu.memory_space<vmem_shared>> -> memref<640xf32, #tpu.memory_space<vmem_shared>>
      %dma_wait3A_116 = tpu.memref_slice %arg16[%mul3A_2] : memref<10240xf32, #tpu.memory_space<vmem_shared>> -> memref<640xf32, #tpu.memory_space<vmem_shared>>
      tpu.wait_dma2 semaphore(%run_scoped3A : memref<!tpu.dma_semaphore, #tpu.memory_space<semaphore_mem>>) src(%arg15 : memref<640xf32, #tpu.memory_space<vmem>>) dst(%dma_wait3A_116 : memref<640xf32, #tpu.memory_space<vmem_shared>>)
      tpu.yield
    }) : () -> ()
    %barrier3A = arith.constant 0 : index
    tpu.barrier barrier_id(%barrier3A)
    %mul3A_3 = arith.constant 80 : i32
    %mul3A_4 = arith.muli %add3A, %mul3A_3 : i32
    %mul3A_5 = arith.constant 2 : i32
    %mul3A_6 = arith.muli %mul3A_4, %mul3A_5 : i32
    %mul3A_7 = arith.constant 128 : i32
    %mul3A_8 = arith.muli %mul3A_6, %mul3A_7 : i32
    %add3A_9 = arith.constant 128 : i32
    %add3A_10 = arith.addi %mul3A_8, %add3A_9 : i32
    %dma_start3A = tpu.memref_slice %arg2[%add3A_10] : memref<655360xi32, #tpu.memory_space<hbm>> -> memref<128xi32, #tpu.memory_space<hbm>>
    %dma_start3A_11 = tpu.memref_slice %arg2[%add3A_10] : memref<655360xi32, #tpu.memory_space<hbm>> -> memref<128xi32, #tpu.memory_space<hbm>>
    tpu.enqueue_dma source(%dma_start3A_11 : memref<128xi32, #tpu.memory_space<hbm>>) target(%arg6 : memref<128xi32, #tpu.memory_space<vmem>>) target_semaphore(%arg17 : memref<!tpu.dma_semaphore, #tpu.memory_space<semaphore_mem>>)
    %add3A_12 = arith.constant 384 : i32
    %add3A_13 = arith.addi %mul3A_8, %add3A_12 : i32
    %dma_start3A_14 = tpu.memref_slice %arg2[%add3A_13] : memref<655360xi32, #tpu.memory_space<hbm>> -> memref<128xi32, #tpu.memory_space<hbm>>
    %dma_start3A_15 = tpu.memref_slice %arg2[%add3A_13] : memref<655360xi32, #tpu.memory_space<hbm>> -> memref<128xi32, #tpu.memory_space<hbm>>
    tpu.enqueue_dma source(%dma_start3A_15 : memref<128xi32, #tpu.memory_space<hbm>>) target(%arg7 : memref<128xi32, #tpu.memory_space<vmem>>) target_semaphore(%arg18 : memref<!tpu.dma_semaphore, #tpu.memory_space<semaphore_mem>>)
    %add3A_16 = arith.constant 640 : i32
    %add3A_17 = arith.addi %mul3A_8, %add3A_16 : i32
    %dma_start3A_18 = tpu.memref_slice %arg2[%add3A_17] : memref<655360xi32, #tpu.memory_space<hbm>> -> memref<128xi32, #tpu.memory_space<hbm>>
    %dma_start3A_19 = tpu.memref_slice %arg2[%add3A_17] : memref<655360xi32, #tpu.memory_space<hbm>> -> memref<128xi32, #tpu.memory_space<hbm>>
    tpu.enqueue_dma source(%dma_start3A_19 : memref<128xi32, #tpu.memory_space<hbm>>) target(%arg8 : memref<128xi32, #tpu.memory_space<vmem>>) target_semaphore(%arg19 : memref<!tpu.dma_semaphore, #tpu.memory_space<semaphore_mem>>)
    %add3A_20 = arith.constant 896 : i32
    %add3A_21 = arith.addi %mul3A_8, %add3A_20 : i32
    %dma_start3A_22 = tpu.memref_slice %arg2[%add3A_21] : memref<655360xi32, #tpu.memory_space<hbm>> -> memref<128xi32, #tpu.memory_space<hbm>>
    %dma_start3A_23 = tpu.memref_slice %arg2[%add3A_21] : memref<655360xi32, #tpu.memory_space<hbm>> -> memref<128xi32, #tpu.memory_space<hbm>>
    tpu.enqueue_dma source(%dma_start3A_23 : memref<128xi32, #tpu.memory_space<hbm>>) target(%arg9 : memref<128xi32, #tpu.memory_space<vmem>>) target_semaphore(%arg20 : memref<!tpu.dma_semaphore, #tpu.memory_space<semaphore_mem>>)
    %add3A_24 = arith.constant 1152 : i32
    %add3A_25 = arith.addi %mul3A_8, %add3A_24 : i32
    %dma_start3A_26 = tpu.memref_slice %arg2[%add3A_25] : memref<655360xi32, #tpu.memory_space<hbm>> -> memref<128xi32, #tpu.memory_space<hbm>>
    %dma_start3A_27 = tpu.memref_slice %arg2[%add3A_25] : memref<655360xi32, #tpu.memory_space<hbm>> -> memref<128xi32, #tpu.memory_space<hbm>>
    tpu.enqueue_dma source(%dma_start3A_27 : memref<128xi32, #tpu.memory_space<hbm>>) target(%arg10 : memref<128xi32, #tpu.memory_space<vmem>>) target_semaphore(%arg21 : memref<!tpu.dma_semaphore, #tpu.memory_space<semaphore_mem>>)
    %add3A_28 = arith.constant 1408 : i32
    %add3A_29 = arith.addi %mul3A_8, %add3A_28 : i32
    %dma_start3A_30 = tpu.memref_slice %arg2[%add3A_29] : memref<655360xi32, #tpu.memory_space<hbm>> -> memref<128xi32, #tpu.memory_space<hbm>>
    %dma_start3A_31 = tpu.memref_slice %arg2[%add3A_29] : memref<655360xi32, #tpu.memory_space<hbm>> -> memref<128xi32, #tpu.memory_space<hbm>>
    tpu.enqueue_dma source(%dma_start3A_31 : memref<128xi32, #tpu.memory_space<hbm>>) target(%arg11 : memref<128xi32, #tpu.memory_space<vmem>>) target_semaphore(%arg22 : memref<!tpu.dma_semaphore, #tpu.memory_space<semaphore_mem>>)
    %add3A_32 = arith.constant 1664 : i32
    %add3A_33 = arith.addi %mul3A_8, %add3A_32 : i32
    %dma_start3A_34 = tpu.memref_slice %arg2[%add3A_33] : memref<655360xi32, #tpu.memory_space<hbm>> -> memref<128xi32, #tpu.memory_space<hbm>>
    %dma_start3A_35 = tpu.memref_slice %arg2[%add3A_33] : memref<655360xi32, #tpu.memory_space<hbm>> -> memref<128xi32, #tpu.memory_space<hbm>>
    tpu.enqueue_dma source(%dma_start3A_35 : memref<128xi32, #tpu.memory_space<hbm>>) target(%arg12 : memref<128xi32, #tpu.memory_space<vmem>>) target_semaphore(%arg23 : memref<!tpu.dma_semaphore, #tpu.memory_space<semaphore_mem>>)
    %add3A_36 = arith.constant 1920 : i32
    %add3A_37 = arith.addi %mul3A_8, %add3A_36 : i32
    %dma_start3A_38 = tpu.memref_slice %arg2[%add3A_37] : memref<655360xi32, #tpu.memory_space<hbm>> -> memref<128xi32, #tpu.memory_space<hbm>>
    %dma_start3A_39 = tpu.memref_slice %arg2[%add3A_37] : memref<655360xi32, #tpu.memory_space<hbm>> -> memref<128xi32, #tpu.memory_space<hbm>>
    tpu.enqueue_dma source(%dma_start3A_39 : memref<128xi32, #tpu.memory_space<hbm>>) target(%arg13 : memref<128xi32, #tpu.memory_space<vmem>>) target_semaphore(%arg24 : memref<!tpu.dma_semaphore, #tpu.memory_space<semaphore_mem>>)
    %scan3A = arith.constant 0 : i32
    %scan3A_40 = arith.constant 0 : i32
    %scan3A_41 = arith.constant 9 : i32
    %scan3A_42 = arith.addi %scan3A_40, %scan3A_41 : i32
    %scan3A_43 = arith.constant 1 : i32
    scf.for %scan3A_113 = %scan3A_40 to %scan3A_42 step %scan3A_43  : i32 {
      %mul3A_114 = arith.constant 8 : i32
      %mul3A_115 = arith.muli %mul3A_114, %scan3A_113 : i32
      %add3A_116 = arith.constant 0 : i32
      %add3A_117 = arith.addi %mul3A_115, %add3A_116 : i32
      %mul3A_118 = arith.constant 2 : i32
      %mul3A_119 = arith.muli %mul3A_118, %add3A_117 : i32
      %add3A_120 = arith.constant 1 : i32
      %add3A_121 = arith.addi %mul3A_119, %add3A_120 : i32
      %mul3A_122 = arith.constant 128 : i32
      %mul3A_123 = arith.muli %add3A_121, %mul3A_122 : i32
      %add3A_124 = arith.addi %mul3A_8, %mul3A_123 : i32
      %dma_wait3A_125 = tpu.memref_slice %arg2[%add3A_124] : memref<655360xi32, #tpu.memory_space<hbm>> -> memref<128xi32, #tpu.memory_space<hbm>>
      %dma_wait3A_126 = tpu.memref_slice %arg2[%add3A_124] : memref<655360xi32, #tpu.memory_space<hbm>> -> memref<128xi32, #tpu.memory_space<hbm>>
      tpu.wait_dma2 semaphore(%arg17 : memref<!tpu.dma_semaphore, #tpu.memory_space<semaphore_mem>>) src(%dma_wait3A_126 : memref<128xi32, #tpu.memory_space<hbm>>) dst(%arg6 : memref<128xi32, #tpu.memory_space<vmem>>)
      %dma_start3A_127 = arith.constant 0 : i32
      %dma_start3A_128 = tpu.memref_slice %arg16[%dma_start3A_127] : memref<10240xf32, #tpu.memory_space<vmem_shared>> -> memref<10240xf32, #tpu.memory_space<vmem_shared>>
      tpu.enqueue_indirect_dma source(%arg14 : memref<128xf32, #tpu.memory_space<vmem>>) target(%dma_start3A_128 : memref<10240xf32, #tpu.memory_space<vmem_shared>>) offsets(%arg6 : memref<128xi32, #tpu.memory_space<vmem>>) semaphore(%arg25 : memref<!tpu.dma_semaphore, #tpu.memory_space<semaphore_mem>>) {add = true}
      %add3A_129 = arith.constant 1 : i32
      %add3A_130 = arith.addi %mul3A_115, %add3A_129 : i32
      %mul3A_131 = arith.constant 2 : i32
      %mul3A_132 = arith.muli %mul3A_131, %add3A_130 : i32
      %add3A_133 = arith.constant 1 : i32
      %add3A_134 = arith.addi %mul3A_132, %add3A_133 : i32
      %mul3A_135 = arith.constant 128 : i32
      %mul3A_136 = arith.muli %add3A_134, %mul3A_135 : i32
      %add3A_137 = arith.addi %mul3A_8, %mul3A_136 : i32
      %dma_wait3A_138 = tpu.memref_slice %arg2[%add3A_137] : memref<655360xi32, #tpu.memory_space<hbm>> -> memref<128xi32, #tpu.memory_space<hbm>>
      %dma_wait3A_139 = tpu.memref_slice %arg2[%add3A_137] : memref<655360xi32, #tpu.memory_space<hbm>> -> memref<128xi32, #tpu.memory_space<hbm>>
      tpu.wait_dma2 semaphore(%arg18 : memref<!tpu.dma_semaphore, #tpu.memory_space<semaphore_mem>>) src(%dma_wait3A_139 : memref<128xi32, #tpu.memory_space<hbm>>) dst(%arg7 : memref<128xi32, #tpu.memory_space<vmem>>)
      %dma_start3A_140 = arith.constant 0 : i32
      %dma_start3A_141 = tpu.memref_slice %arg16[%dma_start3A_140] : memref<10240xf32, #tpu.memory_space<vmem_shared>> -> memref<10240xf32, #tpu.memory_space<vmem_shared>>
      tpu.enqueue_indirect_dma source(%arg14 : memref<128xf32, #tpu.memory_space<vmem>>) target(%dma_start3A_141 : memref<10240xf32, #tpu.memory_space<vmem_shared>>) offsets(%arg7 : memref<128xi32, #tpu.memory_space<vmem>>) semaphore(%arg26 : memref<!tpu.dma_semaphore, #tpu.memory_space<semaphore_mem>>) {add = true}
      %add3A_142 = arith.constant 2 : i32
      %add3A_143 = arith.addi %mul3A_115, %add3A_142 : i32
      %mul3A_144 = arith.constant 2 : i32
      %mul3A_145 = arith.muli %mul3A_144, %add3A_143 : i32
      %add3A_146 = arith.constant 1 : i32
      %add3A_147 = arith.addi %mul3A_145, %add3A_146 : i32
      %mul3A_148 = arith.constant 128 : i32
      %mul3A_149 = arith.muli %add3A_147, %mul3A_148 : i32
      %add3A_150 = arith.addi %mul3A_8, %mul3A_149 : i32
      %dma_wait3A_151 = tpu.memref_slice %arg2[%add3A_150] : memref<655360xi32, #tpu.memory_space<hbm>> -> memref<128xi32, #tpu.memory_space<hbm>>
      %dma_wait3A_152 = tpu.memref_slice %arg2[%add3A_150] : memref<655360xi32, #tpu.memory_space<hbm>> -> memref<128xi32, #tpu.memory_space<hbm>>
      tpu.wait_dma2 semaphore(%arg19 : memref<!tpu.dma_semaphore, #tpu.memory_space<semaphore_mem>>) src(%dma_wait3A_152 : memref<128xi32, #tpu.memory_space<hbm>>) dst(%arg8 : memref<128xi32, #tpu.memory_space<vmem>>)
      %dma_start3A_153 = arith.constant 0 : i32
      %dma_start3A_154 = tpu.memref_slice %arg16[%dma_start3A_153] : memref<10240xf32, #tpu.memory_space<vmem_shared>> -> memref<10240xf32, #tpu.memory_space<vmem_shared>>
      tpu.enqueue_indirect_dma source(%arg14 : memref<128xf32, #tpu.memory_space<vmem>>) target(%dma_start3A_154 : memref<10240xf32, #tpu.memory_space<vmem_shared>>) offsets(%arg8 : memref<128xi32, #tpu.memory_space<vmem>>) semaphore(%arg27 : memref<!tpu.dma_semaphore, #tpu.memory_space<semaphore_mem>>) {add = true}
      %add3A_155 = arith.constant 3 : i32
      %add3A_156 = arith.addi %mul3A_115, %add3A_155 : i32
      %mul3A_157 = arith.constant 2 : i32
      %mul3A_158 = arith.muli %mul3A_157, %add3A_156 : i32
      %add3A_159 = arith.constant 1 : i32
      %add3A_160 = arith.addi %mul3A_158, %add3A_159 : i32
      %mul3A_161 = arith.constant 128 : i32
      %mul3A_162 = arith.muli %add3A_160, %mul3A_161 : i32
      %add3A_163 = arith.addi %mul3A_8, %mul3A_162 : i32
      %dma_wait3A_164 = tpu.memref_slice %arg2[%add3A_163] : memref<655360xi32, #tpu.memory_space<hbm>> -> memref<128xi32, #tpu.memory_space<hbm>>
      %dma_wait3A_165 = tpu.memref_slice %arg2[%add3A_163] : memref<655360xi32, #tpu.memory_space<hbm>> -> memref<128xi32, #tpu.memory_space<hbm>>
      tpu.wait_dma2 semaphore(%arg20 : memref<!tpu.dma_semaphore, #tpu.memory_space<semaphore_mem>>) src(%dma_wait3A_165 : memref<128xi32, #tpu.memory_space<hbm>>) dst(%arg9 : memref<128xi32, #tpu.memory_space<vmem>>)
      %dma_start3A_166 = arith.constant 0 : i32
      %dma_start3A_167 = tpu.memref_slice %arg16[%dma_start3A_166] : memref<10240xf32, #tpu.memory_space<vmem_shared>> -> memref<10240xf32, #tpu.memory_space<vmem_shared>>
      tpu.enqueue_indirect_dma source(%arg14 : memref<128xf32, #tpu.memory_space<vmem>>) target(%dma_start3A_167 : memref<10240xf32, #tpu.memory_space<vmem_shared>>) offsets(%arg9 : memref<128xi32, #tpu.memory_space<vmem>>) semaphore(%arg28 : memref<!tpu.dma_semaphore, #tpu.memory_space<semaphore_mem>>) {add = true}
      %add3A_168 = arith.constant 4 : i32
      %add3A_169 = arith.addi %mul3A_115, %add3A_168 : i32
      %mul3A_170 = arith.constant 2 : i32
      %mul3A_171 = arith.muli %mul3A_170, %add3A_169 : i32
      %add3A_172 = arith.constant 1 : i32
      %add3A_173 = arith.addi %mul3A_171, %add3A_172 : i32
      %mul3A_174 = arith.constant 128 : i32
      %mul3A_175 = arith.muli %add3A_173, %mul3A_174 : i32
      %add3A_176 = arith.addi %mul3A_8, %mul3A_175 : i32
      %dma_wait3A_177 = tpu.memref_slice %arg2[%add3A_176] : memref<655360xi32, #tpu.memory_space<hbm>> -> memref<128xi32, #tpu.memory_space<hbm>>
      %dma_wait3A_178 = tpu.memref_slice %arg2[%add3A_176] : memref<655360xi32, #tpu.memory_space<hbm>> -> memref<128xi32, #tpu.memory_space<hbm>>
      tpu.wait_dma2 semaphore(%arg21 : memref<!tpu.dma_semaphore, #tpu.memory_space<semaphore_mem>>) src(%dma_wait3A_178 : memref<128xi32, #tpu.memory_space<hbm>>) dst(%arg10 : memref<128xi32, #tpu.memory_space<vmem>>)
      %dma_start3A_179 = arith.constant 0 : i32
      %dma_start3A_180 = tpu.memref_slice %arg16[%dma_start3A_179] : memref<10240xf32, #tpu.memory_space<vmem_shared>> -> memref<10240xf32, #tpu.memory_space<vmem_shared>>
      tpu.enqueue_indirect_dma source(%arg14 : memref<128xf32, #tpu.memory_space<vmem>>) target(%dma_start3A_180 : memref<10240xf32, #tpu.memory_space<vmem_shared>>) offsets(%arg10 : memref<128xi32, #tpu.memory_space<vmem>>) semaphore(%arg29 : memref<!tpu.dma_semaphore, #tpu.memory_space<semaphore_mem>>) {add = true}
      %add3A_181 = arith.constant 5 : i32
      %add3A_182 = arith.addi %mul3A_115, %add3A_181 : i32
      %mul3A_183 = arith.constant 2 : i32
      %mul3A_184 = arith.muli %mul3A_183, %add3A_182 : i32
      %add3A_185 = arith.constant 1 : i32
      %add3A_186 = arith.addi %mul3A_184, %add3A_185 : i32
      %mul3A_187 = arith.constant 128 : i32
      %mul3A_188 = arith.muli %add3A_186, %mul3A_187 : i32
      %add3A_189 = arith.addi %mul3A_8, %mul3A_188 : i32
      %dma_wait3A_190 = tpu.memref_slice %arg2[%add3A_189] : memref<655360xi32, #tpu.memory_space<hbm>> -> memref<128xi32, #tpu.memory_space<hbm>>
      %dma_wait3A_191 = tpu.memref_slice %arg2[%add3A_189] : memref<655360xi32, #tpu.memory_space<hbm>> -> memref<128xi32, #tpu.memory_space<hbm>>
      tpu.wait_dma2 semaphore(%arg22 : memref<!tpu.dma_semaphore, #tpu.memory_space<semaphore_mem>>) src(%dma_wait3A_191 : memref<128xi32, #tpu.memory_space<hbm>>) dst(%arg11 : memref<128xi32, #tpu.memory_space<vmem>>)
      %dma_start3A_192 = arith.constant 0 : i32
      %dma_start3A_193 = tpu.memref_slice %arg16[%dma_start3A_192] : memref<10240xf32, #tpu.memory_space<vmem_shared>> -> memref<10240xf32, #tpu.memory_space<vmem_shared>>
      tpu.enqueue_indirect_dma source(%arg14 : memref<128xf32, #tpu.memory_space<vmem>>) target(%dma_start3A_193 : memref<10240xf32, #tpu.memory_space<vmem_shared>>) offsets(%arg11 : memref<128xi32, #tpu.memory_space<vmem>>) semaphore(%arg30 : memref<!tpu.dma_semaphore, #tpu.memory_space<semaphore_mem>>) {add = true}
      %add3A_194 = arith.constant 6 : i32
      %add3A_195 = arith.addi %mul3A_115, %add3A_194 : i32
      %mul3A_196 = arith.constant 2 : i32
      %mul3A_197 = arith.muli %mul3A_196, %add3A_195 : i32
      %add3A_198 = arith.constant 1 : i32
      %add3A_199 = arith.addi %mul3A_197, %add3A_198 : i32
      %mul3A_200 = arith.constant 128 : i32
      %mul3A_201 = arith.muli %add3A_199, %mul3A_200 : i32
      %add3A_202 = arith.addi %mul3A_8, %mul3A_201 : i32
      %dma_wait3A_203 = tpu.memref_slice %arg2[%add3A_202] : memref<655360xi32, #tpu.memory_space<hbm>> -> memref<128xi32, #tpu.memory_space<hbm>>
      %dma_wait3A_204 = tpu.memref_slice %arg2[%add3A_202] : memref<655360xi32, #tpu.memory_space<hbm>> -> memref<128xi32, #tpu.memory_space<hbm>>
      tpu.wait_dma2 semaphore(%arg23 : memref<!tpu.dma_semaphore, #tpu.memory_space<semaphore_mem>>) src(%dma_wait3A_204 : memref<128xi32, #tpu.memory_space<hbm>>) dst(%arg12 : memref<128xi32, #tpu.memory_space<vmem>>)
      %dma_start3A_205 = arith.constant 0 : i32
      %dma_start3A_206 = tpu.memref_slice %arg16[%dma_start3A_205] : memref<10240xf32, #tpu.memory_space<vmem_shared>> -> memref<10240xf32, #tpu.memory_space<vmem_shared>>
      tpu.enqueue_indirect_dma source(%arg14 : memref<128xf32, #tpu.memory_space<vmem>>) target(%dma_start3A_206 : memref<10240xf32, #tpu.memory_space<vmem_shared>>) offsets(%arg12 : memref<128xi32, #tpu.memory_space<vmem>>) semaphore(%arg31 : memref<!tpu.dma_semaphore, #tpu.memory_space<semaphore_mem>>) {add = true}
      %add3A_207 = arith.constant 7 : i32
      %add3A_208 = arith.addi %mul3A_115, %add3A_207 : i32
      %mul3A_209 = arith.constant 2 : i32
      %mul3A_210 = arith.muli %mul3A_209, %add3A_208 : i32
      %add3A_211 = arith.constant 1 : i32
      %add3A_212 = arith.addi %mul3A_210, %add3A_211 : i32
      %mul3A_213 = arith.constant 128 : i32
      %mul3A_214 = arith.muli %add3A_212, %mul3A_213 : i32
      %add3A_215 = arith.addi %mul3A_8, %mul3A_214 : i32
      %dma_wait3A_216 = tpu.memref_slice %arg2[%add3A_215] : memref<655360xi32, #tpu.memory_space<hbm>> -> memref<128xi32, #tpu.memory_space<hbm>>
      %dma_wait3A_217 = tpu.memref_slice %arg2[%add3A_215] : memref<655360xi32, #tpu.memory_space<hbm>> -> memref<128xi32, #tpu.memory_space<hbm>>
      tpu.wait_dma2 semaphore(%arg24 : memref<!tpu.dma_semaphore, #tpu.memory_space<semaphore_mem>>) src(%dma_wait3A_217 : memref<128xi32, #tpu.memory_space<hbm>>) dst(%arg13 : memref<128xi32, #tpu.memory_space<vmem>>)
      %dma_start3A_218 = arith.constant 0 : i32
      %dma_start3A_219 = tpu.memref_slice %arg16[%dma_start3A_218] : memref<10240xf32, #tpu.memory_space<vmem_shared>> -> memref<10240xf32, #tpu.memory_space<vmem_shared>>
      tpu.enqueue_indirect_dma source(%arg14 : memref<128xf32, #tpu.memory_space<vmem>>) target(%dma_start3A_219 : memref<10240xf32, #tpu.memory_space<vmem_shared>>) offsets(%arg13 : memref<128xi32, #tpu.memory_space<vmem>>) semaphore(%arg32 : memref<!tpu.dma_semaphore, #tpu.memory_space<semaphore_mem>>) {add = true}
      %dma_wait3A_220 = arith.constant 0 : i32
      %dma_wait3A_221 = tpu.memref_slice %arg16[%dma_wait3A_220] : memref<10240xf32, #tpu.memory_space<vmem_shared>> -> memref<10240xf32, #tpu.memory_space<vmem_shared>>
      tpu.wait_indirect_dma semaphore(%arg25 : memref<!tpu.dma_semaphore, #tpu.memory_space<semaphore_mem>>) src(%arg14 : memref<128xf32, #tpu.memory_space<vmem>>) dst(%dma_wait3A_221 : memref<10240xf32, #tpu.memory_space<vmem_shared>>)
      %add3A_222 = arith.constant 8 : i32
      %add3A_223 = arith.addi %mul3A_115, %add3A_222 : i32
      %add3A_224 = arith.constant 0 : i32
      %add3A_225 = arith.addi %add3A_223, %add3A_224 : i32
      %mul3A_226 = arith.constant 2 : i32
      %mul3A_227 = arith.muli %mul3A_226, %add3A_225 : i32
      %add3A_228 = arith.constant 1 : i32
      %add3A_229 = arith.addi %mul3A_227, %add3A_228 : i32
      %mul3A_230 = arith.constant 128 : i32
      %mul3A_231 = arith.muli %add3A_229, %mul3A_230 : i32
      %add3A_232 = arith.addi %mul3A_8, %mul3A_231 : i32
      %dma_start3A_233 = tpu.memref_slice %arg2[%add3A_232] : memref<655360xi32, #tpu.memory_space<hbm>> -> memref<128xi32, #tpu.memory_space<hbm>>
      %dma_start3A_234 = tpu.memref_slice %arg2[%add3A_232] : memref<655360xi32, #tpu.memory_space<hbm>> -> memref<128xi32, #tpu.memory_space<hbm>>
      tpu.enqueue_dma source(%dma_start3A_234 : memref<128xi32, #tpu.memory_space<hbm>>) target(%arg6 : memref<128xi32, #tpu.memory_space<vmem>>) target_semaphore(%arg17 : memref<!tpu.dma_semaphore, #tpu.memory_space<semaphore_mem>>)
      %dma_wait3A_235 = arith.constant 0 : i32
      %dma_wait3A_236 = tpu.memref_slice %arg16[%dma_wait3A_235] : memref<10240xf32, #tpu.memory_space<vmem_shared>> -> memref<10240xf32, #tpu.memory_space<vmem_shared>>
      tpu.wait_indirect_dma semaphore(%arg26 : memref<!tpu.dma_semaphore, #tpu.memory_space<semaphore_mem>>) src(%arg14 : memref<128xf32, #tpu.memory_space<vmem>>) dst(%dma_wait3A_236 : memref<10240xf32, #tpu.memory_space<vmem_shared>>)
      %add3A_237 = arith.constant 8 : i32
      %add3A_238 = arith.addi %mul3A_115, %add3A_237 : i32
      %add3A_239 = arith.constant 1 : i32
      %add3A_240 = arith.addi %add3A_238, %add3A_239 : i32
      %mul3A_241 = arith.constant 2 : i32
      %mul3A_242 = arith.muli %mul3A_241, %add3A_240 : i32
      %add3A_243 = arith.constant 1 : i32
      %add3A_244 = arith.addi %mul3A_242, %add3A_243 : i32
      %mul3A_245 = arith.constant 128 : i32
      %mul3A_246 = arith.muli %add3A_244, %mul3A_245 : i32
      %add3A_247 = arith.addi %mul3A_8, %mul3A_246 : i32
      %dma_start3A_248 = tpu.memref_slice %arg2[%add3A_247] : memref<655360xi32, #tpu.memory_space<hbm>> -> memref<128xi32, #tpu.memory_space<hbm>>
      %dma_start3A_249 = tpu.memref_slice %arg2[%add3A_247] : memref<655360xi32, #tpu.memory_space<hbm>> -> memref<128xi32, #tpu.memory_space<hbm>>
      tpu.enqueue_dma source(%dma_start3A_249 : memref<128xi32, #tpu.memory_space<hbm>>) target(%arg7 : memref<128xi32, #tpu.memory_space<vmem>>) target_semaphore(%arg18 : memref<!tpu.dma_semaphore, #tpu.memory_space<semaphore_mem>>)
      %dma_wait3A_250 = arith.constant 0 : i32
      %dma_wait3A_251 = tpu.memref_slice %arg16[%dma_wait3A_250] : memref<10240xf32, #tpu.memory_space<vmem_shared>> -> memref<10240xf32, #tpu.memory_space<vmem_shared>>
      tpu.wait_indirect_dma semaphore(%arg27 : memref<!tpu.dma_semaphore, #tpu.memory_space<semaphore_mem>>) src(%arg14 : memref<128xf32, #tpu.memory_space<vmem>>) dst(%dma_wait3A_251 : memref<10240xf32, #tpu.memory_space<vmem_shared>>)
      %add3A_252 = arith.constant 8 : i32
      %add3A_253 = arith.addi %mul3A_115, %add3A_252 : i32
      %add3A_254 = arith.constant 2 : i32
      %add3A_255 = arith.addi %add3A_253, %add3A_254 : i32
      %mul3A_256 = arith.constant 2 : i32
      %mul3A_257 = arith.muli %mul3A_256, %add3A_255 : i32
      %add3A_258 = arith.constant 1 : i32
      %add3A_259 = arith.addi %mul3A_257, %add3A_258 : i32
      %mul3A_260 = arith.constant 128 : i32
      %mul3A_261 = arith.muli %add3A_259, %mul3A_260 : i32
      %add3A_262 = arith.addi %mul3A_8, %mul3A_261 : i32
      %dma_start3A_263 = tpu.memref_slice %arg2[%add3A_262] : memref<655360xi32, #tpu.memory_space<hbm>> -> memref<128xi32, #tpu.memory_space<hbm>>
      %dma_start3A_264 = tpu.memref_slice %arg2[%add3A_262] : memref<655360xi32, #tpu.memory_space<hbm>> -> memref<128xi32, #tpu.memory_space<hbm>>
      tpu.enqueue_dma source(%dma_start3A_264 : memref<128xi32, #tpu.memory_space<hbm>>) target(%arg8 : memref<128xi32, #tpu.memory_space<vmem>>) target_semaphore(%arg19 : memref<!tpu.dma_semaphore, #tpu.memory_space<semaphore_mem>>)
      %dma_wait3A_265 = arith.constant 0 : i32
      %dma_wait3A_266 = tpu.memref_slice %arg16[%dma_wait3A_265] : memref<10240xf32, #tpu.memory_space<vmem_shared>> -> memref<10240xf32, #tpu.memory_space<vmem_shared>>
      tpu.wait_indirect_dma semaphore(%arg28 : memref<!tpu.dma_semaphore, #tpu.memory_space<semaphore_mem>>) src(%arg14 : memref<128xf32, #tpu.memory_space<vmem>>) dst(%dma_wait3A_266 : memref<10240xf32, #tpu.memory_space<vmem_shared>>)
      %add3A_267 = arith.constant 8 : i32
      %add3A_268 = arith.addi %mul3A_115, %add3A_267 : i32
      %add3A_269 = arith.constant 3 : i32
      %add3A_270 = arith.addi %add3A_268, %add3A_269 : i32
      %mul3A_271 = arith.constant 2 : i32
      %mul3A_272 = arith.muli %mul3A_271, %add3A_270 : i32
      %add3A_273 = arith.constant 1 : i32
      %add3A_274 = arith.addi %mul3A_272, %add3A_273 : i32
      %mul3A_275 = arith.constant 128 : i32
      %mul3A_276 = arith.muli %add3A_274, %mul3A_275 : i32
      %add3A_277 = arith.addi %mul3A_8, %mul3A_276 : i32
      %dma_start3A_278 = tpu.memref_slice %arg2[%add3A_277] : memref<655360xi32, #tpu.memory_space<hbm>> -> memref<128xi32, #tpu.memory_space<hbm>>
      %dma_start3A_279 = tpu.memref_slice %arg2[%add3A_277] : memref<655360xi32, #tpu.memory_space<hbm>> -> memref<128xi32, #tpu.memory_space<hbm>>
      tpu.enqueue_dma source(%dma_start3A_279 : memref<128xi32, #tpu.memory_space<hbm>>) target(%arg9 : memref<128xi32, #tpu.memory_space<vmem>>) target_semaphore(%arg20 : memref<!tpu.dma_semaphore, #tpu.memory_space<semaphore_mem>>)
      %dma_wait3A_280 = arith.constant 0 : i32
      %dma_wait3A_281 = tpu.memref_slice %arg16[%dma_wait3A_280] : memref<10240xf32, #tpu.memory_space<vmem_shared>> -> memref<10240xf32, #tpu.memory_space<vmem_shared>>
      tpu.wait_indirect_dma semaphore(%arg29 : memref<!tpu.dma_semaphore, #tpu.memory_space<semaphore_mem>>) src(%arg14 : memref<128xf32, #tpu.memory_space<vmem>>) dst(%dma_wait3A_281 : memref<10240xf32, #tpu.memory_space<vmem_shared>>)
      %add3A_282 = arith.constant 8 : i32
      %add3A_283 = arith.addi %mul3A_115, %add3A_282 : i32
      %add3A_284 = arith.constant 4 : i32
      %add3A_285 = arith.addi %add3A_283, %add3A_284 : i32
      %mul3A_286 = arith.constant 2 : i32
      %mul3A_287 = arith.muli %mul3A_286, %add3A_285 : i32
      %add3A_288 = arith.constant 1 : i32
      %add3A_289 = arith.addi %mul3A_287, %add3A_288 : i32
      %mul3A_290 = arith.constant 128 : i32
      %mul3A_291 = arith.muli %add3A_289, %mul3A_290 : i32
      %add3A_292 = arith.addi %mul3A_8, %mul3A_291 : i32
      %dma_start3A_293 = tpu.memref_slice %arg2[%add3A_292] : memref<655360xi32, #tpu.memory_space<hbm>> -> memref<128xi32, #tpu.memory_space<hbm>>
      %dma_start3A_294 = tpu.memref_slice %arg2[%add3A_292] : memref<655360xi32, #tpu.memory_space<hbm>> -> memref<128xi32, #tpu.memory_space<hbm>>
      tpu.enqueue_dma source(%dma_start3A_294 : memref<128xi32, #tpu.memory_space<hbm>>) target(%arg10 : memref<128xi32, #tpu.memory_space<vmem>>) target_semaphore(%arg21 : memref<!tpu.dma_semaphore, #tpu.memory_space<semaphore_mem>>)
      %dma_wait3A_295 = arith.constant 0 : i32
      %dma_wait3A_296 = tpu.memref_slice %arg16[%dma_wait3A_295] : memref<10240xf32, #tpu.memory_space<vmem_shared>> -> memref<10240xf32, #tpu.memory_space<vmem_shared>>
      tpu.wait_indirect_dma semaphore(%arg30 : memref<!tpu.dma_semaphore, #tpu.memory_space<semaphore_mem>>) src(%arg14 : memref<128xf32, #tpu.memory_space<vmem>>) dst(%dma_wait3A_296 : memref<10240xf32, #tpu.memory_space<vmem_shared>>)
      %add3A_297 = arith.constant 8 : i32
      %add3A_298 = arith.addi %mul3A_115, %add3A_297 : i32
      %add3A_299 = arith.constant 5 : i32
      %add3A_300 = arith.addi %add3A_298, %add3A_299 : i32
      %mul3A_301 = arith.constant 2 : i32
      %mul3A_302 = arith.muli %mul3A_301, %add3A_300 : i32
      %add3A_303 = arith.constant 1 : i32
      %add3A_304 = arith.addi %mul3A_302, %add3A_303 : i32
      %mul3A_305 = arith.constant 128 : i32
      %mul3A_306 = arith.muli %add3A_304, %mul3A_305 : i32
      %add3A_307 = arith.addi %mul3A_8, %mul3A_306 : i32
      %dma_start3A_308 = tpu.memref_slice %arg2[%add3A_307] : memref<655360xi32, #tpu.memory_space<hbm>> -> memref<128xi32, #tpu.memory_space<hbm>>
      %dma_start3A_309 = tpu.memref_slice %arg2[%add3A_307] : memref<655360xi32, #tpu.memory_space<hbm>> -> memref<128xi32, #tpu.memory_space<hbm>>
      tpu.enqueue_dma source(%dma_start3A_309 : memref<128xi32, #tpu.memory_space<hbm>>) target(%arg11 : memref<128xi32, #tpu.memory_space<vmem>>) target_semaphore(%arg22 : memref<!tpu.dma_semaphore, #tpu.memory_space<semaphore_mem>>)
      %dma_wait3A_310 = arith.constant 0 : i32
      %dma_wait3A_311 = tpu.memref_slice %arg16[%dma_wait3A_310] : memref<10240xf32, #tpu.memory_space<vmem_shared>> -> memref<10240xf32, #tpu.memory_space<vmem_shared>>
      tpu.wait_indirect_dma semaphore(%arg31 : memref<!tpu.dma_semaphore, #tpu.memory_space<semaphore_mem>>) src(%arg14 : memref<128xf32, #tpu.memory_space<vmem>>) dst(%dma_wait3A_311 : memref<10240xf32, #tpu.memory_space<vmem_shared>>)
      %add3A_312 = arith.constant 8 : i32
      %add3A_313 = arith.addi %mul3A_115, %add3A_312 : i32
      %add3A_314 = arith.constant 6 : i32
      %add3A_315 = arith.addi %add3A_313, %add3A_314 : i32
      %mul3A_316 = arith.constant 2 : i32
      %mul3A_317 = arith.muli %mul3A_316, %add3A_315 : i32
      %add3A_318 = arith.constant 1 : i32
      %add3A_319 = arith.addi %mul3A_317, %add3A_318 : i32
      %mul3A_320 = arith.constant 128 : i32
      %mul3A_321 = arith.muli %add3A_319, %mul3A_320 : i32
      %add3A_322 = arith.addi %mul3A_8, %mul3A_321 : i32
      %dma_start3A_323 = tpu.memref_slice %arg2[%add3A_322] : memref<655360xi32, #tpu.memory_space<hbm>> -> memref<128xi32, #tpu.memory_space<hbm>>
      %dma_start3A_324 = tpu.memref_slice %arg2[%add3A_322] : memref<655360xi32, #tpu.memory_space<hbm>> -> memref<128xi32, #tpu.memory_space<hbm>>
      tpu.enqueue_dma source(%dma_start3A_324 : memref<128xi32, #tpu.memory_space<hbm>>) target(%arg12 : memref<128xi32, #tpu.memory_space<vmem>>) target_semaphore(%arg23 : memref<!tpu.dma_semaphore, #tpu.memory_space<semaphore_mem>>)
      %dma_wait3A_325 = arith.constant 0 : i32
      %dma_wait3A_326 = tpu.memref_slice %arg16[%dma_wait3A_325] : memref<10240xf32, #tpu.memory_space<vmem_shared>> -> memref<10240xf32, #tpu.memory_space<vmem_shared>>
      tpu.wait_indirect_dma semaphore(%arg32 : memref<!tpu.dma_semaphore, #tpu.memory_space<semaphore_mem>>) src(%arg14 : memref<128xf32, #tpu.memory_space<vmem>>) dst(%dma_wait3A_326 : memref<10240xf32, #tpu.memory_space<vmem_shared>>)
      %add3A_327 = arith.constant 8 : i32
      %add3A_328 = arith.addi %mul3A_115, %add3A_327 : i32
      %add3A_329 = arith.constant 7 : i32
      %add3A_330 = arith.addi %add3A_328, %add3A_329 : i32
      %mul3A_331 = arith.constant 2 : i32
      %mul3A_332 = arith.muli %mul3A_331, %add3A_330 : i32
      %add3A_333 = arith.constant 1 : i32
      %add3A_334 = arith.addi %mul3A_332, %add3A_333 : i32
      %mul3A_335 = arith.constant 128 : i32
      %mul3A_336 = arith.muli %add3A_334, %mul3A_335 : i32
      %add3A_337 = arith.addi %mul3A_8, %mul3A_336 : i32
      %dma_start3A_338 = tpu.memref_slice %arg2[%add3A_337] : memref<655360xi32, #tpu.memory_space<hbm>> -> memref<128xi32, #tpu.memory_space<hbm>>
      %dma_start3A_339 = tpu.memref_slice %arg2[%add3A_337] : memref<655360xi32, #tpu.memory_space<hbm>> -> memref<128xi32, #tpu.memory_space<hbm>>
      tpu.enqueue_dma source(%dma_start3A_339 : memref<128xi32, #tpu.memory_space<hbm>>) target(%arg13 : memref<128xi32, #tpu.memory_space<vmem>>) target_semaphore(%arg24 : memref<!tpu.dma_semaphore, #tpu.memory_space<semaphore_mem>>)
    }
    %scan3A_44 = arith.constant 9 : i32
    %add3A_45 = arith.constant 18560 : i32
    %add3A_46 = arith.addi %mul3A_8, %add3A_45 : i32
    %dma_wait3A = tpu.memref_slice %arg2[%add3A_46] : memref<655360xi32, #tpu.memory_space<hbm>> -> memref<128xi32, #tpu.memory_space<hbm>>
    %dma_wait3A_47 = tpu.memref_slice %arg2[%add3A_46] : memref<655360xi32, #tpu.memory_space<hbm>> -> memref<128xi32, #tpu.memory_space<hbm>>
    tpu.wait_dma2 semaphore(%arg17 : memref<!tpu.dma_semaphore, #tpu.memory_space<semaphore_mem>>) src(%dma_wait3A_47 : memref<128xi32, #tpu.memory_space<hbm>>) dst(%arg6 : memref<128xi32, #tpu.memory_space<vmem>>)
    %dma_start3A_48 = arith.constant 0 : i32
    %dma_start3A_49 = tpu.memref_slice %arg16[%dma_start3A_48] : memref<10240xf32, #tpu.memory_space<vmem_shared>> -> memref<10240xf32, #tpu.memory_space<vmem_shared>>
    tpu.enqueue_indirect_dma source(%arg14 : memref<128xf32, #tpu.memory_space<vmem>>) target(%dma_start3A_49 : memref<10240xf32, #tpu.memory_space<vmem_shared>>) offsets(%arg6 : memref<128xi32, #tpu.memory_space<vmem>>) semaphore(%arg25 : memref<!tpu.dma_semaphore, #tpu.memory_space<semaphore_mem>>) {add = true}
    %add3A_50 = arith.constant 18816 : i32
    %add3A_51 = arith.addi %mul3A_8, %add3A_50 : i32
    %dma_wait3A_52 = tpu.memref_slice %arg2[%add3A_51] : memref<655360xi32, #tpu.memory_space<hbm>> -> memref<128xi32, #tpu.memory_space<hbm>>
    %dma_wait3A_53 = tpu.memref_slice %arg2[%add3A_51] : memref<655360xi32, #tpu.memory_space<hbm>> -> memref<128xi32, #tpu.memory_space<hbm>>
    tpu.wait_dma2 semaphore(%arg18 : memref<!tpu.dma_semaphore, #tpu.memory_space<semaphore_mem>>) src(%dma_wait3A_53 : memref<128xi32, #tpu.memory_space<hbm>>) dst(%arg7 : memref<128xi32, #tpu.memory_space<vmem>>)
    %dma_start3A_54 = arith.constant 0 : i32
    %dma_start3A_55 = tpu.memref_slice %arg16[%dma_start3A_54] : memref<10240xf32, #tpu.memory_space<vmem_shared>> -> memref<10240xf32, #tpu.memory_space<vmem_shared>>
    tpu.enqueue_indirect_dma source(%arg14 : memref<128xf32, #tpu.memory_space<vmem>>) target(%dma_start3A_55 : memref<10240xf32, #tpu.memory_space<vmem_shared>>) offsets(%arg7 : memref<128xi32, #tpu.memory_space<vmem>>) semaphore(%arg26 : memref<!tpu.dma_semaphore, #tpu.memory_space<semaphore_mem>>) {add = true}
    %add3A_56 = arith.constant 19072 : i32
    %add3A_57 = arith.addi %mul3A_8, %add3A_56 : i32
    %dma_wait3A_58 = tpu.memref_slice %arg2[%add3A_57] : memref<655360xi32, #tpu.memory_space<hbm>> -> memref<128xi32, #tpu.memory_space<hbm>>
    %dma_wait3A_59 = tpu.memref_slice %arg2[%add3A_57] : memref<655360xi32, #tpu.memory_space<hbm>> -> memref<128xi32, #tpu.memory_space<hbm>>
    tpu.wait_dma2 semaphore(%arg19 : memref<!tpu.dma_semaphore, #tpu.memory_space<semaphore_mem>>) src(%dma_wait3A_59 : memref<128xi32, #tpu.memory_space<hbm>>) dst(%arg8 : memref<128xi32, #tpu.memory_space<vmem>>)
    %dma_start3A_60 = arith.constant 0 : i32
    %dma_start3A_61 = tpu.memref_slice %arg16[%dma_start3A_60] : memref<10240xf32, #tpu.memory_space<vmem_shared>> -> memref<10240xf32, #tpu.memory_space<vmem_shared>>
    tpu.enqueue_indirect_dma source(%arg14 : memref<128xf32, #tpu.memory_space<vmem>>) target(%dma_start3A_61 : memref<10240xf32, #tpu.memory_space<vmem_shared>>) offsets(%arg8 : memref<128xi32, #tpu.memory_space<vmem>>) semaphore(%arg27 : memref<!tpu.dma_semaphore, #tpu.memory_space<semaphore_mem>>) {add = true}
    %add3A_62 = arith.constant 19328 : i32
    %add3A_63 = arith.addi %mul3A_8, %add3A_62 : i32
    %dma_wait3A_64 = tpu.memref_slice %arg2[%add3A_63] : memref<655360xi32, #tpu.memory_space<hbm>> -> memref<128xi32, #tpu.memory_space<hbm>>
    %dma_wait3A_65 = tpu.memref_slice %arg2[%add3A_63] : memref<655360xi32, #tpu.memory_space<hbm>> -> memref<128xi32, #tpu.memory_space<hbm>>
    tpu.wait_dma2 semaphore(%arg20 : memref<!tpu.dma_semaphore, #tpu.memory_space<semaphore_mem>>) src(%dma_wait3A_65 : memref<128xi32, #tpu.memory_space<hbm>>) dst(%arg9 : memref<128xi32, #tpu.memory_space<vmem>>)
    %dma_start3A_66 = arith.constant 0 : i32
    %dma_start3A_67 = tpu.memref_slice %arg16[%dma_start3A_66] : memref<10240xf32, #tpu.memory_space<vmem_shared>> -> memref<10240xf32, #tpu.memory_space<vmem_shared>>
    tpu.enqueue_indirect_dma source(%arg14 : memref<128xf32, #tpu.memory_space<vmem>>) target(%dma_start3A_67 : memref<10240xf32, #tpu.memory_space<vmem_shared>>) offsets(%arg9 : memref<128xi32, #tpu.memory_space<vmem>>) semaphore(%arg28 : memref<!tpu.dma_semaphore, #tpu.memory_space<semaphore_mem>>) {add = true}
    %add3A_68 = arith.constant 19584 : i32
    %add3A_69 = arith.addi %mul3A_8, %add3A_68 : i32
    %dma_wait3A_70 = tpu.memref_slice %arg2[%add3A_69] : memref<655360xi32, #tpu.memory_space<hbm>> -> memref<128xi32, #tpu.memory_space<hbm>>
    %dma_wait3A_71 = tpu.memref_slice %arg2[%add3A_69] : memref<655360xi32, #tpu.memory_space<hbm>> -> memref<128xi32, #tpu.memory_space<hbm>>
    tpu.wait_dma2 semaphore(%arg21 : memref<!tpu.dma_semaphore, #tpu.memory_space<semaphore_mem>>) src(%dma_wait3A_71 : memref<128xi32, #tpu.memory_space<hbm>>) dst(%arg10 : memref<128xi32, #tpu.memory_space<vmem>>)
    %dma_start3A_72 = arith.constant 0 : i32
    %dma_start3A_73 = tpu.memref_slice %arg16[%dma_start3A_72] : memref<10240xf32, #tpu.memory_space<vmem_shared>> -> memref<10240xf32, #tpu.memory_space<vmem_shared>>
    tpu.enqueue_indirect_dma source(%arg14 : memref<128xf32, #tpu.memory_space<vmem>>) target(%dma_start3A_73 : memref<10240xf32, #tpu.memory_space<vmem_shared>>) offsets(%arg10 : memref<128xi32, #tpu.memory_space<vmem>>) semaphore(%arg29 : memref<!tpu.dma_semaphore, #tpu.memory_space<semaphore_mem>>) {add = true}
    %add3A_74 = arith.constant 19840 : i32
    %add3A_75 = arith.addi %mul3A_8, %add3A_74 : i32
    %dma_wait3A_76 = tpu.memref_slice %arg2[%add3A_75] : memref<655360xi32, #tpu.memory_space<hbm>> -> memref<128xi32, #tpu.memory_space<hbm>>
    %dma_wait3A_77 = tpu.memref_slice %arg2[%add3A_75] : memref<655360xi32, #tpu.memory_space<hbm>> -> memref<128xi32, #tpu.memory_space<hbm>>
    tpu.wait_dma2 semaphore(%arg22 : memref<!tpu.dma_semaphore, #tpu.memory_space<semaphore_mem>>) src(%dma_wait3A_77 : memref<128xi32, #tpu.memory_space<hbm>>) dst(%arg11 : memref<128xi32, #tpu.memory_space<vmem>>)
    %dma_start3A_78 = arith.constant 0 : i32
    %dma_start3A_79 = tpu.memref_slice %arg16[%dma_start3A_78] : memref<10240xf32, #tpu.memory_space<vmem_shared>> -> memref<10240xf32, #tpu.memory_space<vmem_shared>>
    tpu.enqueue_indirect_dma source(%arg14 : memref<128xf32, #tpu.memory_space<vmem>>) target(%dma_start3A_79 : memref<10240xf32, #tpu.memory_space<vmem_shared>>) offsets(%arg11 : memref<128xi32, #tpu.memory_space<vmem>>) semaphore(%arg30 : memref<!tpu.dma_semaphore, #tpu.memory_space<semaphore_mem>>) {add = true}
    %add3A_80 = arith.constant 20096 : i32
    %add3A_81 = arith.addi %mul3A_8, %add3A_80 : i32
    %dma_wait3A_82 = tpu.memref_slice %arg2[%add3A_81] : memref<655360xi32, #tpu.memory_space<hbm>> -> memref<128xi32, #tpu.memory_space<hbm>>
    %dma_wait3A_83 = tpu.memref_slice %arg2[%add3A_81] : memref<655360xi32, #tpu.memory_space<hbm>> -> memref<128xi32, #tpu.memory_space<hbm>>
    tpu.wait_dma2 semaphore(%arg23 : memref<!tpu.dma_semaphore, #tpu.memory_space<semaphore_mem>>) src(%dma_wait3A_83 : memref<128xi32, #tpu.memory_space<hbm>>) dst(%arg12 : memref<128xi32, #tpu.memory_space<vmem>>)
    %dma_start3A_84 = arith.constant 0 : i32
    %dma_start3A_85 = tpu.memref_slice %arg16[%dma_start3A_84] : memref<10240xf32, #tpu.memory_space<vmem_shared>> -> memref<10240xf32, #tpu.memory_space<vmem_shared>>
    tpu.enqueue_indirect_dma source(%arg14 : memref<128xf32, #tpu.memory_space<vmem>>) target(%dma_start3A_85 : memref<10240xf32, #tpu.memory_space<vmem_shared>>) offsets(%arg12 : memref<128xi32, #tpu.memory_space<vmem>>) semaphore(%arg31 : memref<!tpu.dma_semaphore, #tpu.memory_space<semaphore_mem>>) {add = true}
    %add3A_86 = arith.constant 20352 : i32
    %add3A_87 = arith.addi %mul3A_8, %add3A_86 : i32
    %dma_wait3A_88 = tpu.memref_slice %arg2[%add3A_87] : memref<655360xi32, #tpu.memory_space<hbm>> -> memref<128xi32, #tpu.memory_space<hbm>>
    %dma_wait3A_89 = tpu.memref_slice %arg2[%add3A_87] : memref<655360xi32, #tpu.memory_space<hbm>> -> memref<128xi32, #tpu.memory_space<hbm>>
    tpu.wait_dma2 semaphore(%arg24 : memref<!tpu.dma_semaphore, #tpu.memory_space<semaphore_mem>>) src(%dma_wait3A_89 : memref<128xi32, #tpu.memory_space<hbm>>) dst(%arg13 : memref<128xi32, #tpu.memory_space<vmem>>)
    %dma_start3A_90 = arith.constant 0 : i32
    %dma_start3A_91 = tpu.memref_slice %arg16[%dma_start3A_90] : memref<10240xf32, #tpu.memory_space<vmem_shared>> -> memref<10240xf32, #tpu.memory_space<vmem_shared>>
    tpu.enqueue_indirect_dma source(%arg14 : memref<128xf32, #tpu.memory_space<vmem>>) target(%dma_start3A_91 : memref<10240xf32, #tpu.memory_space<vmem_shared>>) offsets(%arg13 : memref<128xi32, #tpu.memory_space<vmem>>) semaphore(%arg32 : memref<!tpu.dma_semaphore, #tpu.memory_space<semaphore_mem>>) {add = true}
    %dma_wait3A_92 = arith.constant 0 : i32
    %dma_wait3A_93 = tpu.memref_slice %arg16[%dma_wait3A_92] : memref<10240xf32, #tpu.memory_space<vmem_shared>> -> memref<10240xf32, #tpu.memory_space<vmem_shared>>
    tpu.wait_indirect_dma semaphore(%arg25 : memref<!tpu.dma_semaphore, #tpu.memory_space<semaphore_mem>>) src(%arg14 : memref<128xf32, #tpu.memory_space<vmem>>) dst(%dma_wait3A_93 : memref<10240xf32, #tpu.memory_space<vmem_shared>>)
    %dma_wait3A_94 = arith.constant 0 : i32
    %dma_wait3A_95 = tpu.memref_slice %arg16[%dma_wait3A_94] : memref<10240xf32, #tpu.memory_space<vmem_shared>> -> memref<10240xf32, #tpu.memory_space<vmem_shared>>
    tpu.wait_indirect_dma semaphore(%arg26 : memref<!tpu.dma_semaphore, #tpu.memory_space<semaphore_mem>>) src(%arg14 : memref<128xf32, #tpu.memory_space<vmem>>) dst(%dma_wait3A_95 : memref<10240xf32, #tpu.memory_space<vmem_shared>>)
    %dma_wait3A_96 = arith.constant 0 : i32
    %dma_wait3A_97 = tpu.memref_slice %arg16[%dma_wait3A_96] : memref<10240xf32, #tpu.memory_space<vmem_shared>> -> memref<10240xf32, #tpu.memory_space<vmem_shared>>
    tpu.wait_indirect_dma semaphore(%arg27 : memref<!tpu.dma_semaphore, #tpu.memory_space<semaphore_mem>>) src(%arg14 : memref<128xf32, #tpu.memory_space<vmem>>) dst(%dma_wait3A_97 : memref<10240xf32, #tpu.memory_space<vmem_shared>>)
    %dma_wait3A_98 = arith.constant 0 : i32
    %dma_wait3A_99 = tpu.memref_slice %arg16[%dma_wait3A_98] : memref<10240xf32, #tpu.memory_space<vmem_shared>> -> memref<10240xf32, #tpu.memory_space<vmem_shared>>
    tpu.wait_indirect_dma semaphore(%arg28 : memref<!tpu.dma_semaphore, #tpu.memory_space<semaphore_mem>>) src(%arg14 : memref<128xf32, #tpu.memory_space<vmem>>) dst(%dma_wait3A_99 : memref<10240xf32, #tpu.memory_space<vmem_shared>>)
    %dma_wait3A_100 = arith.constant 0 : i32
    %dma_wait3A_101 = tpu.memref_slice %arg16[%dma_wait3A_100] : memref<10240xf32, #tpu.memory_space<vmem_shared>> -> memref<10240xf32, #tpu.memory_space<vmem_shared>>
    tpu.wait_indirect_dma semaphore(%arg29 : memref<!tpu.dma_semaphore, #tpu.memory_space<semaphore_mem>>) src(%arg14 : memref<128xf32, #tpu.memory_space<vmem>>) dst(%dma_wait3A_101 : memref<10240xf32, #tpu.memory_space<vmem_shared>>)
    %dma_wait3A_102 = arith.constant 0 : i32
    %dma_wait3A_103 = tpu.memref_slice %arg16[%dma_wait3A_102] : memref<10240xf32, #tpu.memory_space<vmem_shared>> -> memref<10240xf32, #tpu.memory_space<vmem_shared>>
    tpu.wait_indirect_dma semaphore(%arg30 : memref<!tpu.dma_semaphore, #tpu.memory_space<semaphore_mem>>) src(%arg14 : memref<128xf32, #tpu.memory_space<vmem>>) dst(%dma_wait3A_103 : memref<10240xf32, #tpu.memory_space<vmem_shared>>)
    %dma_wait3A_104 = arith.constant 0 : i32
    %dma_wait3A_105 = tpu.memref_slice %arg16[%dma_wait3A_104] : memref<10240xf32, #tpu.memory_space<vmem_shared>> -> memref<10240xf32, #tpu.memory_space<vmem_shared>>
    tpu.wait_indirect_dma semaphore(%arg31 : memref<!tpu.dma_semaphore, #tpu.memory_space<semaphore_mem>>) src(%arg14 : memref<128xf32, #tpu.memory_space<vmem>>) dst(%dma_wait3A_105 : memref<10240xf32, #tpu.memory_space<vmem_shared>>)
    %dma_wait3A_106 = arith.constant 0 : i32
    %dma_wait3A_107 = tpu.memref_slice %arg16[%dma_wait3A_106] : memref<10240xf32, #tpu.memory_space<vmem_shared>> -> memref<10240xf32, #tpu.memory_space<vmem_shared>>
    tpu.wait_indirect_dma semaphore(%arg32 : memref<!tpu.dma_semaphore, #tpu.memory_space<semaphore_mem>>) src(%arg14 : memref<128xf32, #tpu.memory_space<vmem>>) dst(%dma_wait3A_107 : memref<10240xf32, #tpu.memory_space<vmem_shared>>)
    %barrier3A_108 = arith.constant 0 : index
    tpu.barrier barrier_id(%barrier3A_108)
    %mul3A_109 = arith.constant 640 : i32
    %mul3A_110 = arith.muli %arg1, %mul3A_109 : i32
    "tpu.region"() ({
      %run_scoped3A = tpu.sem_alloc : memref<!tpu.dma_semaphore, #tpu.memory_space<semaphore_mem>>
      %dma_start3A_113 = tpu.memref_slice %arg16[%mul3A_110] : memref<10240xf32, #tpu.memory_space<vmem_shared>> -> memref<640xf32, #tpu.memory_space<vmem_shared>>
      %dma_start3A_114 = tpu.memref_slice %arg16[%mul3A_110] : memref<10240xf32, #tpu.memory_space<vmem_shared>> -> memref<640xf32, #tpu.memory_space<vmem_shared>>
      tpu.enqueue_dma source(%dma_start3A_114 : memref<640xf32, #tpu.memory_space<vmem_shared>>) target(%arg15 : memref<640xf32, #tpu.memory_space<vmem>>) target_semaphore(%run_scoped3A : memref<!tpu.dma_semaphore, #tpu.memory_space<semaphore_mem>>)
      %dma_wait3A_115 = tpu.memref_slice %arg16[%mul3A_110] : memref<10240xf32, #tpu.memory_space<vmem_shared>> -> memref<640xf32, #tpu.memory_space<vmem_shared>>
      %dma_wait3A_116 = tpu.memref_slice %arg16[%mul3A_110] : memref<10240xf32, #tpu.memory_space<vmem_shared>> -> memref<640xf32, #tpu.memory_space<vmem_shared>>
      tpu.wait_dma2 semaphore(%run_scoped3A : memref<!tpu.dma_semaphore, #tpu.memory_space<semaphore_mem>>) src(%dma_wait3A_116 : memref<640xf32, #tpu.memory_space<vmem_shared>>) dst(%arg15 : memref<640xf32, #tpu.memory_space<vmem>>)
      tpu.yield
    }) : () -> ()
    %mul3A_111 = arith.constant 640 : i32
    %mul3A_112 = arith.muli %arg1, %mul3A_111 : i32
    "tpu.region"() ({
      %run_scoped3A = tpu.sem_alloc : memref<!tpu.dma_semaphore, #tpu.memory_space<semaphore_mem>>
      %dma_start3A_113 = tpu.memref_slice %arg5[%arg0, %mul3A_112] : memref<2x10240xf32, #tpu.memory_space<hbm>> -> memref<1x640xf32, #tpu.memory_space<hbm>>
      %dma_start3A_114 = tpu.memref_squeeze %dma_start3A_113 : memref<1x640xf32, #tpu.memory_space<hbm>> -> memref<640xf32, #tpu.memory_space<hbm>>
      %dma_start3A_115 = tpu.memref_slice %arg5[%arg0, %mul3A_112] : memref<2x10240xf32, #tpu.memory_space<hbm>> -> memref<1x640xf32, #tpu.memory_space<hbm>>
      %dma_start3A_116 = tpu.memref_squeeze %dma_start3A_115 : memref<1x640xf32, #tpu.memory_space<hbm>> -> memref<640xf32, #tpu.memory_space<hbm>>
      tpu.enqueue_dma source(%arg15 : memref<640xf32, #tpu.memory_space<vmem>>) target(%dma_start3A_116 : memref<640xf32, #tpu.memory_space<hbm>>) target_semaphore(%run_scoped3A : memref<!tpu.dma_semaphore, #tpu.memory_space<semaphore_mem>>)
      %dma_wait3A_117 = tpu.memref_slice %arg5[%arg0, %mul3A_112] : memref<2x10240xf32, #tpu.memory_space<hbm>> -> memref<1x640xf32, #tpu.memory_space<hbm>>
      %dma_wait3A_118 = tpu.memref_squeeze %dma_wait3A_117 : memref<1x640xf32, #tpu.memory_space<hbm>> -> memref<640xf32, #tpu.memory_space<hbm>>
      %dma_wait3A_119 = tpu.memref_slice %arg5[%arg0, %mul3A_112] : memref<2x10240xf32, #tpu.memory_space<hbm>> -> memref<1x640xf32, #tpu.memory_space<hbm>>
      %dma_wait3A_120 = tpu.memref_squeeze %dma_wait3A_119 : memref<1x640xf32, #tpu.memory_space<hbm>> -> memref<640xf32, #tpu.memory_space<hbm>>
      tpu.wait_dma2 semaphore(%run_scoped3A : memref<!tpu.dma_semaphore, #tpu.memory_space<semaphore_mem>>) src(%arg15 : memref<640xf32, #tpu.memory_space<vmem>>) dst(%dma_wait3A_120 : memref<640xf32, #tpu.memory_space<hbm>>)
      tpu.yield
    }) : () -> ()
    return
  }
}

#map = affine_map<(d0, d1) -> (0, 0)>
#map1 = affine_map<(d0, d1) -> (0)>
#map2 = affine_map<(d0, d1) -> (0, 0, 0)>
module attributes {stable_mosaic.version = 14 : i64} {
  func.func @_edge_body(%arg0: i32, %arg1: i32, %arg2: memref<10240x128xf32, #tpu.memory_space<hbm>>, %arg3: memref<655360xi32, #tpu.memory_space<hbm>>, %arg4: memref<655360xi32, #tpu.memory_space<hbm>>, %arg5: memref<64x128xf32, #tpu.memory_space<hbm>>, %arg6: memref<2x10240x128xf32, #tpu.memory_space<hbm>>, %arg7: memref<128xi32, #tpu.memory_space<vmem>>, %arg8: memref<128xi32, #tpu.memory_space<vmem>>, %arg9: memref<128xi32, #tpu.memory_space<vmem>>, %arg10: memref<128xi32, #tpu.memory_space<vmem>>, %arg11: memref<128x128xf32, #tpu.memory_space<vmem>>, %arg12: memref<128x128xf32, #tpu.memory_space<vmem>>, %arg13: memref<64x128xf32, #tpu.memory_space<vmem>>, %arg14: memref<10240x128xf32, #tpu.memory_space<vmem_shared>>, %arg15: memref<!tpu.dma_semaphore, #tpu.memory_space<semaphore_mem>>, %arg16: memref<!tpu.dma_semaphore, #tpu.memory_space<semaphore_mem>>, %arg17: memref<!tpu.dma_semaphore, #tpu.memory_space<semaphore_mem>>, %arg18: memref<!tpu.dma_semaphore, #tpu.memory_space<semaphore_mem>>, %arg19: memref<!tpu.dma_semaphore, #tpu.memory_space<semaphore_mem>>, %arg20: memref<!tpu.dma_semaphore, #tpu.memory_space<semaphore_mem>>) attributes {dimension_semantics = [#tpu.dimension_semantics<core_parallel>, #tpu.dimension_semantics<subcore_parallel>], iteration_bounds = array<i64: 2, 16>, scalar_prefetch = 0 : i64, scratch_operands = 14 : i64, tpu.core_type = #tpu.core_type<sc_vector_subcore>, window_params = [{transform_indices = #map}, {transform_indices = #map1}, {transform_indices = #map1}, {transform_indices = #map}, {transform_indices = #map2}]} {
    %mul3A = arith.constant 16 : i32
    %mul3A_0 = arith.muli %arg0, %mul3A : i32
    %add3A = arith.addi %mul3A_0, %arg1 : i32
    "tpu.region"() ({
      %run_scoped3A = tpu.sem_alloc : memref<!tpu.dma_semaphore, #tpu.memory_space<semaphore_mem>>
      tpu.enqueue_dma source(%arg5 : memref<64x128xf32, #tpu.memory_space<hbm>>) target(%arg13 : memref<64x128xf32, #tpu.memory_space<vmem>>) target_semaphore(%run_scoped3A : memref<!tpu.dma_semaphore, #tpu.memory_space<semaphore_mem>>)
      tpu.wait_dma2 semaphore(%run_scoped3A : memref<!tpu.dma_semaphore, #tpu.memory_space<semaphore_mem>>) src(%arg5 : memref<64x128xf32, #tpu.memory_space<hbm>>) dst(%arg13 : memref<64x128xf32, #tpu.memory_space<vmem>>)
      tpu.yield
    }) : () -> ()
    %mul3A_1 = arith.constant 640 : i32
    %mul3A_2 = arith.muli %arg1, %mul3A_1 : i32
    %add3A_3 = arith.constant 0 : i32
    %add3A_4 = arith.addi %mul3A_2, %add3A_3 : i32
    %dma_start3A = arith.constant 0 : i32
    %dma_start3A_5 = tpu.memref_slice %arg14[%add3A_4, %dma_start3A] : memref<10240x128xf32, #tpu.memory_space<vmem_shared>> -> memref<64x128xf32, #tpu.memory_space<vmem_shared>>
    %dma_start3A_6 = arith.constant 0 : i32
    %dma_start3A_7 = tpu.memref_slice %arg14[%add3A_4, %dma_start3A_6] : memref<10240x128xf32, #tpu.memory_space<vmem_shared>> -> memref<64x128xf32, #tpu.memory_space<vmem_shared>>
    tpu.enqueue_dma source(%arg13 : memref<64x128xf32, #tpu.memory_space<vmem>>) target(%dma_start3A_7 : memref<64x128xf32, #tpu.memory_space<vmem_shared>>) target_semaphore(%arg19 : memref<!tpu.dma_semaphore, #tpu.memory_space<semaphore_mem>>)
    %mul3A_8 = arith.constant 640 : i32
    %mul3A_9 = arith.muli %arg1, %mul3A_8 : i32
    %add3A_10 = arith.constant 64 : i32
    %add3A_11 = arith.addi %mul3A_9, %add3A_10 : i32
    %dma_start3A_12 = arith.constant 0 : i32
    %dma_start3A_13 = tpu.memref_slice %arg14[%add3A_11, %dma_start3A_12] : memref<10240x128xf32, #tpu.memory_space<vmem_shared>> -> memref<64x128xf32, #tpu.memory_space<vmem_shared>>
    %dma_start3A_14 = arith.constant 0 : i32
    %dma_start3A_15 = tpu.memref_slice %arg14[%add3A_11, %dma_start3A_14] : memref<10240x128xf32, #tpu.memory_space<vmem_shared>> -> memref<64x128xf32, #tpu.memory_space<vmem_shared>>
    tpu.enqueue_dma source(%arg13 : memref<64x128xf32, #tpu.memory_space<vmem>>) target(%dma_start3A_15 : memref<64x128xf32, #tpu.memory_space<vmem_shared>>) target_semaphore(%arg19 : memref<!tpu.dma_semaphore, #tpu.memory_space<semaphore_mem>>)
    %mul3A_16 = arith.constant 640 : i32
    %mul3A_17 = arith.muli %arg1, %mul3A_16 : i32
    %add3A_18 = arith.constant 128 : i32
    %add3A_19 = arith.addi %mul3A_17, %add3A_18 : i32
    %dma_start3A_20 = arith.constant 0 : i32
    %dma_start3A_21 = tpu.memref_slice %arg14[%add3A_19, %dma_start3A_20] : memref<10240x128xf32, #tpu.memory_space<vmem_shared>> -> memref<64x128xf32, #tpu.memory_space<vmem_shared>>
    %dma_start3A_22 = arith.constant 0 : i32
    %dma_start3A_23 = tpu.memref_slice %arg14[%add3A_19, %dma_start3A_22] : memref<10240x128xf32, #tpu.memory_space<vmem_shared>> -> memref<64x128xf32, #tpu.memory_space<vmem_shared>>
    tpu.enqueue_dma source(%arg13 : memref<64x128xf32, #tpu.memory_space<vmem>>) target(%dma_start3A_23 : memref<64x128xf32, #tpu.memory_space<vmem_shared>>) target_semaphore(%arg19 : memref<!tpu.dma_semaphore, #tpu.memory_space<semaphore_mem>>)
    %mul3A_24 = arith.constant 640 : i32
    %mul3A_25 = arith.muli %arg1, %mul3A_24 : i32
    %add3A_26 = arith.constant 192 : i32
    %add3A_27 = arith.addi %mul3A_25, %add3A_26 : i32
    %dma_start3A_28 = arith.constant 0 : i32
    %dma_start3A_29 = tpu.memref_slice %arg14[%add3A_27, %dma_start3A_28] : memref<10240x128xf32, #tpu.memory_space<vmem_shared>> -> memref<64x128xf32, #tpu.memory_space<vmem_shared>>
    %dma_start3A_30 = arith.constant 0 : i32
    %dma_start3A_31 = tpu.memref_slice %arg14[%add3A_27, %dma_start3A_30] : memref<10240x128xf32, #tpu.memory_space<vmem_shared>> -> memref<64x128xf32, #tpu.memory_space<vmem_shared>>
    tpu.enqueue_dma source(%arg13 : memref<64x128xf32, #tpu.memory_space<vmem>>) target(%dma_start3A_31 : memref<64x128xf32, #tpu.memory_space<vmem_shared>>) target_semaphore(%arg19 : memref<!tpu.dma_semaphore, #tpu.memory_space<semaphore_mem>>)
    %mul3A_32 = arith.constant 640 : i32
    %mul3A_33 = arith.muli %arg1, %mul3A_32 : i32
    %add3A_34 = arith.constant 256 : i32
    %add3A_35 = arith.addi %mul3A_33, %add3A_34 : i32
    %dma_start3A_36 = arith.constant 0 : i32
    %dma_start3A_37 = tpu.memref_slice %arg14[%add3A_35, %dma_start3A_36] : memref<10240x128xf32, #tpu.memory_space<vmem_shared>> -> memref<64x128xf32, #tpu.memory_space<vmem_shared>>
    %dma_start3A_38 = arith.constant 0 : i32
    %dma_start3A_39 = tpu.memref_slice %arg14[%add3A_35, %dma_start3A_38] : memref<10240x128xf32, #tpu.memory_space<vmem_shared>> -> memref<64x128xf32, #tpu.memory_space<vmem_shared>>
    tpu.enqueue_dma source(%arg13 : memref<64x128xf32, #tpu.memory_space<vmem>>) target(%dma_start3A_39 : memref<64x128xf32, #tpu.memory_space<vmem_shared>>) target_semaphore(%arg19 : memref<!tpu.dma_semaphore, #tpu.memory_space<semaphore_mem>>)
    %mul3A_40 = arith.constant 640 : i32
    %mul3A_41 = arith.muli %arg1, %mul3A_40 : i32
    %add3A_42 = arith.constant 320 : i32
    %add3A_43 = arith.addi %mul3A_41, %add3A_42 : i32
    %dma_start3A_44 = arith.constant 0 : i32
    %dma_start3A_45 = tpu.memref_slice %arg14[%add3A_43, %dma_start3A_44] : memref<10240x128xf32, #tpu.memory_space<vmem_shared>> -> memref<64x128xf32, #tpu.memory_space<vmem_shared>>
    %dma_start3A_46 = arith.constant 0 : i32
    %dma_start3A_47 = tpu.memref_slice %arg14[%add3A_43, %dma_start3A_46] : memref<10240x128xf32, #tpu.memory_space<vmem_shared>> -> memref<64x128xf32, #tpu.memory_space<vmem_shared>>
    tpu.enqueue_dma source(%arg13 : memref<64x128xf32, #tpu.memory_space<vmem>>) target(%dma_start3A_47 : memref<64x128xf32, #tpu.memory_space<vmem_shared>>) target_semaphore(%arg19 : memref<!tpu.dma_semaphore, #tpu.memory_space<semaphore_mem>>)
    %mul3A_48 = arith.constant 640 : i32
    %mul3A_49 = arith.muli %arg1, %mul3A_48 : i32
    %add3A_50 = arith.constant 384 : i32
    %add3A_51 = arith.addi %mul3A_49, %add3A_50 : i32
    %dma_start3A_52 = arith.constant 0 : i32
    %dma_start3A_53 = tpu.memref_slice %arg14[%add3A_51, %dma_start3A_52] : memref<10240x128xf32, #tpu.memory_space<vmem_shared>> -> memref<64x128xf32, #tpu.memory_space<vmem_shared>>
    %dma_start3A_54 = arith.constant 0 : i32
    %dma_start3A_55 = tpu.memref_slice %arg14[%add3A_51, %dma_start3A_54] : memref<10240x128xf32, #tpu.memory_space<vmem_shared>> -> memref<64x128xf32, #tpu.memory_space<vmem_shared>>
    tpu.enqueue_dma source(%arg13 : memref<64x128xf32, #tpu.memory_space<vmem>>) target(%dma_start3A_55 : memref<64x128xf32, #tpu.memory_space<vmem_shared>>) target_semaphore(%arg19 : memref<!tpu.dma_semaphore, #tpu.memory_space<semaphore_mem>>)
    %mul3A_56 = arith.constant 640 : i32
    %mul3A_57 = arith.muli %arg1, %mul3A_56 : i32
    %add3A_58 = arith.constant 448 : i32
    %add3A_59 = arith.addi %mul3A_57, %add3A_58 : i32
    %dma_start3A_60 = arith.constant 0 : i32
    %dma_start3A_61 = tpu.memref_slice %arg14[%add3A_59, %dma_start3A_60] : memref<10240x128xf32, #tpu.memory_space<vmem_shared>> -> memref<64x128xf32, #tpu.memory_space<vmem_shared>>
    %dma_start3A_62 = arith.constant 0 : i32
    %dma_start3A_63 = tpu.memref_slice %arg14[%add3A_59, %dma_start3A_62] : memref<10240x128xf32, #tpu.memory_space<vmem_shared>> -> memref<64x128xf32, #tpu.memory_space<vmem_shared>>
    tpu.enqueue_dma source(%arg13 : memref<64x128xf32, #tpu.memory_space<vmem>>) target(%dma_start3A_63 : memref<64x128xf32, #tpu.memory_space<vmem_shared>>) target_semaphore(%arg19 : memref<!tpu.dma_semaphore, #tpu.memory_space<semaphore_mem>>)
    %mul3A_64 = arith.constant 640 : i32
    %mul3A_65 = arith.muli %arg1, %mul3A_64 : i32
    %add3A_66 = arith.constant 512 : i32
    %add3A_67 = arith.addi %mul3A_65, %add3A_66 : i32
    %dma_start3A_68 = arith.constant 0 : i32
    %dma_start3A_69 = tpu.memref_slice %arg14[%add3A_67, %dma_start3A_68] : memref<10240x128xf32, #tpu.memory_space<vmem_shared>> -> memref<64x128xf32, #tpu.memory_space<vmem_shared>>
    %dma_start3A_70 = arith.constant 0 : i32
    %dma_start3A_71 = tpu.memref_slice %arg14[%add3A_67, %dma_start3A_70] : memref<10240x128xf32, #tpu.memory_space<vmem_shared>> -> memref<64x128xf32, #tpu.memory_space<vmem_shared>>
    tpu.enqueue_dma source(%arg13 : memref<64x128xf32, #tpu.memory_space<vmem>>) target(%dma_start3A_71 : memref<64x128xf32, #tpu.memory_space<vmem_shared>>) target_semaphore(%arg19 : memref<!tpu.dma_semaphore, #tpu.memory_space<semaphore_mem>>)
    %mul3A_72 = arith.constant 640 : i32
    %mul3A_73 = arith.muli %arg1, %mul3A_72 : i32
    %add3A_74 = arith.constant 576 : i32
    %add3A_75 = arith.addi %mul3A_73, %add3A_74 : i32
    %dma_start3A_76 = arith.constant 0 : i32
    %dma_start3A_77 = tpu.memref_slice %arg14[%add3A_75, %dma_start3A_76] : memref<10240x128xf32, #tpu.memory_space<vmem_shared>> -> memref<64x128xf32, #tpu.memory_space<vmem_shared>>
    %dma_start3A_78 = arith.constant 0 : i32
    %dma_start3A_79 = tpu.memref_slice %arg14[%add3A_75, %dma_start3A_78] : memref<10240x128xf32, #tpu.memory_space<vmem_shared>> -> memref<64x128xf32, #tpu.memory_space<vmem_shared>>
    tpu.enqueue_dma source(%arg13 : memref<64x128xf32, #tpu.memory_space<vmem>>) target(%dma_start3A_79 : memref<64x128xf32, #tpu.memory_space<vmem_shared>>) target_semaphore(%arg19 : memref<!tpu.dma_semaphore, #tpu.memory_space<semaphore_mem>>)
    %mul3A_80 = arith.constant 640 : i32
    %mul3A_81 = arith.muli %arg1, %mul3A_80 : i32
    %add3A_82 = arith.constant 0 : i32
    %add3A_83 = arith.addi %mul3A_81, %add3A_82 : i32
    %dma_wait3A = arith.constant 0 : i32
    %dma_wait3A_84 = tpu.memref_slice %arg14[%add3A_83, %dma_wait3A] : memref<10240x128xf32, #tpu.memory_space<vmem_shared>> -> memref<64x128xf32, #tpu.memory_space<vmem_shared>>
    %dma_wait3A_85 = arith.constant 0 : i32
    %dma_wait3A_86 = tpu.memref_slice %arg14[%add3A_83, %dma_wait3A_85] : memref<10240x128xf32, #tpu.memory_space<vmem_shared>> -> memref<64x128xf32, #tpu.memory_space<vmem_shared>>
    tpu.wait_dma2 semaphore(%arg19 : memref<!tpu.dma_semaphore, #tpu.memory_space<semaphore_mem>>) src(%arg13 : memref<64x128xf32, #tpu.memory_space<vmem>>) dst(%dma_wait3A_86 : memref<64x128xf32, #tpu.memory_space<vmem_shared>>)
    %mul3A_87 = arith.constant 640 : i32
    %mul3A_88 = arith.muli %arg1, %mul3A_87 : i32
    %add3A_89 = arith.constant 64 : i32
    %add3A_90 = arith.addi %mul3A_88, %add3A_89 : i32
    %dma_wait3A_91 = arith.constant 0 : i32
    %dma_wait3A_92 = tpu.memref_slice %arg14[%add3A_90, %dma_wait3A_91] : memref<10240x128xf32, #tpu.memory_space<vmem_shared>> -> memref<64x128xf32, #tpu.memory_space<vmem_shared>>
    %dma_wait3A_93 = arith.constant 0 : i32
    %dma_wait3A_94 = tpu.memref_slice %arg14[%add3A_90, %dma_wait3A_93] : memref<10240x128xf32, #tpu.memory_space<vmem_shared>> -> memref<64x128xf32, #tpu.memory_space<vmem_shared>>
    tpu.wait_dma2 semaphore(%arg19 : memref<!tpu.dma_semaphore, #tpu.memory_space<semaphore_mem>>) src(%arg13 : memref<64x128xf32, #tpu.memory_space<vmem>>) dst(%dma_wait3A_94 : memref<64x128xf32, #tpu.memory_space<vmem_shared>>)
    %mul3A_95 = arith.constant 640 : i32
    %mul3A_96 = arith.muli %arg1, %mul3A_95 : i32
    %add3A_97 = arith.constant 128 : i32
    %add3A_98 = arith.addi %mul3A_96, %add3A_97 : i32
    %dma_wait3A_99 = arith.constant 0 : i32
    %dma_wait3A_100 = tpu.memref_slice %arg14[%add3A_98, %dma_wait3A_99] : memref<10240x128xf32, #tpu.memory_space<vmem_shared>> -> memref<64x128xf32, #tpu.memory_space<vmem_shared>>
    %dma_wait3A_101 = arith.constant 0 : i32
    %dma_wait3A_102 = tpu.memref_slice %arg14[%add3A_98, %dma_wait3A_101] : memref<10240x128xf32, #tpu.memory_space<vmem_shared>> -> memref<64x128xf32, #tpu.memory_space<vmem_shared>>
    tpu.wait_dma2 semaphore(%arg19 : memref<!tpu.dma_semaphore, #tpu.memory_space<semaphore_mem>>) src(%arg13 : memref<64x128xf32, #tpu.memory_space<vmem>>) dst(%dma_wait3A_102 : memref<64x128xf32, #tpu.memory_space<vmem_shared>>)
    %mul3A_103 = arith.constant 640 : i32
    %mul3A_104 = arith.muli %arg1, %mul3A_103 : i32
    %add3A_105 = arith.constant 192 : i32
    %add3A_106 = arith.addi %mul3A_104, %add3A_105 : i32
    %dma_wait3A_107 = arith.constant 0 : i32
    %dma_wait3A_108 = tpu.memref_slice %arg14[%add3A_106, %dma_wait3A_107] : memref<10240x128xf32, #tpu.memory_space<vmem_shared>> -> memref<64x128xf32, #tpu.memory_space<vmem_shared>>
    %dma_wait3A_109 = arith.constant 0 : i32
    %dma_wait3A_110 = tpu.memref_slice %arg14[%add3A_106, %dma_wait3A_109] : memref<10240x128xf32, #tpu.memory_space<vmem_shared>> -> memref<64x128xf32, #tpu.memory_space<vmem_shared>>
    tpu.wait_dma2 semaphore(%arg19 : memref<!tpu.dma_semaphore, #tpu.memory_space<semaphore_mem>>) src(%arg13 : memref<64x128xf32, #tpu.memory_space<vmem>>) dst(%dma_wait3A_110 : memref<64x128xf32, #tpu.memory_space<vmem_shared>>)
    %mul3A_111 = arith.constant 640 : i32
    %mul3A_112 = arith.muli %arg1, %mul3A_111 : i32
    %add3A_113 = arith.constant 256 : i32
    %add3A_114 = arith.addi %mul3A_112, %add3A_113 : i32
    %dma_wait3A_115 = arith.constant 0 : i32
    %dma_wait3A_116 = tpu.memref_slice %arg14[%add3A_114, %dma_wait3A_115] : memref<10240x128xf32, #tpu.memory_space<vmem_shared>> -> memref<64x128xf32, #tpu.memory_space<vmem_shared>>
    %dma_wait3A_117 = arith.constant 0 : i32
    %dma_wait3A_118 = tpu.memref_slice %arg14[%add3A_114, %dma_wait3A_117] : memref<10240x128xf32, #tpu.memory_space<vmem_shared>> -> memref<64x128xf32, #tpu.memory_space<vmem_shared>>
    tpu.wait_dma2 semaphore(%arg19 : memref<!tpu.dma_semaphore, #tpu.memory_space<semaphore_mem>>) src(%arg13 : memref<64x128xf32, #tpu.memory_space<vmem>>) dst(%dma_wait3A_118 : memref<64x128xf32, #tpu.memory_space<vmem_shared>>)
    %mul3A_119 = arith.constant 640 : i32
    %mul3A_120 = arith.muli %arg1, %mul3A_119 : i32
    %add3A_121 = arith.constant 320 : i32
    %add3A_122 = arith.addi %mul3A_120, %add3A_121 : i32
    %dma_wait3A_123 = arith.constant 0 : i32
    %dma_wait3A_124 = tpu.memref_slice %arg14[%add3A_122, %dma_wait3A_123] : memref<10240x128xf32, #tpu.memory_space<vmem_shared>> -> memref<64x128xf32, #tpu.memory_space<vmem_shared>>
    %dma_wait3A_125 = arith.constant 0 : i32
    %dma_wait3A_126 = tpu.memref_slice %arg14[%add3A_122, %dma_wait3A_125] : memref<10240x128xf32, #tpu.memory_space<vmem_shared>> -> memref<64x128xf32, #tpu.memory_space<vmem_shared>>
    tpu.wait_dma2 semaphore(%arg19 : memref<!tpu.dma_semaphore, #tpu.memory_space<semaphore_mem>>) src(%arg13 : memref<64x128xf32, #tpu.memory_space<vmem>>) dst(%dma_wait3A_126 : memref<64x128xf32, #tpu.memory_space<vmem_shared>>)
    %mul3A_127 = arith.constant 640 : i32
    %mul3A_128 = arith.muli %arg1, %mul3A_127 : i32
    %add3A_129 = arith.constant 384 : i32
    %add3A_130 = arith.addi %mul3A_128, %add3A_129 : i32
    %dma_wait3A_131 = arith.constant 0 : i32
    %dma_wait3A_132 = tpu.memref_slice %arg14[%add3A_130, %dma_wait3A_131] : memref<10240x128xf32, #tpu.memory_space<vmem_shared>> -> memref<64x128xf32, #tpu.memory_space<vmem_shared>>
    %dma_wait3A_133 = arith.constant 0 : i32
    %dma_wait3A_134 = tpu.memref_slice %arg14[%add3A_130, %dma_wait3A_133] : memref<10240x128xf32, #tpu.memory_space<vmem_shared>> -> memref<64x128xf32, #tpu.memory_space<vmem_shared>>
    tpu.wait_dma2 semaphore(%arg19 : memref<!tpu.dma_semaphore, #tpu.memory_space<semaphore_mem>>) src(%arg13 : memref<64x128xf32, #tpu.memory_space<vmem>>) dst(%dma_wait3A_134 : memref<64x128xf32, #tpu.memory_space<vmem_shared>>)
    %mul3A_135 = arith.constant 640 : i32
    %mul3A_136 = arith.muli %arg1, %mul3A_135 : i32
    %add3A_137 = arith.constant 448 : i32
    %add3A_138 = arith.addi %mul3A_136, %add3A_137 : i32
    %dma_wait3A_139 = arith.constant 0 : i32
    %dma_wait3A_140 = tpu.memref_slice %arg14[%add3A_138, %dma_wait3A_139] : memref<10240x128xf32, #tpu.memory_space<vmem_shared>> -> memref<64x128xf32, #tpu.memory_space<vmem_shared>>
    %dma_wait3A_141 = arith.constant 0 : i32
    %dma_wait3A_142 = tpu.memref_slice %arg14[%add3A_138, %dma_wait3A_141] : memref<10240x128xf32, #tpu.memory_space<vmem_shared>> -> memref<64x128xf32, #tpu.memory_space<vmem_shared>>
    tpu.wait_dma2 semaphore(%arg19 : memref<!tpu.dma_semaphore, #tpu.memory_space<semaphore_mem>>) src(%arg13 : memref<64x128xf32, #tpu.memory_space<vmem>>) dst(%dma_wait3A_142 : memref<64x128xf32, #tpu.memory_space<vmem_shared>>)
    %mul3A_143 = arith.constant 640 : i32
    %mul3A_144 = arith.muli %arg1, %mul3A_143 : i32
    %add3A_145 = arith.constant 512 : i32
    %add3A_146 = arith.addi %mul3A_144, %add3A_145 : i32
    %dma_wait3A_147 = arith.constant 0 : i32
    %dma_wait3A_148 = tpu.memref_slice %arg14[%add3A_146, %dma_wait3A_147] : memref<10240x128xf32, #tpu.memory_space<vmem_shared>> -> memref<64x128xf32, #tpu.memory_space<vmem_shared>>
    %dma_wait3A_149 = arith.constant 0 : i32
    %dma_wait3A_150 = tpu.memref_slice %arg14[%add3A_146, %dma_wait3A_149] : memref<10240x128xf32, #tpu.memory_space<vmem_shared>> -> memref<64x128xf32, #tpu.memory_space<vmem_shared>>
    tpu.wait_dma2 semaphore(%arg19 : memref<!tpu.dma_semaphore, #tpu.memory_space<semaphore_mem>>) src(%arg13 : memref<64x128xf32, #tpu.memory_space<vmem>>) dst(%dma_wait3A_150 : memref<64x128xf32, #tpu.memory_space<vmem_shared>>)
    %mul3A_151 = arith.constant 640 : i32
    %mul3A_152 = arith.muli %arg1, %mul3A_151 : i32
    %add3A_153 = arith.constant 576 : i32
    %add3A_154 = arith.addi %mul3A_152, %add3A_153 : i32
    %dma_wait3A_155 = arith.constant 0 : i32
    %dma_wait3A_156 = tpu.memref_slice %arg14[%add3A_154, %dma_wait3A_155] : memref<10240x128xf32, #tpu.memory_space<vmem_shared>> -> memref<64x128xf32, #tpu.memory_space<vmem_shared>>
    %dma_wait3A_157 = arith.constant 0 : i32
    %dma_wait3A_158 = tpu.memref_slice %arg14[%add3A_154, %dma_wait3A_157] : memref<10240x128xf32, #tpu.memory_space<vmem_shared>> -> memref<64x128xf32, #tpu.memory_space<vmem_shared>>
    tpu.wait_dma2 semaphore(%arg19 : memref<!tpu.dma_semaphore, #tpu.memory_space<semaphore_mem>>) src(%arg13 : memref<64x128xf32, #tpu.memory_space<vmem>>) dst(%dma_wait3A_158 : memref<64x128xf32, #tpu.memory_space<vmem_shared>>)
    %barrier3A = arith.constant 0 : index
    tpu.barrier barrier_id(%barrier3A)
    %mul3A_159 = arith.constant 80 : i32
    %mul3A_160 = arith.muli %add3A, %mul3A_159 : i32
    %mul3A_161 = arith.constant 2 : i32
    %mul3A_162 = arith.muli %mul3A_160, %mul3A_161 : i32
    %mul3A_163 = arith.constant 128 : i32
    %mul3A_164 = arith.muli %mul3A_162, %mul3A_163 : i32
    %add3A_165 = arith.constant 0 : i32
    %add3A_166 = arith.addi %mul3A_164, %add3A_165 : i32
    %dma_start3A_167 = tpu.memref_slice %arg3[%add3A_166] : memref<655360xi32, #tpu.memory_space<hbm>> -> memref<128xi32, #tpu.memory_space<hbm>>
    %dma_start3A_168 = tpu.memref_slice %arg3[%add3A_166] : memref<655360xi32, #tpu.memory_space<hbm>> -> memref<128xi32, #tpu.memory_space<hbm>>
    tpu.enqueue_dma source(%dma_start3A_168 : memref<128xi32, #tpu.memory_space<hbm>>) target(%arg7 : memref<128xi32, #tpu.memory_space<vmem>>) target_semaphore(%arg15 : memref<!tpu.dma_semaphore, #tpu.memory_space<semaphore_mem>>)
    %add3A_169 = arith.constant 128 : i32
    %add3A_170 = arith.addi %mul3A_164, %add3A_169 : i32
    %dma_start3A_171 = tpu.memref_slice %arg4[%add3A_170] : memref<655360xi32, #tpu.memory_space<hbm>> -> memref<128xi32, #tpu.memory_space<hbm>>
    %dma_start3A_172 = tpu.memref_slice %arg4[%add3A_170] : memref<655360xi32, #tpu.memory_space<hbm>> -> memref<128xi32, #tpu.memory_space<hbm>>
    tpu.enqueue_dma source(%dma_start3A_172 : memref<128xi32, #tpu.memory_space<hbm>>) target(%arg9 : memref<128xi32, #tpu.memory_space<vmem>>) target_semaphore(%arg17 : memref<!tpu.dma_semaphore, #tpu.memory_space<semaphore_mem>>)
    %add3A_173 = arith.constant 256 : i32
    %add3A_174 = arith.addi %mul3A_164, %add3A_173 : i32
    %dma_start3A_175 = tpu.memref_slice %arg3[%add3A_174] : memref<655360xi32, #tpu.memory_space<hbm>> -> memref<128xi32, #tpu.memory_space<hbm>>
    %dma_start3A_176 = tpu.memref_slice %arg3[%add3A_174] : memref<655360xi32, #tpu.memory_space<hbm>> -> memref<128xi32, #tpu.memory_space<hbm>>
    tpu.enqueue_dma source(%dma_start3A_176 : memref<128xi32, #tpu.memory_space<hbm>>) target(%arg8 : memref<128xi32, #tpu.memory_space<vmem>>) target_semaphore(%arg16 : memref<!tpu.dma_semaphore, #tpu.memory_space<semaphore_mem>>)
    %add3A_177 = arith.constant 384 : i32
    %add3A_178 = arith.addi %mul3A_164, %add3A_177 : i32
    %dma_start3A_179 = tpu.memref_slice %arg4[%add3A_178] : memref<655360xi32, #tpu.memory_space<hbm>> -> memref<128xi32, #tpu.memory_space<hbm>>
    %dma_start3A_180 = tpu.memref_slice %arg4[%add3A_178] : memref<655360xi32, #tpu.memory_space<hbm>> -> memref<128xi32, #tpu.memory_space<hbm>>
    tpu.enqueue_dma source(%dma_start3A_180 : memref<128xi32, #tpu.memory_space<hbm>>) target(%arg10 : memref<128xi32, #tpu.memory_space<vmem>>) target_semaphore(%arg18 : memref<!tpu.dma_semaphore, #tpu.memory_space<semaphore_mem>>)
    %add3A_181 = arith.constant 0 : i32
    %add3A_182 = arith.addi %mul3A_164, %add3A_181 : i32
    %dma_wait3A_183 = tpu.memref_slice %arg3[%add3A_182] : memref<655360xi32, #tpu.memory_space<hbm>> -> memref<128xi32, #tpu.memory_space<hbm>>
    %dma_wait3A_184 = tpu.memref_slice %arg3[%add3A_182] : memref<655360xi32, #tpu.memory_space<hbm>> -> memref<128xi32, #tpu.memory_space<hbm>>
    tpu.wait_dma2 semaphore(%arg15 : memref<!tpu.dma_semaphore, #tpu.memory_space<semaphore_mem>>) src(%dma_wait3A_184 : memref<128xi32, #tpu.memory_space<hbm>>) dst(%arg7 : memref<128xi32, #tpu.memory_space<vmem>>)
    %dma_start3A_185 = arith.constant 0 : i32
    %dma_start3A_186 = arith.constant 0 : i32
    %dma_start3A_187 = tpu.memref_slice %arg2[%dma_start3A_185, %dma_start3A_186] : memref<10240x128xf32, #tpu.memory_space<hbm>> -> memref<10240x128xf32, #tpu.memory_space<hbm>>
    tpu.enqueue_indirect_dma source(%dma_start3A_187 : memref<10240x128xf32, #tpu.memory_space<hbm>>) target(%arg11 : memref<128x128xf32, #tpu.memory_space<vmem>>) offsets(%arg7 : memref<128xi32, #tpu.memory_space<vmem>>) semaphore(%arg19 : memref<!tpu.dma_semaphore, #tpu.memory_space<semaphore_mem>>)
    %scan3A = arith.constant 0 : i32
    %scan3A_188 = arith.constant 0 : i32
    %scan3A_189 = arith.constant 39 : i32
    %scan3A_190 = arith.addi %scan3A_188, %scan3A_189 : i32
    %scan3A_191 = arith.constant 1 : i32
    scf.for %scan3A_515 = %scan3A_188 to %scan3A_190 step %scan3A_191  : i32 {
      %mul3A_516 = arith.constant 2 : i32
      %mul3A_517 = arith.muli %mul3A_516, %scan3A_515 : i32
      %mul3A_518 = arith.constant 2 : i32
      %mul3A_519 = arith.muli %mul3A_518, %scan3A_515 : i32
      %add3A_520 = arith.constant 1 : i32
      %add3A_521 = arith.addi %mul3A_519, %add3A_520 : i32
      %mul3A_522 = arith.constant 2 : i32
      %mul3A_523 = arith.muli %mul3A_522, %add3A_521 : i32
      %mul3A_524 = arith.constant 128 : i32
      %mul3A_525 = arith.muli %mul3A_523, %mul3A_524 : i32
      %add3A_526 = arith.addi %mul3A_164, %mul3A_525 : i32
      %dma_wait3A_527 = tpu.memref_slice %arg3[%add3A_526] : memref<655360xi32, #tpu.memory_space<hbm>> -> memref<128xi32, #tpu.memory_space<hbm>>
      %dma_wait3A_528 = tpu.memref_slice %arg3[%add3A_526] : memref<655360xi32, #tpu.memory_space<hbm>> -> memref<128xi32, #tpu.memory_space<hbm>>
      tpu.wait_dma2 semaphore(%arg16 : memref<!tpu.dma_semaphore, #tpu.memory_space<semaphore_mem>>) src(%dma_wait3A_528 : memref<128xi32, #tpu.memory_space<hbm>>) dst(%arg8 : memref<128xi32, #tpu.memory_space<vmem>>)
      %dma_start3A_529 = arith.constant 0 : i32
      %dma_start3A_530 = arith.constant 0 : i32
      %dma_start3A_531 = tpu.memref_slice %arg2[%dma_start3A_529, %dma_start3A_530] : memref<10240x128xf32, #tpu.memory_space<hbm>> -> memref<10240x128xf32, #tpu.memory_space<hbm>>
      tpu.enqueue_indirect_dma source(%dma_start3A_531 : memref<10240x128xf32, #tpu.memory_space<hbm>>) target(%arg12 : memref<128x128xf32, #tpu.memory_space<vmem>>) offsets(%arg8 : memref<128xi32, #tpu.memory_space<vmem>>) semaphore(%arg20 : memref<!tpu.dma_semaphore, #tpu.memory_space<semaphore_mem>>)
      %dma_wait3A_532 = arith.constant 0 : i32
      %dma_wait3A_533 = arith.constant 0 : i32
      %dma_wait3A_534 = tpu.memref_slice %arg2[%dma_wait3A_532, %dma_wait3A_533] : memref<10240x128xf32, #tpu.memory_space<hbm>> -> memref<10240x128xf32, #tpu.memory_space<hbm>>
      tpu.wait_indirect_dma semaphore(%arg19 : memref<!tpu.dma_semaphore, #tpu.memory_space<semaphore_mem>>) src(%dma_wait3A_534 : memref<10240x128xf32, #tpu.memory_space<hbm>>) dst(%arg11 : memref<128x128xf32, #tpu.memory_space<vmem>>)
      %add3A_535 = arith.constant 2 : i32
      %add3A_536 = arith.addi %mul3A_517, %add3A_535 : i32
      %mul3A_537 = arith.constant 2 : i32
      %mul3A_538 = arith.muli %mul3A_537, %add3A_536 : i32
      %mul3A_539 = arith.constant 128 : i32
      %mul3A_540 = arith.muli %mul3A_538, %mul3A_539 : i32
      %add3A_541 = arith.addi %mul3A_164, %mul3A_540 : i32
      %dma_start3A_542 = tpu.memref_slice %arg3[%add3A_541] : memref<655360xi32, #tpu.memory_space<hbm>> -> memref<128xi32, #tpu.memory_space<hbm>>
      %dma_start3A_543 = tpu.memref_slice %arg3[%add3A_541] : memref<655360xi32, #tpu.memory_space<hbm>> -> memref<128xi32, #tpu.memory_space<hbm>>
      tpu.enqueue_dma source(%dma_start3A_543 : memref<128xi32, #tpu.memory_space<hbm>>) target(%arg7 : memref<128xi32, #tpu.memory_space<vmem>>) target_semaphore(%arg15 : memref<!tpu.dma_semaphore, #tpu.memory_space<semaphore_mem>>)
      %mul3A_544 = arith.constant 2 : i32
      %mul3A_545 = arith.muli %mul3A_544, %mul3A_517 : i32
      %add3A_546 = arith.constant 1 : i32
      %add3A_547 = arith.addi %mul3A_545, %add3A_546 : i32
      %mul3A_548 = arith.constant 128 : i32
      %mul3A_549 = arith.muli %add3A_547, %mul3A_548 : i32
      %add3A_550 = arith.addi %mul3A_164, %mul3A_549 : i32
      %dma_wait3A_551 = tpu.memref_slice %arg4[%add3A_550] : memref<655360xi32, #tpu.memory_space<hbm>> -> memref<128xi32, #tpu.memory_space<hbm>>
      %dma_wait3A_552 = tpu.memref_slice %arg4[%add3A_550] : memref<655360xi32, #tpu.memory_space<hbm>> -> memref<128xi32, #tpu.memory_space<hbm>>
      tpu.wait_dma2 semaphore(%arg17 : memref<!tpu.dma_semaphore, #tpu.memory_space<semaphore_mem>>) src(%dma_wait3A_552 : memref<128xi32, #tpu.memory_space<hbm>>) dst(%arg9 : memref<128xi32, #tpu.memory_space<vmem>>)
      "tpu.region"() ({
        %run_scoped3A = tpu.sem_alloc : memref<!tpu.dma_semaphore, #tpu.memory_space<semaphore_mem>>
        %dma_start3A_608 = arith.constant 0 : i32
        %dma_start3A_609 = arith.constant 0 : i32
        %dma_start3A_610 = tpu.memref_slice %arg14[%dma_start3A_608, %dma_start3A_609] : memref<10240x128xf32, #tpu.memory_space<vmem_shared>> -> memref<10240x128xf32, #tpu.memory_space<vmem_shared>>
        tpu.enqueue_indirect_dma source(%arg11 : memref<128x128xf32, #tpu.memory_space<vmem>>) target(%dma_start3A_610 : memref<10240x128xf32, #tpu.memory_space<vmem_shared>>) offsets(%arg9 : memref<128xi32, #tpu.memory_space<vmem>>) semaphore(%run_scoped3A : memref<!tpu.dma_semaphore, #tpu.memory_space<semaphore_mem>>) {add = true}
        %dma_wait3A_611 = arith.constant 0 : i32
        %dma_wait3A_612 = arith.constant 0 : i32
        %dma_wait3A_613 = tpu.memref_slice %arg14[%dma_wait3A_611, %dma_wait3A_612] : memref<10240x128xf32, #tpu.memory_space<vmem_shared>> -> memref<10240x128xf32, #tpu.memory_space<vmem_shared>>
        tpu.wait_indirect_dma semaphore(%run_scoped3A : memref<!tpu.dma_semaphore, #tpu.memory_space<semaphore_mem>>) src(%arg11 : memref<128x128xf32, #tpu.memory_space<vmem>>) dst(%dma_wait3A_613 : memref<10240x128xf32, #tpu.memory_space<vmem_shared>>)
        tpu.yield
      }) : () -> ()
      %add3A_553 = arith.constant 2 : i32
      %add3A_554 = arith.addi %mul3A_517, %add3A_553 : i32
      %mul3A_555 = arith.constant 2 : i32
      %mul3A_556 = arith.muli %mul3A_555, %add3A_554 : i32
      %add3A_557 = arith.constant 1 : i32
      %add3A_558 = arith.addi %mul3A_556, %add3A_557 : i32
      %mul3A_559 = arith.constant 128 : i32
      %mul3A_560 = arith.muli %add3A_558, %mul3A_559 : i32
      %add3A_561 = arith.addi %mul3A_164, %mul3A_560 : i32
      %dma_start3A_562 = tpu.memref_slice %arg4[%add3A_561] : memref<655360xi32, #tpu.memory_space<hbm>> -> memref<128xi32, #tpu.memory_space<hbm>>
      %dma_start3A_563 = tpu.memref_slice %arg4[%add3A_561] : memref<655360xi32, #tpu.memory_space<hbm>> -> memref<128xi32, #tpu.memory_space<hbm>>
      tpu.enqueue_dma source(%dma_start3A_563 : memref<128xi32, #tpu.memory_space<hbm>>) target(%arg9 : memref<128xi32, #tpu.memory_space<vmem>>) target_semaphore(%arg17 : memref<!tpu.dma_semaphore, #tpu.memory_space<semaphore_mem>>)
      %add3A_564 = arith.constant 2 : i32
      %add3A_565 = arith.addi %mul3A_517, %add3A_564 : i32
      %mul3A_566 = arith.constant 2 : i32
      %mul3A_567 = arith.muli %mul3A_566, %add3A_565 : i32
      %mul3A_568 = arith.constant 128 : i32
      %mul3A_569 = arith.muli %mul3A_567, %mul3A_568 : i32
      %add3A_570 = arith.addi %mul3A_164, %mul3A_569 : i32
      %dma_wait3A_571 = tpu.memref_slice %arg3[%add3A_570] : memref<655360xi32, #tpu.memory_space<hbm>> -> memref<128xi32, #tpu.memory_space<hbm>>
      %dma_wait3A_572 = tpu.memref_slice %arg3[%add3A_570] : memref<655360xi32, #tpu.memory_space<hbm>> -> memref<128xi32, #tpu.memory_space<hbm>>
      tpu.wait_dma2 semaphore(%arg15 : memref<!tpu.dma_semaphore, #tpu.memory_space<semaphore_mem>>) src(%dma_wait3A_572 : memref<128xi32, #tpu.memory_space<hbm>>) dst(%arg7 : memref<128xi32, #tpu.memory_space<vmem>>)
      %dma_start3A_573 = arith.constant 0 : i32
      %dma_start3A_574 = arith.constant 0 : i32
      %dma_start3A_575 = tpu.memref_slice %arg2[%dma_start3A_573, %dma_start3A_574] : memref<10240x128xf32, #tpu.memory_space<hbm>> -> memref<10240x128xf32, #tpu.memory_space<hbm>>
      tpu.enqueue_indirect_dma source(%dma_start3A_575 : memref<10240x128xf32, #tpu.memory_space<hbm>>) target(%arg11 : memref<128x128xf32, #tpu.memory_space<vmem>>) offsets(%arg7 : memref<128xi32, #tpu.memory_space<vmem>>) semaphore(%arg19 : memref<!tpu.dma_semaphore, #tpu.memory_space<semaphore_mem>>)
      %dma_wait3A_576 = arith.constant 0 : i32
      %dma_wait3A_577 = arith.constant 0 : i32
      %dma_wait3A_578 = tpu.memref_slice %arg2[%dma_wait3A_576, %dma_wait3A_577] : memref<10240x128xf32, #tpu.memory_space<hbm>> -> memref<10240x128xf32, #tpu.memory_space<hbm>>
      tpu.wait_indirect_dma semaphore(%arg20 : memref<!tpu.dma_semaphore, #tpu.memory_space<semaphore_mem>>) src(%dma_wait3A_578 : memref<10240x128xf32, #tpu.memory_space<hbm>>) dst(%arg12 : memref<128x128xf32, #tpu.memory_space<vmem>>)
      %add3A_579 = arith.constant 2 : i32
      %add3A_580 = arith.addi %add3A_521, %add3A_579 : i32
      %mul3A_581 = arith.constant 2 : i32
      %mul3A_582 = arith.muli %mul3A_581, %add3A_580 : i32
      %mul3A_583 = arith.constant 128 : i32
      %mul3A_584 = arith.muli %mul3A_582, %mul3A_583 : i32
      %add3A_585 = arith.addi %mul3A_164, %mul3A_584 : i32
      %dma_start3A_586 = tpu.memref_slice %arg3[%add3A_585] : memref<655360xi32, #tpu.memory_space<hbm>> -> memref<128xi32, #tpu.memory_space<hbm>>
      %dma_start3A_587 = tpu.memref_slice %arg3[%add3A_585] : memref<655360xi32, #tpu.memory_space<hbm>> -> memref<128xi32, #tpu.memory_space<hbm>>
      tpu.enqueue_dma source(%dma_start3A_587 : memref<128xi32, #tpu.memory_space<hbm>>) target(%arg8 : memref<128xi32, #tpu.memory_space<vmem>>) target_semaphore(%arg16 : memref<!tpu.dma_semaphore, #tpu.memory_space<semaphore_mem>>)
      %mul3A_588 = arith.constant 2 : i32
      %mul3A_589 = arith.muli %mul3A_588, %add3A_521 : i32
      %add3A_590 = arith.constant 1 : i32
      %add3A_591 = arith.addi %mul3A_589, %add3A_590 : i32
      %mul3A_592 = arith.constant 128 : i32
      %mul3A_593 = arith.muli %add3A_591, %mul3A_592 : i32
      %add3A_594 = arith.addi %mul3A_164, %mul3A_593 : i32
      %dma_wait3A_595 = tpu.memref_slice %arg4[%add3A_594] : memref<655360xi32, #tpu.memory_space<hbm>> -> memref<128xi32, #tpu.memory_space<hbm>>
      %dma_wait3A_596 = tpu.memref_slice %arg4[%add3A_594] : memref<655360xi32, #tpu.memory_space<hbm>> -> memref<128xi32, #tpu.memory_space<hbm>>
      tpu.wait_dma2 semaphore(%arg18 : memref<!tpu.dma_semaphore, #tpu.memory_space<semaphore_mem>>) src(%dma_wait3A_596 : memref<128xi32, #tpu.memory_space<hbm>>) dst(%arg10 : memref<128xi32, #tpu.memory_space<vmem>>)
      "tpu.region"() ({
        %run_scoped3A = tpu.sem_alloc : memref<!tpu.dma_semaphore, #tpu.memory_space<semaphore_mem>>
        %dma_start3A_608 = arith.constant 0 : i32
        %dma_start3A_609 = arith.constant 0 : i32
        %dma_start3A_610 = tpu.memref_slice %arg14[%dma_start3A_608, %dma_start3A_609] : memref<10240x128xf32, #tpu.memory_space<vmem_shared>> -> memref<10240x128xf32, #tpu.memory_space<vmem_shared>>
        tpu.enqueue_indirect_dma source(%arg12 : memref<128x128xf32, #tpu.memory_space<vmem>>) target(%dma_start3A_610 : memref<10240x128xf32, #tpu.memory_space<vmem_shared>>) offsets(%arg10 : memref<128xi32, #tpu.memory_space<vmem>>) semaphore(%run_scoped3A : memref<!tpu.dma_semaphore, #tpu.memory_space<semaphore_mem>>) {add = true}
        %dma_wait3A_611 = arith.constant 0 : i32
        %dma_wait3A_612 = arith.constant 0 : i32
        %dma_wait3A_613 = tpu.memref_slice %arg14[%dma_wait3A_611, %dma_wait3A_612] : memref<10240x128xf32, #tpu.memory_space<vmem_shared>> -> memref<10240x128xf32, #tpu.memory_space<vmem_shared>>
        tpu.wait_indirect_dma semaphore(%run_scoped3A : memref<!tpu.dma_semaphore, #tpu.memory_space<semaphore_mem>>) src(%arg12 : memref<128x128xf32, #tpu.memory_space<vmem>>) dst(%dma_wait3A_613 : memref<10240x128xf32, #tpu.memory_space<vmem_shared>>)
        tpu.yield
      }) : () -> ()
      %add3A_597 = arith.constant 2 : i32
      %add3A_598 = arith.addi %add3A_521, %add3A_597 : i32
      %mul3A_599 = arith.constant 2 : i32
      %mul3A_600 = arith.muli %mul3A_599, %add3A_598 : i32
      %add3A_601 = arith.constant 1 : i32
      %add3A_602 = arith.addi %mul3A_600, %add3A_601 : i32
      %mul3A_603 = arith.constant 128 : i32
      %mul3A_604 = arith.muli %add3A_602, %mul3A_603 : i32
      %add3A_605 = arith.addi %mul3A_164, %mul3A_604 : i32
      %dma_start3A_606 = tpu.memref_slice %arg4[%add3A_605] : memref<655360xi32, #tpu.memory_space<hbm>> -> memref<128xi32, #tpu.memory_space<hbm>>
      %dma_start3A_607 = tpu.memref_slice %arg4[%add3A_605] : memref<655360xi32, #tpu.memory_space<hbm>> -> memref<128xi32, #tpu.memory_space<hbm>>
      tpu.enqueue_dma source(%dma_start3A_607 : memref<128xi32, #tpu.memory_space<hbm>>) target(%arg10 : memref<128xi32, #tpu.memory_space<vmem>>) target_semaphore(%arg18 : memref<!tpu.dma_semaphore, #tpu.memory_space<semaphore_mem>>)
    }
    %scan3A_192 = arith.constant 39 : i32
    %add3A_193 = arith.constant 20224 : i32
    %add3A_194 = arith.addi %mul3A_164, %add3A_193 : i32
    %dma_wait3A_195 = tpu.memref_slice %arg3[%add3A_194] : memref<655360xi32, #tpu.memory_space<hbm>> -> memref<128xi32, #tpu.memory_space<hbm>>
    %dma_wait3A_196 = tpu.memref_slice %arg3[%add3A_194] : memref<655360xi32, #tpu.memory_space<hbm>> -> memref<128xi32, #tpu.memory_space<hbm>>
    tpu.wait_dma2 semaphore(%arg16 : memref<!tpu.dma_semaphore, #tpu.memory_space<semaphore_mem>>) src(%dma_wait3A_196 : memref<128xi32, #tpu.memory_space<hbm>>) dst(%arg8 : memref<128xi32, #tpu.memory_space<vmem>>)
    %dma_start3A_197 = arith.constant 0 : i32
    %dma_start3A_198 = arith.constant 0 : i32
    %dma_start3A_199 = tpu.memref_slice %arg2[%dma_start3A_197, %dma_start3A_198] : memref<10240x128xf32, #tpu.memory_space<hbm>> -> memref<10240x128xf32, #tpu.memory_space<hbm>>
    tpu.enqueue_indirect_dma source(%dma_start3A_199 : memref<10240x128xf32, #tpu.memory_space<hbm>>) target(%arg12 : memref<128x128xf32, #tpu.memory_space<vmem>>) offsets(%arg8 : memref<128xi32, #tpu.memory_space<vmem>>) semaphore(%arg20 : memref<!tpu.dma_semaphore, #tpu.memory_space<semaphore_mem>>)
    %dma_wait3A_200 = arith.constant 0 : i32
    %dma_wait3A_201 = arith.constant 0 : i32
    %dma_wait3A_202 = tpu.memref_slice %arg2[%dma_wait3A_200, %dma_wait3A_201] : memref<10240x128xf32, #tpu.memory_space<hbm>> -> memref<10240x128xf32, #tpu.memory_space<hbm>>
    tpu.wait_indirect_dma semaphore(%arg19 : memref<!tpu.dma_semaphore, #tpu.memory_space<semaphore_mem>>) src(%dma_wait3A_202 : memref<10240x128xf32, #tpu.memory_space<hbm>>) dst(%arg11 : memref<128x128xf32, #tpu.memory_space<vmem>>)
    %add3A_203 = arith.constant 20096 : i32
    %add3A_204 = arith.addi %mul3A_164, %add3A_203 : i32
    %dma_wait3A_205 = tpu.memref_slice %arg4[%add3A_204] : memref<655360xi32, #tpu.memory_space<hbm>> -> memref<128xi32, #tpu.memory_space<hbm>>
    %dma_wait3A_206 = tpu.memref_slice %arg4[%add3A_204] : memref<655360xi32, #tpu.memory_space<hbm>> -> memref<128xi32, #tpu.memory_space<hbm>>
    tpu.wait_dma2 semaphore(%arg17 : memref<!tpu.dma_semaphore, #tpu.memory_space<semaphore_mem>>) src(%dma_wait3A_206 : memref<128xi32, #tpu.memory_space<hbm>>) dst(%arg9 : memref<128xi32, #tpu.memory_space<vmem>>)
    "tpu.region"() ({
      %run_scoped3A = tpu.sem_alloc : memref<!tpu.dma_semaphore, #tpu.memory_space<semaphore_mem>>
      %dma_start3A_515 = arith.constant 0 : i32
      %dma_start3A_516 = arith.constant 0 : i32
      %dma_start3A_517 = tpu.memref_slice %arg14[%dma_start3A_515, %dma_start3A_516] : memref<10240x128xf32, #tpu.memory_space<vmem_shared>> -> memref<10240x128xf32, #tpu.memory_space<vmem_shared>>
      tpu.enqueue_indirect_dma source(%arg11 : memref<128x128xf32, #tpu.memory_space<vmem>>) target(%dma_start3A_517 : memref<10240x128xf32, #tpu.memory_space<vmem_shared>>) offsets(%arg9 : memref<128xi32, #tpu.memory_space<vmem>>) semaphore(%run_scoped3A : memref<!tpu.dma_semaphore, #tpu.memory_space<semaphore_mem>>) {add = true}
      %dma_wait3A_518 = arith.constant 0 : i32
      %dma_wait3A_519 = arith.constant 0 : i32
      %dma_wait3A_520 = tpu.memref_slice %arg14[%dma_wait3A_518, %dma_wait3A_519] : memref<10240x128xf32, #tpu.memory_space<vmem_shared>> -> memref<10240x128xf32, #tpu.memory_space<vmem_shared>>
      tpu.wait_indirect_dma semaphore(%run_scoped3A : memref<!tpu.dma_semaphore, #tpu.memory_space<semaphore_mem>>) src(%arg11 : memref<128x128xf32, #tpu.memory_space<vmem>>) dst(%dma_wait3A_520 : memref<10240x128xf32, #tpu.memory_space<vmem_shared>>)
      tpu.yield
    }) : () -> ()
    %dma_wait3A_207 = arith.constant 0 : i32
    %dma_wait3A_208 = arith.constant 0 : i32
    %dma_wait3A_209 = tpu.memref_slice %arg2[%dma_wait3A_207, %dma_wait3A_208] : memref<10240x128xf32, #tpu.memory_space<hbm>> -> memref<10240x128xf32, #tpu.memory_space<hbm>>
    tpu.wait_indirect_dma semaphore(%arg20 : memref<!tpu.dma_semaphore, #tpu.memory_space<semaphore_mem>>) src(%dma_wait3A_209 : memref<10240x128xf32, #tpu.memory_space<hbm>>) dst(%arg12 : memref<128x128xf32, #tpu.memory_space<vmem>>)
    %add3A_210 = arith.constant 20352 : i32
    %add3A_211 = arith.addi %mul3A_164, %add3A_210 : i32
    %dma_wait3A_212 = tpu.memref_slice %arg4[%add3A_211] : memref<655360xi32, #tpu.memory_space<hbm>> -> memref<128xi32, #tpu.memory_space<hbm>>
    %dma_wait3A_213 = tpu.memref_slice %arg4[%add3A_211] : memref<655360xi32, #tpu.memory_space<hbm>> -> memref<128xi32, #tpu.memory_space<hbm>>
    tpu.wait_dma2 semaphore(%arg18 : memref<!tpu.dma_semaphore, #tpu.memory_space<semaphore_mem>>) src(%dma_wait3A_213 : memref<128xi32, #tpu.memory_space<hbm>>) dst(%arg10 : memref<128xi32, #tpu.memory_space<vmem>>)
    "tpu.region"() ({
      %run_scoped3A = tpu.sem_alloc : memref<!tpu.dma_semaphore, #tpu.memory_space<semaphore_mem>>
      %dma_start3A_515 = arith.constant 0 : i32
      %dma_start3A_516 = arith.constant 0 : i32
      %dma_start3A_517 = tpu.memref_slice %arg14[%dma_start3A_515, %dma_start3A_516] : memref<10240x128xf32, #tpu.memory_space<vmem_shared>> -> memref<10240x128xf32, #tpu.memory_space<vmem_shared>>
      tpu.enqueue_indirect_dma source(%arg12 : memref<128x128xf32, #tpu.memory_space<vmem>>) target(%dma_start3A_517 : memref<10240x128xf32, #tpu.memory_space<vmem_shared>>) offsets(%arg10 : memref<128xi32, #tpu.memory_space<vmem>>) semaphore(%run_scoped3A : memref<!tpu.dma_semaphore, #tpu.memory_space<semaphore_mem>>) {add = true}
      %dma_wait3A_518 = arith.constant 0 : i32
      %dma_wait3A_519 = arith.constant 0 : i32
      %dma_wait3A_520 = tpu.memref_slice %arg14[%dma_wait3A_518, %dma_wait3A_519] : memref<10240x128xf32, #tpu.memory_space<vmem_shared>> -> memref<10240x128xf32, #tpu.memory_space<vmem_shared>>
      tpu.wait_indirect_dma semaphore(%run_scoped3A : memref<!tpu.dma_semaphore, #tpu.memory_space<semaphore_mem>>) src(%arg12 : memref<128x128xf32, #tpu.memory_space<vmem>>) dst(%dma_wait3A_520 : memref<10240x128xf32, #tpu.memory_space<vmem_shared>>)
      tpu.yield
    }) : () -> ()
    %barrier3A_214 = arith.constant 0 : index
    tpu.barrier barrier_id(%barrier3A_214)
    %mul3A_215 = arith.constant 640 : i32
    %mul3A_216 = arith.muli %arg1, %mul3A_215 : i32
    %add3A_217 = arith.constant 0 : i32
    %add3A_218 = arith.addi %mul3A_216, %add3A_217 : i32
    "tpu.region"() ({
      %run_scoped3A = tpu.sem_alloc : memref<!tpu.dma_semaphore, #tpu.memory_space<semaphore_mem>>
      %dma_start3A_515 = arith.constant 0 : i32
      %dma_start3A_516 = tpu.memref_slice %arg14[%add3A_218, %dma_start3A_515] : memref<10240x128xf32, #tpu.memory_space<vmem_shared>> -> memref<64x128xf32, #tpu.memory_space<vmem_shared>>
      %dma_start3A_517 = arith.constant 0 : i32
      %dma_start3A_518 = tpu.memref_slice %arg14[%add3A_218, %dma_start3A_517] : memref<10240x128xf32, #tpu.memory_space<vmem_shared>> -> memref<64x128xf32, #tpu.memory_space<vmem_shared>>
      tpu.enqueue_dma source(%dma_start3A_518 : memref<64x128xf32, #tpu.memory_space<vmem_shared>>) target(%arg13 : memref<64x128xf32, #tpu.memory_space<vmem>>) target_semaphore(%run_scoped3A : memref<!tpu.dma_semaphore, #tpu.memory_space<semaphore_mem>>)
      %dma_wait3A_519 = arith.constant 0 : i32
      %dma_wait3A_520 = tpu.memref_slice %arg14[%add3A_218, %dma_wait3A_519] : memref<10240x128xf32, #tpu.memory_space<vmem_shared>> -> memref<64x128xf32, #tpu.memory_space<vmem_shared>>
      %dma_wait3A_521 = arith.constant 0 : i32
      %dma_wait3A_522 = tpu.memref_slice %arg14[%add3A_218, %dma_wait3A_521] : memref<10240x128xf32, #tpu.memory_space<vmem_shared>> -> memref<64x128xf32, #tpu.memory_space<vmem_shared>>
      tpu.wait_dma2 semaphore(%run_scoped3A : memref<!tpu.dma_semaphore, #tpu.memory_space<semaphore_mem>>) src(%dma_wait3A_522 : memref<64x128xf32, #tpu.memory_space<vmem_shared>>) dst(%arg13 : memref<64x128xf32, #tpu.memory_space<vmem>>)
      tpu.yield
    }) : () -> ()
    %mul3A_219 = arith.constant 640 : i32
    %mul3A_220 = arith.muli %arg1, %mul3A_219 : i32
    %add3A_221 = arith.constant 0 : i32
    %add3A_222 = arith.addi %mul3A_220, %add3A_221 : i32
    %dma_start3A_223 = arith.constant 0 : i32
    %dma_start3A_224 = tpu.memref_slice %arg6[%arg0, %add3A_222, %dma_start3A_223] : memref<2x10240x128xf32, #tpu.memory_space<hbm>> -> memref<1x64x128xf32, #tpu.memory_space<hbm>>
    %dma_start3A_225 = tpu.memref_squeeze %dma_start3A_224 : memref<1x64x128xf32, #tpu.memory_space<hbm>> -> memref<64x128xf32, #tpu.memory_space<hbm>>
    %dma_start3A_226 = arith.constant 0 : i32
    %dma_start3A_227 = tpu.memref_slice %arg6[%arg0, %add3A_222, %dma_start3A_226] : memref<2x10240x128xf32, #tpu.memory_space<hbm>> -> memref<1x64x128xf32, #tpu.memory_space<hbm>>
    %dma_start3A_228 = tpu.memref_squeeze %dma_start3A_227 : memref<1x64x128xf32, #tpu.memory_space<hbm>> -> memref<64x128xf32, #tpu.memory_space<hbm>>
    tpu.enqueue_dma source(%arg13 : memref<64x128xf32, #tpu.memory_space<vmem>>) target(%dma_start3A_228 : memref<64x128xf32, #tpu.memory_space<hbm>>) target_semaphore(%arg15 : memref<!tpu.dma_semaphore, #tpu.memory_space<semaphore_mem>>)
    %mul3A_229 = arith.constant 640 : i32
    %mul3A_230 = arith.muli %arg1, %mul3A_229 : i32
    %add3A_231 = arith.constant 64 : i32
    %add3A_232 = arith.addi %mul3A_230, %add3A_231 : i32
    "tpu.region"() ({
      %run_scoped3A = tpu.sem_alloc : memref<!tpu.dma_semaphore, #tpu.memory_space<semaphore_mem>>
      %dma_start3A_515 = arith.constant 0 : i32
      %dma_start3A_516 = arith.constant 0 : i32
      %dma_start3A_517 = tpu.memref_slice %arg11[%dma_start3A_515, %dma_start3A_516] : memref<128x128xf32, #tpu.memory_space<vmem>> -> memref<64x128xf32, #tpu.memory_space<vmem>>
      %dma_start3A_518 = arith.constant 0 : i32
      %dma_start3A_519 = tpu.memref_slice %arg14[%add3A_232, %dma_start3A_518] : memref<10240x128xf32, #tpu.memory_space<vmem_shared>> -> memref<64x128xf32, #tpu.memory_space<vmem_shared>>
      %dma_start3A_520 = arith.constant 0 : i32
      %dma_start3A_521 = arith.constant 0 : i32
      %dma_start3A_522 = tpu.memref_slice %arg11[%dma_start3A_520, %dma_start3A_521] : memref<128x128xf32, #tpu.memory_space<vmem>> -> memref<64x128xf32, #tpu.memory_space<vmem>>
      %dma_start3A_523 = arith.constant 0 : i32
      %dma_start3A_524 = tpu.memref_slice %arg14[%add3A_232, %dma_start3A_523] : memref<10240x128xf32, #tpu.memory_space<vmem_shared>> -> memref<64x128xf32, #tpu.memory_space<vmem_shared>>
      tpu.enqueue_dma source(%dma_start3A_524 : memref<64x128xf32, #tpu.memory_space<vmem_shared>>) target(%dma_start3A_522 : memref<64x128xf32, #tpu.memory_space<vmem>>) target_semaphore(%run_scoped3A : memref<!tpu.dma_semaphore, #tpu.memory_space<semaphore_mem>>)
      %dma_wait3A_525 = arith.constant 0 : i32
      %dma_wait3A_526 = arith.constant 0 : i32
      %dma_wait3A_527 = tpu.memref_slice %arg11[%dma_wait3A_525, %dma_wait3A_526] : memref<128x128xf32, #tpu.memory_space<vmem>> -> memref<64x128xf32, #tpu.memory_space<vmem>>
      %dma_wait3A_528 = arith.constant 0 : i32
      %dma_wait3A_529 = tpu.memref_slice %arg14[%add3A_232, %dma_wait3A_528] : memref<10240x128xf32, #tpu.memory_space<vmem_shared>> -> memref<64x128xf32, #tpu.memory_space<vmem_shared>>
      %dma_wait3A_530 = arith.constant 0 : i32
      %dma_wait3A_531 = arith.constant 0 : i32
      %dma_wait3A_532 = tpu.memref_slice %arg11[%dma_wait3A_530, %dma_wait3A_531] : memref<128x128xf32, #tpu.memory_space<vmem>> -> memref<64x128xf32, #tpu.memory_space<vmem>>
      %dma_wait3A_533 = arith.constant 0 : i32
      %dma_wait3A_534 = tpu.memref_slice %arg14[%add3A_232, %dma_wait3A_533] : memref<10240x128xf32, #tpu.memory_space<vmem_shared>> -> memref<64x128xf32, #tpu.memory_space<vmem_shared>>
      tpu.wait_dma2 semaphore(%run_scoped3A : memref<!tpu.dma_semaphore, #tpu.memory_space<semaphore_mem>>) src(%dma_wait3A_534 : memref<64x128xf32, #tpu.memory_space<vmem_shared>>) dst(%dma_wait3A_532 : memref<64x128xf32, #tpu.memory_space<vmem>>)
      tpu.yield
    }) : () -> ()
    %mul3A_233 = arith.constant 640 : i32
    %mul3A_234 = arith.muli %arg1, %mul3A_233 : i32
    %add3A_235 = arith.constant 64 : i32
    %add3A_236 = arith.addi %mul3A_234, %add3A_235 : i32
    %dma_start3A_237 = arith.constant 0 : i32
    %dma_start3A_238 = arith.constant 0 : i32
    %dma_start3A_239 = tpu.memref_slice %arg11[%dma_start3A_237, %dma_start3A_238] : memref<128x128xf32, #tpu.memory_space<vmem>> -> memref<64x128xf32, #tpu.memory_space<vmem>>
    %dma_start3A_240 = arith.constant 0 : i32
    %dma_start3A_241 = tpu.memref_slice %arg6[%arg0, %add3A_236, %dma_start3A_240] : memref<2x10240x128xf32, #tpu.memory_space<hbm>> -> memref<1x64x128xf32, #tpu.memory_space<hbm>>
    %dma_start3A_242 = tpu.memref_squeeze %dma_start3A_241 : memref<1x64x128xf32, #tpu.memory_space<hbm>> -> memref<64x128xf32, #tpu.memory_space<hbm>>
    %dma_start3A_243 = arith.constant 0 : i32
    %dma_start3A_244 = tpu.memref_slice %arg6[%arg0, %add3A_236, %dma_start3A_243] : memref<2x10240x128xf32, #tpu.memory_space<hbm>> -> memref<1x64x128xf32, #tpu.memory_space<hbm>>
    %dma_start3A_245 = tpu.memref_squeeze %dma_start3A_244 : memref<1x64x128xf32, #tpu.memory_space<hbm>> -> memref<64x128xf32, #tpu.memory_space<hbm>>
    %dma_start3A_246 = arith.constant 0 : i32
    %dma_start3A_247 = arith.constant 0 : i32
    %dma_start3A_248 = tpu.memref_slice %arg11[%dma_start3A_246, %dma_start3A_247] : memref<128x128xf32, #tpu.memory_space<vmem>> -> memref<64x128xf32, #tpu.memory_space<vmem>>
    tpu.enqueue_dma source(%dma_start3A_248 : memref<64x128xf32, #tpu.memory_space<vmem>>) target(%dma_start3A_245 : memref<64x128xf32, #tpu.memory_space<hbm>>) target_semaphore(%arg16 : memref<!tpu.dma_semaphore, #tpu.memory_space<semaphore_mem>>)
    %mul3A_249 = arith.constant 640 : i32
    %mul3A_250 = arith.muli %arg1, %mul3A_249 : i32
    %add3A_251 = arith.constant 0 : i32
    %add3A_252 = arith.addi %mul3A_250, %add3A_251 : i32
    %dma_wait3A_253 = arith.constant 0 : i32
    %dma_wait3A_254 = tpu.memref_slice %arg6[%arg0, %add3A_252, %dma_wait3A_253] : memref<2x10240x128xf32, #tpu.memory_space<hbm>> -> memref<1x64x128xf32, #tpu.memory_space<hbm>>
    %dma_wait3A_255 = tpu.memref_squeeze %dma_wait3A_254 : memref<1x64x128xf32, #tpu.memory_space<hbm>> -> memref<64x128xf32, #tpu.memory_space<hbm>>
    %dma_wait3A_256 = arith.constant 0 : i32
    %dma_wait3A_257 = tpu.memref_slice %arg6[%arg0, %add3A_252, %dma_wait3A_256] : memref<2x10240x128xf32, #tpu.memory_space<hbm>> -> memref<1x64x128xf32, #tpu.memory_space<hbm>>
    %dma_wait3A_258 = tpu.memref_squeeze %dma_wait3A_257 : memref<1x64x128xf32, #tpu.memory_space<hbm>> -> memref<64x128xf32, #tpu.memory_space<hbm>>
    tpu.wait_dma2 semaphore(%arg15 : memref<!tpu.dma_semaphore, #tpu.memory_space<semaphore_mem>>) src(%arg13 : memref<64x128xf32, #tpu.memory_space<vmem>>) dst(%dma_wait3A_258 : memref<64x128xf32, #tpu.memory_space<hbm>>)
    %mul3A_259 = arith.constant 640 : i32
    %mul3A_260 = arith.muli %arg1, %mul3A_259 : i32
    %add3A_261 = arith.constant 128 : i32
    %add3A_262 = arith.addi %mul3A_260, %add3A_261 : i32
    "tpu.region"() ({
      %run_scoped3A = tpu.sem_alloc : memref<!tpu.dma_semaphore, #tpu.memory_space<semaphore_mem>>
      %dma_start3A_515 = arith.constant 0 : i32
      %dma_start3A_516 = tpu.memref_slice %arg14[%add3A_262, %dma_start3A_515] : memref<10240x128xf32, #tpu.memory_space<vmem_shared>> -> memref<64x128xf32, #tpu.memory_space<vmem_shared>>
      %dma_start3A_517 = arith.constant 0 : i32
      %dma_start3A_518 = tpu.memref_slice %arg14[%add3A_262, %dma_start3A_517] : memref<10240x128xf32, #tpu.memory_space<vmem_shared>> -> memref<64x128xf32, #tpu.memory_space<vmem_shared>>
      tpu.enqueue_dma source(%dma_start3A_518 : memref<64x128xf32, #tpu.memory_space<vmem_shared>>) target(%arg13 : memref<64x128xf32, #tpu.memory_space<vmem>>) target_semaphore(%run_scoped3A : memref<!tpu.dma_semaphore, #tpu.memory_space<semaphore_mem>>)
      %dma_wait3A_519 = arith.constant 0 : i32
      %dma_wait3A_520 = tpu.memref_slice %arg14[%add3A_262, %dma_wait3A_519] : memref<10240x128xf32, #tpu.memory_space<vmem_shared>> -> memref<64x128xf32, #tpu.memory_space<vmem_shared>>
      %dma_wait3A_521 = arith.constant 0 : i32
      %dma_wait3A_522 = tpu.memref_slice %arg14[%add3A_262, %dma_wait3A_521] : memref<10240x128xf32, #tpu.memory_space<vmem_shared>> -> memref<64x128xf32, #tpu.memory_space<vmem_shared>>
      tpu.wait_dma2 semaphore(%run_scoped3A : memref<!tpu.dma_semaphore, #tpu.memory_space<semaphore_mem>>) src(%dma_wait3A_522 : memref<64x128xf32, #tpu.memory_space<vmem_shared>>) dst(%arg13 : memref<64x128xf32, #tpu.memory_space<vmem>>)
      tpu.yield
    }) : () -> ()
    %mul3A_263 = arith.constant 640 : i32
    %mul3A_264 = arith.muli %arg1, %mul3A_263 : i32
    %add3A_265 = arith.constant 128 : i32
    %add3A_266 = arith.addi %mul3A_264, %add3A_265 : i32
    %dma_start3A_267 = arith.constant 0 : i32
    %dma_start3A_268 = tpu.memref_slice %arg6[%arg0, %add3A_266, %dma_start3A_267] : memref<2x10240x128xf32, #tpu.memory_space<hbm>> -> memref<1x64x128xf32, #tpu.memory_space<hbm>>
    %dma_start3A_269 = tpu.memref_squeeze %dma_start3A_268 : memref<1x64x128xf32, #tpu.memory_space<hbm>> -> memref<64x128xf32, #tpu.memory_space<hbm>>
    %dma_start3A_270 = arith.constant 0 : i32
    %dma_start3A_271 = tpu.memref_slice %arg6[%arg0, %add3A_266, %dma_start3A_270] : memref<2x10240x128xf32, #tpu.memory_space<hbm>> -> memref<1x64x128xf32, #tpu.memory_space<hbm>>
    %dma_start3A_272 = tpu.memref_squeeze %dma_start3A_271 : memref<1x64x128xf32, #tpu.memory_space<hbm>> -> memref<64x128xf32, #tpu.memory_space<hbm>>
    tpu.enqueue_dma source(%arg13 : memref<64x128xf32, #tpu.memory_space<vmem>>) target(%dma_start3A_272 : memref<64x128xf32, #tpu.memory_space<hbm>>) target_semaphore(%arg15 : memref<!tpu.dma_semaphore, #tpu.memory_space<semaphore_mem>>)
    %mul3A_273 = arith.constant 640 : i32
    %mul3A_274 = arith.muli %arg1, %mul3A_273 : i32
    %add3A_275 = arith.constant 64 : i32
    %add3A_276 = arith.addi %mul3A_274, %add3A_275 : i32
    %dma_wait3A_277 = arith.constant 0 : i32
    %dma_wait3A_278 = arith.constant 0 : i32
    %dma_wait3A_279 = tpu.memref_slice %arg11[%dma_wait3A_277, %dma_wait3A_278] : memref<128x128xf32, #tpu.memory_space<vmem>> -> memref<64x128xf32, #tpu.memory_space<vmem>>
    %dma_wait3A_280 = arith.constant 0 : i32
    %dma_wait3A_281 = tpu.memref_slice %arg6[%arg0, %add3A_276, %dma_wait3A_280] : memref<2x10240x128xf32, #tpu.memory_space<hbm>> -> memref<1x64x128xf32, #tpu.memory_space<hbm>>
    %dma_wait3A_282 = tpu.memref_squeeze %dma_wait3A_281 : memref<1x64x128xf32, #tpu.memory_space<hbm>> -> memref<64x128xf32, #tpu.memory_space<hbm>>
    %dma_wait3A_283 = arith.constant 0 : i32
    %dma_wait3A_284 = tpu.memref_slice %arg6[%arg0, %add3A_276, %dma_wait3A_283] : memref<2x10240x128xf32, #tpu.memory_space<hbm>> -> memref<1x64x128xf32, #tpu.memory_space<hbm>>
    %dma_wait3A_285 = tpu.memref_squeeze %dma_wait3A_284 : memref<1x64x128xf32, #tpu.memory_space<hbm>> -> memref<64x128xf32, #tpu.memory_space<hbm>>
    %dma_wait3A_286 = arith.constant 0 : i32
    %dma_wait3A_287 = arith.constant 0 : i32
    %dma_wait3A_288 = tpu.memref_slice %arg11[%dma_wait3A_286, %dma_wait3A_287] : memref<128x128xf32, #tpu.memory_space<vmem>> -> memref<64x128xf32, #tpu.memory_space<vmem>>
    tpu.wait_dma2 semaphore(%arg16 : memref<!tpu.dma_semaphore, #tpu.memory_space<semaphore_mem>>) src(%dma_wait3A_288 : memref<64x128xf32, #tpu.memory_space<vmem>>) dst(%dma_wait3A_285 : memref<64x128xf32, #tpu.memory_space<hbm>>)
    %mul3A_289 = arith.constant 640 : i32
    %mul3A_290 = arith.muli %arg1, %mul3A_289 : i32
    %add3A_291 = arith.constant 192 : i32
    %add3A_292 = arith.addi %mul3A_290, %add3A_291 : i32
    "tpu.region"() ({
      %run_scoped3A = tpu.sem_alloc : memref<!tpu.dma_semaphore, #tpu.memory_space<semaphore_mem>>
      %dma_start3A_515 = arith.constant 0 : i32
      %dma_start3A_516 = arith.constant 0 : i32
      %dma_start3A_517 = tpu.memref_slice %arg11[%dma_start3A_515, %dma_start3A_516] : memref<128x128xf32, #tpu.memory_space<vmem>> -> memref<64x128xf32, #tpu.memory_space<vmem>>
      %dma_start3A_518 = arith.constant 0 : i32
      %dma_start3A_519 = tpu.memref_slice %arg14[%add3A_292, %dma_start3A_518] : memref<10240x128xf32, #tpu.memory_space<vmem_shared>> -> memref<64x128xf32, #tpu.memory_space<vmem_shared>>
      %dma_start3A_520 = arith.constant 0 : i32
      %dma_start3A_521 = arith.constant 0 : i32
      %dma_start3A_522 = tpu.memref_slice %arg11[%dma_start3A_520, %dma_start3A_521] : memref<128x128xf32, #tpu.memory_space<vmem>> -> memref<64x128xf32, #tpu.memory_space<vmem>>
      %dma_start3A_523 = arith.constant 0 : i32
      %dma_start3A_524 = tpu.memref_slice %arg14[%add3A_292, %dma_start3A_523] : memref<10240x128xf32, #tpu.memory_space<vmem_shared>> -> memref<64x128xf32, #tpu.memory_space<vmem_shared>>
      tpu.enqueue_dma source(%dma_start3A_524 : memref<64x128xf32, #tpu.memory_space<vmem_shared>>) target(%dma_start3A_522 : memref<64x128xf32, #tpu.memory_space<vmem>>) target_semaphore(%run_scoped3A : memref<!tpu.dma_semaphore, #tpu.memory_space<semaphore_mem>>)
      %dma_wait3A_525 = arith.constant 0 : i32
      %dma_wait3A_526 = arith.constant 0 : i32
      %dma_wait3A_527 = tpu.memref_slice %arg11[%dma_wait3A_525, %dma_wait3A_526] : memref<128x128xf32, #tpu.memory_space<vmem>> -> memref<64x128xf32, #tpu.memory_space<vmem>>
      %dma_wait3A_528 = arith.constant 0 : i32
      %dma_wait3A_529 = tpu.memref_slice %arg14[%add3A_292, %dma_wait3A_528] : memref<10240x128xf32, #tpu.memory_space<vmem_shared>> -> memref<64x128xf32, #tpu.memory_space<vmem_shared>>
      %dma_wait3A_530 = arith.constant 0 : i32
      %dma_wait3A_531 = arith.constant 0 : i32
      %dma_wait3A_532 = tpu.memref_slice %arg11[%dma_wait3A_530, %dma_wait3A_531] : memref<128x128xf32, #tpu.memory_space<vmem>> -> memref<64x128xf32, #tpu.memory_space<vmem>>
      %dma_wait3A_533 = arith.constant 0 : i32
      %dma_wait3A_534 = tpu.memref_slice %arg14[%add3A_292, %dma_wait3A_533] : memref<10240x128xf32, #tpu.memory_space<vmem_shared>> -> memref<64x128xf32, #tpu.memory_space<vmem_shared>>
      tpu.wait_dma2 semaphore(%run_scoped3A : memref<!tpu.dma_semaphore, #tpu.memory_space<semaphore_mem>>) src(%dma_wait3A_534 : memref<64x128xf32, #tpu.memory_space<vmem_shared>>) dst(%dma_wait3A_532 : memref<64x128xf32, #tpu.memory_space<vmem>>)
      tpu.yield
    }) : () -> ()
    %mul3A_293 = arith.constant 640 : i32
    %mul3A_294 = arith.muli %arg1, %mul3A_293 : i32
    %add3A_295 = arith.constant 192 : i32
    %add3A_296 = arith.addi %mul3A_294, %add3A_295 : i32
    %dma_start3A_297 = arith.constant 0 : i32
    %dma_start3A_298 = arith.constant 0 : i32
    %dma_start3A_299 = tpu.memref_slice %arg11[%dma_start3A_297, %dma_start3A_298] : memref<128x128xf32, #tpu.memory_space<vmem>> -> memref<64x128xf32, #tpu.memory_space<vmem>>
    %dma_start3A_300 = arith.constant 0 : i32
    %dma_start3A_301 = tpu.memref_slice %arg6[%arg0, %add3A_296, %dma_start3A_300] : memref<2x10240x128xf32, #tpu.memory_space<hbm>> -> memref<1x64x128xf32, #tpu.memory_space<hbm>>
    %dma_start3A_302 = tpu.memref_squeeze %dma_start3A_301 : memref<1x64x128xf32, #tpu.memory_space<hbm>> -> memref<64x128xf32, #tpu.memory_space<hbm>>
    %dma_start3A_303 = arith.constant 0 : i32
    %dma_start3A_304 = tpu.memref_slice %arg6[%arg0, %add3A_296, %dma_start3A_303] : memref<2x10240x128xf32, #tpu.memory_space<hbm>> -> memref<1x64x128xf32, #tpu.memory_space<hbm>>
    %dma_start3A_305 = tpu.memref_squeeze %dma_start3A_304 : memref<1x64x128xf32, #tpu.memory_space<hbm>> -> memref<64x128xf32, #tpu.memory_space<hbm>>
    %dma_start3A_306 = arith.constant 0 : i32
    %dma_start3A_307 = arith.constant 0 : i32
    %dma_start3A_308 = tpu.memref_slice %arg11[%dma_start3A_306, %dma_start3A_307] : memref<128x128xf32, #tpu.memory_space<vmem>> -> memref<64x128xf32, #tpu.memory_space<vmem>>
    tpu.enqueue_dma source(%dma_start3A_308 : memref<64x128xf32, #tpu.memory_space<vmem>>) target(%dma_start3A_305 : memref<64x128xf32, #tpu.memory_space<hbm>>) target_semaphore(%arg16 : memref<!tpu.dma_semaphore, #tpu.memory_space<semaphore_mem>>)
    %mul3A_309 = arith.constant 640 : i32
    %mul3A_310 = arith.muli %arg1, %mul3A_309 : i32
    %add3A_311 = arith.constant 128 : i32
    %add3A_312 = arith.addi %mul3A_310, %add3A_311 : i32
    %dma_wait3A_313 = arith.constant 0 : i32
    %dma_wait3A_314 = tpu.memref_slice %arg6[%arg0, %add3A_312, %dma_wait3A_313] : memref<2x10240x128xf32, #tpu.memory_space<hbm>> -> memref<1x64x128xf32, #tpu.memory_space<hbm>>
    %dma_wait3A_315 = tpu.memref_squeeze %dma_wait3A_314 : memref<1x64x128xf32, #tpu.memory_space<hbm>> -> memref<64x128xf32, #tpu.memory_space<hbm>>
    %dma_wait3A_316 = arith.constant 0 : i32
    %dma_wait3A_317 = tpu.memref_slice %arg6[%arg0, %add3A_312, %dma_wait3A_316] : memref<2x10240x128xf32, #tpu.memory_space<hbm>> -> memref<1x64x128xf32, #tpu.memory_space<hbm>>
    %dma_wait3A_318 = tpu.memref_squeeze %dma_wait3A_317 : memref<1x64x128xf32, #tpu.memory_space<hbm>> -> memref<64x128xf32, #tpu.memory_space<hbm>>
    tpu.wait_dma2 semaphore(%arg15 : memref<!tpu.dma_semaphore, #tpu.memory_space<semaphore_mem>>) src(%arg13 : memref<64x128xf32, #tpu.memory_space<vmem>>) dst(%dma_wait3A_318 : memref<64x128xf32, #tpu.memory_space<hbm>>)
    %mul3A_319 = arith.constant 640 : i32
    %mul3A_320 = arith.muli %arg1, %mul3A_319 : i32
    %add3A_321 = arith.constant 256 : i32
    %add3A_322 = arith.addi %mul3A_320, %add3A_321 : i32
    "tpu.region"() ({
      %run_scoped3A = tpu.sem_alloc : memref<!tpu.dma_semaphore, #tpu.memory_space<semaphore_mem>>
      %dma_start3A_515 = arith.constant 0 : i32
      %dma_start3A_516 = tpu.memref_slice %arg14[%add3A_322, %dma_start3A_515] : memref<10240x128xf32, #tpu.memory_space<vmem_shared>> -> memref<64x128xf32, #tpu.memory_space<vmem_shared>>
      %dma_start3A_517 = arith.constant 0 : i32
      %dma_start3A_518 = tpu.memref_slice %arg14[%add3A_322, %dma_start3A_517] : memref<10240x128xf32, #tpu.memory_space<vmem_shared>> -> memref<64x128xf32, #tpu.memory_space<vmem_shared>>
      tpu.enqueue_dma source(%dma_start3A_518 : memref<64x128xf32, #tpu.memory_space<vmem_shared>>) target(%arg13 : memref<64x128xf32, #tpu.memory_space<vmem>>) target_semaphore(%run_scoped3A : memref<!tpu.dma_semaphore, #tpu.memory_space<semaphore_mem>>)
      %dma_wait3A_519 = arith.constant 0 : i32
      %dma_wait3A_520 = tpu.memref_slice %arg14[%add3A_322, %dma_wait3A_519] : memref<10240x128xf32, #tpu.memory_space<vmem_shared>> -> memref<64x128xf32, #tpu.memory_space<vmem_shared>>
      %dma_wait3A_521 = arith.constant 0 : i32
      %dma_wait3A_522 = tpu.memref_slice %arg14[%add3A_322, %dma_wait3A_521] : memref<10240x128xf32, #tpu.memory_space<vmem_shared>> -> memref<64x128xf32, #tpu.memory_space<vmem_shared>>
      tpu.wait_dma2 semaphore(%run_scoped3A : memref<!tpu.dma_semaphore, #tpu.memory_space<semaphore_mem>>) src(%dma_wait3A_522 : memref<64x128xf32, #tpu.memory_space<vmem_shared>>) dst(%arg13 : memref<64x128xf32, #tpu.memory_space<vmem>>)
      tpu.yield
    }) : () -> ()
    %mul3A_323 = arith.constant 640 : i32
    %mul3A_324 = arith.muli %arg1, %mul3A_323 : i32
    %add3A_325 = arith.constant 256 : i32
    %add3A_326 = arith.addi %mul3A_324, %add3A_325 : i32
    %dma_start3A_327 = arith.constant 0 : i32
    %dma_start3A_328 = tpu.memref_slice %arg6[%arg0, %add3A_326, %dma_start3A_327] : memref<2x10240x128xf32, #tpu.memory_space<hbm>> -> memref<1x64x128xf32, #tpu.memory_space<hbm>>
    %dma_start3A_329 = tpu.memref_squeeze %dma_start3A_328 : memref<1x64x128xf32, #tpu.memory_space<hbm>> -> memref<64x128xf32, #tpu.memory_space<hbm>>
    %dma_start3A_330 = arith.constant 0 : i32
    %dma_start3A_331 = tpu.memref_slice %arg6[%arg0, %add3A_326, %dma_start3A_330] : memref<2x10240x128xf32, #tpu.memory_space<hbm>> -> memref<1x64x128xf32, #tpu.memory_space<hbm>>
    %dma_start3A_332 = tpu.memref_squeeze %dma_start3A_331 : memref<1x64x128xf32, #tpu.memory_space<hbm>> -> memref<64x128xf32, #tpu.memory_space<hbm>>
    tpu.enqueue_dma source(%arg13 : memref<64x128xf32, #tpu.memory_space<vmem>>) target(%dma_start3A_332 : memref<64x128xf32, #tpu.memory_space<hbm>>) target_semaphore(%arg15 : memref<!tpu.dma_semaphore, #tpu.memory_space<semaphore_mem>>)
    %mul3A_333 = arith.constant 640 : i32
    %mul3A_334 = arith.muli %arg1, %mul3A_333 : i32
    %add3A_335 = arith.constant 192 : i32
    %add3A_336 = arith.addi %mul3A_334, %add3A_335 : i32
    %dma_wait3A_337 = arith.constant 0 : i32
    %dma_wait3A_338 = arith.constant 0 : i32
    %dma_wait3A_339 = tpu.memref_slice %arg11[%dma_wait3A_337, %dma_wait3A_338] : memref<128x128xf32, #tpu.memory_space<vmem>> -> memref<64x128xf32, #tpu.memory_space<vmem>>
    %dma_wait3A_340 = arith.constant 0 : i32
    %dma_wait3A_341 = tpu.memref_slice %arg6[%arg0, %add3A_336, %dma_wait3A_340] : memref<2x10240x128xf32, #tpu.memory_space<hbm>> -> memref<1x64x128xf32, #tpu.memory_space<hbm>>
    %dma_wait3A_342 = tpu.memref_squeeze %dma_wait3A_341 : memref<1x64x128xf32, #tpu.memory_space<hbm>> -> memref<64x128xf32, #tpu.memory_space<hbm>>
    %dma_wait3A_343 = arith.constant 0 : i32
    %dma_wait3A_344 = tpu.memref_slice %arg6[%arg0, %add3A_336, %dma_wait3A_343] : memref<2x10240x128xf32, #tpu.memory_space<hbm>> -> memref<1x64x128xf32, #tpu.memory_space<hbm>>
    %dma_wait3A_345 = tpu.memref_squeeze %dma_wait3A_344 : memref<1x64x128xf32, #tpu.memory_space<hbm>> -> memref<64x128xf32, #tpu.memory_space<hbm>>
    %dma_wait3A_346 = arith.constant 0 : i32
    %dma_wait3A_347 = arith.constant 0 : i32
    %dma_wait3A_348 = tpu.memref_slice %arg11[%dma_wait3A_346, %dma_wait3A_347] : memref<128x128xf32, #tpu.memory_space<vmem>> -> memref<64x128xf32, #tpu.memory_space<vmem>>
    tpu.wait_dma2 semaphore(%arg16 : memref<!tpu.dma_semaphore, #tpu.memory_space<semaphore_mem>>) src(%dma_wait3A_348 : memref<64x128xf32, #tpu.memory_space<vmem>>) dst(%dma_wait3A_345 : memref<64x128xf32, #tpu.memory_space<hbm>>)
    %mul3A_349 = arith.constant 640 : i32
    %mul3A_350 = arith.muli %arg1, %mul3A_349 : i32
    %add3A_351 = arith.constant 320 : i32
    %add3A_352 = arith.addi %mul3A_350, %add3A_351 : i32
    "tpu.region"() ({
      %run_scoped3A = tpu.sem_alloc : memref<!tpu.dma_semaphore, #tpu.memory_space<semaphore_mem>>
      %dma_start3A_515 = arith.constant 0 : i32
      %dma_start3A_516 = arith.constant 0 : i32
      %dma_start3A_517 = tpu.memref_slice %arg11[%dma_start3A_515, %dma_start3A_516] : memref<128x128xf32, #tpu.memory_space<vmem>> -> memref<64x128xf32, #tpu.memory_space<vmem>>
      %dma_start3A_518 = arith.constant 0 : i32
      %dma_start3A_519 = tpu.memref_slice %arg14[%add3A_352, %dma_start3A_518] : memref<10240x128xf32, #tpu.memory_space<vmem_shared>> -> memref<64x128xf32, #tpu.memory_space<vmem_shared>>
      %dma_start3A_520 = arith.constant 0 : i32
      %dma_start3A_521 = arith.constant 0 : i32
      %dma_start3A_522 = tpu.memref_slice %arg11[%dma_start3A_520, %dma_start3A_521] : memref<128x128xf32, #tpu.memory_space<vmem>> -> memref<64x128xf32, #tpu.memory_space<vmem>>
      %dma_start3A_523 = arith.constant 0 : i32
      %dma_start3A_524 = tpu.memref_slice %arg14[%add3A_352, %dma_start3A_523] : memref<10240x128xf32, #tpu.memory_space<vmem_shared>> -> memref<64x128xf32, #tpu.memory_space<vmem_shared>>
      tpu.enqueue_dma source(%dma_start3A_524 : memref<64x128xf32, #tpu.memory_space<vmem_shared>>) target(%dma_start3A_522 : memref<64x128xf32, #tpu.memory_space<vmem>>) target_semaphore(%run_scoped3A : memref<!tpu.dma_semaphore, #tpu.memory_space<semaphore_mem>>)
      %dma_wait3A_525 = arith.constant 0 : i32
      %dma_wait3A_526 = arith.constant 0 : i32
      %dma_wait3A_527 = tpu.memref_slice %arg11[%dma_wait3A_525, %dma_wait3A_526] : memref<128x128xf32, #tpu.memory_space<vmem>> -> memref<64x128xf32, #tpu.memory_space<vmem>>
      %dma_wait3A_528 = arith.constant 0 : i32
      %dma_wait3A_529 = tpu.memref_slice %arg14[%add3A_352, %dma_wait3A_528] : memref<10240x128xf32, #tpu.memory_space<vmem_shared>> -> memref<64x128xf32, #tpu.memory_space<vmem_shared>>
      %dma_wait3A_530 = arith.constant 0 : i32
      %dma_wait3A_531 = arith.constant 0 : i32
      %dma_wait3A_532 = tpu.memref_slice %arg11[%dma_wait3A_530, %dma_wait3A_531] : memref<128x128xf32, #tpu.memory_space<vmem>> -> memref<64x128xf32, #tpu.memory_space<vmem>>
      %dma_wait3A_533 = arith.constant 0 : i32
      %dma_wait3A_534 = tpu.memref_slice %arg14[%add3A_352, %dma_wait3A_533] : memref<10240x128xf32, #tpu.memory_space<vmem_shared>> -> memref<64x128xf32, #tpu.memory_space<vmem_shared>>
      tpu.wait_dma2 semaphore(%run_scoped3A : memref<!tpu.dma_semaphore, #tpu.memory_space<semaphore_mem>>) src(%dma_wait3A_534 : memref<64x128xf32, #tpu.memory_space<vmem_shared>>) dst(%dma_wait3A_532 : memref<64x128xf32, #tpu.memory_space<vmem>>)
      tpu.yield
    }) : () -> ()
    %mul3A_353 = arith.constant 640 : i32
    %mul3A_354 = arith.muli %arg1, %mul3A_353 : i32
    %add3A_355 = arith.constant 320 : i32
    %add3A_356 = arith.addi %mul3A_354, %add3A_355 : i32
    %dma_start3A_357 = arith.constant 0 : i32
    %dma_start3A_358 = arith.constant 0 : i32
    %dma_start3A_359 = tpu.memref_slice %arg11[%dma_start3A_357, %dma_start3A_358] : memref<128x128xf32, #tpu.memory_space<vmem>> -> memref<64x128xf32, #tpu.memory_space<vmem>>
    %dma_start3A_360 = arith.constant 0 : i32
    %dma_start3A_361 = tpu.memref_slice %arg6[%arg0, %add3A_356, %dma_start3A_360] : memref<2x10240x128xf32, #tpu.memory_space<hbm>> -> memref<1x64x128xf32, #tpu.memory_space<hbm>>
    %dma_start3A_362 = tpu.memref_squeeze %dma_start3A_361 : memref<1x64x128xf32, #tpu.memory_space<hbm>> -> memref<64x128xf32, #tpu.memory_space<hbm>>
    %dma_start3A_363 = arith.constant 0 : i32
    %dma_start3A_364 = tpu.memref_slice %arg6[%arg0, %add3A_356, %dma_start3A_363] : memref<2x10240x128xf32, #tpu.memory_space<hbm>> -> memref<1x64x128xf32, #tpu.memory_space<hbm>>
    %dma_start3A_365 = tpu.memref_squeeze %dma_start3A_364 : memref<1x64x128xf32, #tpu.memory_space<hbm>> -> memref<64x128xf32, #tpu.memory_space<hbm>>
    %dma_start3A_366 = arith.constant 0 : i32
    %dma_start3A_367 = arith.constant 0 : i32
    %dma_start3A_368 = tpu.memref_slice %arg11[%dma_start3A_366, %dma_start3A_367] : memref<128x128xf32, #tpu.memory_space<vmem>> -> memref<64x128xf32, #tpu.memory_space<vmem>>
    tpu.enqueue_dma source(%dma_start3A_368 : memref<64x128xf32, #tpu.memory_space<vmem>>) target(%dma_start3A_365 : memref<64x128xf32, #tpu.memory_space<hbm>>) target_semaphore(%arg16 : memref<!tpu.dma_semaphore, #tpu.memory_space<semaphore_mem>>)
    %mul3A_369 = arith.constant 640 : i32
    %mul3A_370 = arith.muli %arg1, %mul3A_369 : i32
    %add3A_371 = arith.constant 256 : i32
    %add3A_372 = arith.addi %mul3A_370, %add3A_371 : i32
    %dma_wait3A_373 = arith.constant 0 : i32
    %dma_wait3A_374 = tpu.memref_slice %arg6[%arg0, %add3A_372, %dma_wait3A_373] : memref<2x10240x128xf32, #tpu.memory_space<hbm>> -> memref<1x64x128xf32, #tpu.memory_space<hbm>>
    %dma_wait3A_375 = tpu.memref_squeeze %dma_wait3A_374 : memref<1x64x128xf32, #tpu.memory_space<hbm>> -> memref<64x128xf32, #tpu.memory_space<hbm>>
    %dma_wait3A_376 = arith.constant 0 : i32
    %dma_wait3A_377 = tpu.memref_slice %arg6[%arg0, %add3A_372, %dma_wait3A_376] : memref<2x10240x128xf32, #tpu.memory_space<hbm>> -> memref<1x64x128xf32, #tpu.memory_space<hbm>>
    %dma_wait3A_378 = tpu.memref_squeeze %dma_wait3A_377 : memref<1x64x128xf32, #tpu.memory_space<hbm>> -> memref<64x128xf32, #tpu.memory_space<hbm>>
    tpu.wait_dma2 semaphore(%arg15 : memref<!tpu.dma_semaphore, #tpu.memory_space<semaphore_mem>>) src(%arg13 : memref<64x128xf32, #tpu.memory_space<vmem>>) dst(%dma_wait3A_378 : memref<64x128xf32, #tpu.memory_space<hbm>>)
    %mul3A_379 = arith.constant 640 : i32
    %mul3A_380 = arith.muli %arg1, %mul3A_379 : i32
    %add3A_381 = arith.constant 384 : i32
    %add3A_382 = arith.addi %mul3A_380, %add3A_381 : i32
    "tpu.region"() ({
      %run_scoped3A = tpu.sem_alloc : memref<!tpu.dma_semaphore, #tpu.memory_space<semaphore_mem>>
      %dma_start3A_515 = arith.constant 0 : i32
      %dma_start3A_516 = tpu.memref_slice %arg14[%add3A_382, %dma_start3A_515] : memref<10240x128xf32, #tpu.memory_space<vmem_shared>> -> memref<64x128xf32, #tpu.memory_space<vmem_shared>>
      %dma_start3A_517 = arith.constant 0 : i32
      %dma_start3A_518 = tpu.memref_slice %arg14[%add3A_382, %dma_start3A_517] : memref<10240x128xf32, #tpu.memory_space<vmem_shared>> -> memref<64x128xf32, #tpu.memory_space<vmem_shared>>
      tpu.enqueue_dma source(%dma_start3A_518 : memref<64x128xf32, #tpu.memory_space<vmem_shared>>) target(%arg13 : memref<64x128xf32, #tpu.memory_space<vmem>>) target_semaphore(%run_scoped3A : memref<!tpu.dma_semaphore, #tpu.memory_space<semaphore_mem>>)
      %dma_wait3A_519 = arith.constant 0 : i32
      %dma_wait3A_520 = tpu.memref_slice %arg14[%add3A_382, %dma_wait3A_519] : memref<10240x128xf32, #tpu.memory_space<vmem_shared>> -> memref<64x128xf32, #tpu.memory_space<vmem_shared>>
      %dma_wait3A_521 = arith.constant 0 : i32
      %dma_wait3A_522 = tpu.memref_slice %arg14[%add3A_382, %dma_wait3A_521] : memref<10240x128xf32, #tpu.memory_space<vmem_shared>> -> memref<64x128xf32, #tpu.memory_space<vmem_shared>>
      tpu.wait_dma2 semaphore(%run_scoped3A : memref<!tpu.dma_semaphore, #tpu.memory_space<semaphore_mem>>) src(%dma_wait3A_522 : memref<64x128xf32, #tpu.memory_space<vmem_shared>>) dst(%arg13 : memref<64x128xf32, #tpu.memory_space<vmem>>)
      tpu.yield
    }) : () -> ()
    %mul3A_383 = arith.constant 640 : i32
    %mul3A_384 = arith.muli %arg1, %mul3A_383 : i32
    %add3A_385 = arith.constant 384 : i32
    %add3A_386 = arith.addi %mul3A_384, %add3A_385 : i32
    %dma_start3A_387 = arith.constant 0 : i32
    %dma_start3A_388 = tpu.memref_slice %arg6[%arg0, %add3A_386, %dma_start3A_387] : memref<2x10240x128xf32, #tpu.memory_space<hbm>> -> memref<1x64x128xf32, #tpu.memory_space<hbm>>
    %dma_start3A_389 = tpu.memref_squeeze %dma_start3A_388 : memref<1x64x128xf32, #tpu.memory_space<hbm>> -> memref<64x128xf32, #tpu.memory_space<hbm>>
    %dma_start3A_390 = arith.constant 0 : i32
    %dma_start3A_391 = tpu.memref_slice %arg6[%arg0, %add3A_386, %dma_start3A_390] : memref<2x10240x128xf32, #tpu.memory_space<hbm>> -> memref<1x64x128xf32, #tpu.memory_space<hbm>>
    %dma_start3A_392 = tpu.memref_squeeze %dma_start3A_391 : memref<1x64x128xf32, #tpu.memory_space<hbm>> -> memref<64x128xf32, #tpu.memory_space<hbm>>
    tpu.enqueue_dma source(%arg13 : memref<64x128xf32, #tpu.memory_space<vmem>>) target(%dma_start3A_392 : memref<64x128xf32, #tpu.memory_space<hbm>>) target_semaphore(%arg15 : memref<!tpu.dma_semaphore, #tpu.memory_space<semaphore_mem>>)
    %mul3A_393 = arith.constant 640 : i32
    %mul3A_394 = arith.muli %arg1, %mul3A_393 : i32
    %add3A_395 = arith.constant 320 : i32
    %add3A_396 = arith.addi %mul3A_394, %add3A_395 : i32
    %dma_wait3A_397 = arith.constant 0 : i32
    %dma_wait3A_398 = arith.constant 0 : i32
    %dma_wait3A_399 = tpu.memref_slice %arg11[%dma_wait3A_397, %dma_wait3A_398] : memref<128x128xf32, #tpu.memory_space<vmem>> -> memref<64x128xf32, #tpu.memory_space<vmem>>
    %dma_wait3A_400 = arith.constant 0 : i32
    %dma_wait3A_401 = tpu.memref_slice %arg6[%arg0, %add3A_396, %dma_wait3A_400] : memref<2x10240x128xf32, #tpu.memory_space<hbm>> -> memref<1x64x128xf32, #tpu.memory_space<hbm>>
    %dma_wait3A_402 = tpu.memref_squeeze %dma_wait3A_401 : memref<1x64x128xf32, #tpu.memory_space<hbm>> -> memref<64x128xf32, #tpu.memory_space<hbm>>
    %dma_wait3A_403 = arith.constant 0 : i32
    %dma_wait3A_404 = tpu.memref_slice %arg6[%arg0, %add3A_396, %dma_wait3A_403] : memref<2x10240x128xf32, #tpu.memory_space<hbm>> -> memref<1x64x128xf32, #tpu.memory_space<hbm>>
    %dma_wait3A_405 = tpu.memref_squeeze %dma_wait3A_404 : memref<1x64x128xf32, #tpu.memory_space<hbm>> -> memref<64x128xf32, #tpu.memory_space<hbm>>
    %dma_wait3A_406 = arith.constant 0 : i32
    %dma_wait3A_407 = arith.constant 0 : i32
    %dma_wait3A_408 = tpu.memref_slice %arg11[%dma_wait3A_406, %dma_wait3A_407] : memref<128x128xf32, #tpu.memory_space<vmem>> -> memref<64x128xf32, #tpu.memory_space<vmem>>
    tpu.wait_dma2 semaphore(%arg16 : memref<!tpu.dma_semaphore, #tpu.memory_space<semaphore_mem>>) src(%dma_wait3A_408 : memref<64x128xf32, #tpu.memory_space<vmem>>) dst(%dma_wait3A_405 : memref<64x128xf32, #tpu.memory_space<hbm>>)
    %mul3A_409 = arith.constant 640 : i32
    %mul3A_410 = arith.muli %arg1, %mul3A_409 : i32
    %add3A_411 = arith.constant 448 : i32
    %add3A_412 = arith.addi %mul3A_410, %add3A_411 : i32
    "tpu.region"() ({
      %run_scoped3A = tpu.sem_alloc : memref<!tpu.dma_semaphore, #tpu.memory_space<semaphore_mem>>
      %dma_start3A_515 = arith.constant 0 : i32
      %dma_start3A_516 = arith.constant 0 : i32
      %dma_start3A_517 = tpu.memref_slice %arg11[%dma_start3A_515, %dma_start3A_516] : memref<128x128xf32, #tpu.memory_space<vmem>> -> memref<64x128xf32, #tpu.memory_space<vmem>>
      %dma_start3A_518 = arith.constant 0 : i32
      %dma_start3A_519 = tpu.memref_slice %arg14[%add3A_412, %dma_start3A_518] : memref<10240x128xf32, #tpu.memory_space<vmem_shared>> -> memref<64x128xf32, #tpu.memory_space<vmem_shared>>
      %dma_start3A_520 = arith.constant 0 : i32
      %dma_start3A_521 = arith.constant 0 : i32
      %dma_start3A_522 = tpu.memref_slice %arg11[%dma_start3A_520, %dma_start3A_521] : memref<128x128xf32, #tpu.memory_space<vmem>> -> memref<64x128xf32, #tpu.memory_space<vmem>>
      %dma_start3A_523 = arith.constant 0 : i32
      %dma_start3A_524 = tpu.memref_slice %arg14[%add3A_412, %dma_start3A_523] : memref<10240x128xf32, #tpu.memory_space<vmem_shared>> -> memref<64x128xf32, #tpu.memory_space<vmem_shared>>
      tpu.enqueue_dma source(%dma_start3A_524 : memref<64x128xf32, #tpu.memory_space<vmem_shared>>) target(%dma_start3A_522 : memref<64x128xf32, #tpu.memory_space<vmem>>) target_semaphore(%run_scoped3A : memref<!tpu.dma_semaphore, #tpu.memory_space<semaphore_mem>>)
      %dma_wait3A_525 = arith.constant 0 : i32
      %dma_wait3A_526 = arith.constant 0 : i32
      %dma_wait3A_527 = tpu.memref_slice %arg11[%dma_wait3A_525, %dma_wait3A_526] : memref<128x128xf32, #tpu.memory_space<vmem>> -> memref<64x128xf32, #tpu.memory_space<vmem>>
      %dma_wait3A_528 = arith.constant 0 : i32
      %dma_wait3A_529 = tpu.memref_slice %arg14[%add3A_412, %dma_wait3A_528] : memref<10240x128xf32, #tpu.memory_space<vmem_shared>> -> memref<64x128xf32, #tpu.memory_space<vmem_shared>>
      %dma_wait3A_530 = arith.constant 0 : i32
      %dma_wait3A_531 = arith.constant 0 : i32
      %dma_wait3A_532 = tpu.memref_slice %arg11[%dma_wait3A_530, %dma_wait3A_531] : memref<128x128xf32, #tpu.memory_space<vmem>> -> memref<64x128xf32, #tpu.memory_space<vmem>>
      %dma_wait3A_533 = arith.constant 0 : i32
      %dma_wait3A_534 = tpu.memref_slice %arg14[%add3A_412, %dma_wait3A_533] : memref<10240x128xf32, #tpu.memory_space<vmem_shared>> -> memref<64x128xf32, #tpu.memory_space<vmem_shared>>
      tpu.wait_dma2 semaphore(%run_scoped3A : memref<!tpu.dma_semaphore, #tpu.memory_space<semaphore_mem>>) src(%dma_wait3A_534 : memref<64x128xf32, #tpu.memory_space<vmem_shared>>) dst(%dma_wait3A_532 : memref<64x128xf32, #tpu.memory_space<vmem>>)
      tpu.yield
    }) : () -> ()
    %mul3A_413 = arith.constant 640 : i32
    %mul3A_414 = arith.muli %arg1, %mul3A_413 : i32
    %add3A_415 = arith.constant 448 : i32
    %add3A_416 = arith.addi %mul3A_414, %add3A_415 : i32
    %dma_start3A_417 = arith.constant 0 : i32
    %dma_start3A_418 = arith.constant 0 : i32
    %dma_start3A_419 = tpu.memref_slice %arg11[%dma_start3A_417, %dma_start3A_418] : memref<128x128xf32, #tpu.memory_space<vmem>> -> memref<64x128xf32, #tpu.memory_space<vmem>>
    %dma_start3A_420 = arith.constant 0 : i32
    %dma_start3A_421 = tpu.memref_slice %arg6[%arg0, %add3A_416, %dma_start3A_420] : memref<2x10240x128xf32, #tpu.memory_space<hbm>> -> memref<1x64x128xf32, #tpu.memory_space<hbm>>
    %dma_start3A_422 = tpu.memref_squeeze %dma_start3A_421 : memref<1x64x128xf32, #tpu.memory_space<hbm>> -> memref<64x128xf32, #tpu.memory_space<hbm>>
    %dma_start3A_423 = arith.constant 0 : i32
    %dma_start3A_424 = tpu.memref_slice %arg6[%arg0, %add3A_416, %dma_start3A_423] : memref<2x10240x128xf32, #tpu.memory_space<hbm>> -> memref<1x64x128xf32, #tpu.memory_space<hbm>>
    %dma_start3A_425 = tpu.memref_squeeze %dma_start3A_424 : memref<1x64x128xf32, #tpu.memory_space<hbm>> -> memref<64x128xf32, #tpu.memory_space<hbm>>
    %dma_start3A_426 = arith.constant 0 : i32
    %dma_start3A_427 = arith.constant 0 : i32
    %dma_start3A_428 = tpu.memref_slice %arg11[%dma_start3A_426, %dma_start3A_427] : memref<128x128xf32, #tpu.memory_space<vmem>> -> memref<64x128xf32, #tpu.memory_space<vmem>>
    tpu.enqueue_dma source(%dma_start3A_428 : memref<64x128xf32, #tpu.memory_space<vmem>>) target(%dma_start3A_425 : memref<64x128xf32, #tpu.memory_space<hbm>>) target_semaphore(%arg16 : memref<!tpu.dma_semaphore, #tpu.memory_space<semaphore_mem>>)
    %mul3A_429 = arith.constant 640 : i32
    %mul3A_430 = arith.muli %arg1, %mul3A_429 : i32
    %add3A_431 = arith.constant 384 : i32
    %add3A_432 = arith.addi %mul3A_430, %add3A_431 : i32
    %dma_wait3A_433 = arith.constant 0 : i32
    %dma_wait3A_434 = tpu.memref_slice %arg6[%arg0, %add3A_432, %dma_wait3A_433] : memref<2x10240x128xf32, #tpu.memory_space<hbm>> -> memref<1x64x128xf32, #tpu.memory_space<hbm>>
    %dma_wait3A_435 = tpu.memref_squeeze %dma_wait3A_434 : memref<1x64x128xf32, #tpu.memory_space<hbm>> -> memref<64x128xf32, #tpu.memory_space<hbm>>
    %dma_wait3A_436 = arith.constant 0 : i32
    %dma_wait3A_437 = tpu.memref_slice %arg6[%arg0, %add3A_432, %dma_wait3A_436] : memref<2x10240x128xf32, #tpu.memory_space<hbm>> -> memref<1x64x128xf32, #tpu.memory_space<hbm>>
    %dma_wait3A_438 = tpu.memref_squeeze %dma_wait3A_437 : memref<1x64x128xf32, #tpu.memory_space<hbm>> -> memref<64x128xf32, #tpu.memory_space<hbm>>
    tpu.wait_dma2 semaphore(%arg15 : memref<!tpu.dma_semaphore, #tpu.memory_space<semaphore_mem>>) src(%arg13 : memref<64x128xf32, #tpu.memory_space<vmem>>) dst(%dma_wait3A_438 : memref<64x128xf32, #tpu.memory_space<hbm>>)
    %mul3A_439 = arith.constant 640 : i32
    %mul3A_440 = arith.muli %arg1, %mul3A_439 : i32
    %add3A_441 = arith.constant 512 : i32
    %add3A_442 = arith.addi %mul3A_440, %add3A_441 : i32
    "tpu.region"() ({
      %run_scoped3A = tpu.sem_alloc : memref<!tpu.dma_semaphore, #tpu.memory_space<semaphore_mem>>
      %dma_start3A_515 = arith.constant 0 : i32
      %dma_start3A_516 = tpu.memref_slice %arg14[%add3A_442, %dma_start3A_515] : memref<10240x128xf32, #tpu.memory_space<vmem_shared>> -> memref<64x128xf32, #tpu.memory_space<vmem_shared>>
      %dma_start3A_517 = arith.constant 0 : i32
      %dma_start3A_518 = tpu.memref_slice %arg14[%add3A_442, %dma_start3A_517] : memref<10240x128xf32, #tpu.memory_space<vmem_shared>> -> memref<64x128xf32, #tpu.memory_space<vmem_shared>>
      tpu.enqueue_dma source(%dma_start3A_518 : memref<64x128xf32, #tpu.memory_space<vmem_shared>>) target(%arg13 : memref<64x128xf32, #tpu.memory_space<vmem>>) target_semaphore(%run_scoped3A : memref<!tpu.dma_semaphore, #tpu.memory_space<semaphore_mem>>)
      %dma_wait3A_519 = arith.constant 0 : i32
      %dma_wait3A_520 = tpu.memref_slice %arg14[%add3A_442, %dma_wait3A_519] : memref<10240x128xf32, #tpu.memory_space<vmem_shared>> -> memref<64x128xf32, #tpu.memory_space<vmem_shared>>
      %dma_wait3A_521 = arith.constant 0 : i32
      %dma_wait3A_522 = tpu.memref_slice %arg14[%add3A_442, %dma_wait3A_521] : memref<10240x128xf32, #tpu.memory_space<vmem_shared>> -> memref<64x128xf32, #tpu.memory_space<vmem_shared>>
      tpu.wait_dma2 semaphore(%run_scoped3A : memref<!tpu.dma_semaphore, #tpu.memory_space<semaphore_mem>>) src(%dma_wait3A_522 : memref<64x128xf32, #tpu.memory_space<vmem_shared>>) dst(%arg13 : memref<64x128xf32, #tpu.memory_space<vmem>>)
      tpu.yield
    }) : () -> ()
    %mul3A_443 = arith.constant 640 : i32
    %mul3A_444 = arith.muli %arg1, %mul3A_443 : i32
    %add3A_445 = arith.constant 512 : i32
    %add3A_446 = arith.addi %mul3A_444, %add3A_445 : i32
    %dma_start3A_447 = arith.constant 0 : i32
    %dma_start3A_448 = tpu.memref_slice %arg6[%arg0, %add3A_446, %dma_start3A_447] : memref<2x10240x128xf32, #tpu.memory_space<hbm>> -> memref<1x64x128xf32, #tpu.memory_space<hbm>>
    %dma_start3A_449 = tpu.memref_squeeze %dma_start3A_448 : memref<1x64x128xf32, #tpu.memory_space<hbm>> -> memref<64x128xf32, #tpu.memory_space<hbm>>
    %dma_start3A_450 = arith.constant 0 : i32
    %dma_start3A_451 = tpu.memref_slice %arg6[%arg0, %add3A_446, %dma_start3A_450] : memref<2x10240x128xf32, #tpu.memory_space<hbm>> -> memref<1x64x128xf32, #tpu.memory_space<hbm>>
    %dma_start3A_452 = tpu.memref_squeeze %dma_start3A_451 : memref<1x64x128xf32, #tpu.memory_space<hbm>> -> memref<64x128xf32, #tpu.memory_space<hbm>>
    tpu.enqueue_dma source(%arg13 : memref<64x128xf32, #tpu.memory_space<vmem>>) target(%dma_start3A_452 : memref<64x128xf32, #tpu.memory_space<hbm>>) target_semaphore(%arg15 : memref<!tpu.dma_semaphore, #tpu.memory_space<semaphore_mem>>)
    %mul3A_453 = arith.constant 640 : i32
    %mul3A_454 = arith.muli %arg1, %mul3A_453 : i32
    %add3A_455 = arith.constant 448 : i32
    %add3A_456 = arith.addi %mul3A_454, %add3A_455 : i32
    %dma_wait3A_457 = arith.constant 0 : i32
    %dma_wait3A_458 = arith.constant 0 : i32
    %dma_wait3A_459 = tpu.memref_slice %arg11[%dma_wait3A_457, %dma_wait3A_458] : memref<128x128xf32, #tpu.memory_space<vmem>> -> memref<64x128xf32, #tpu.memory_space<vmem>>
    %dma_wait3A_460 = arith.constant 0 : i32
    %dma_wait3A_461 = tpu.memref_slice %arg6[%arg0, %add3A_456, %dma_wait3A_460] : memref<2x10240x128xf32, #tpu.memory_space<hbm>> -> memref<1x64x128xf32, #tpu.memory_space<hbm>>
    %dma_wait3A_462 = tpu.memref_squeeze %dma_wait3A_461 : memref<1x64x128xf32, #tpu.memory_space<hbm>> -> memref<64x128xf32, #tpu.memory_space<hbm>>
    %dma_wait3A_463 = arith.constant 0 : i32
    %dma_wait3A_464 = tpu.memref_slice %arg6[%arg0, %add3A_456, %dma_wait3A_463] : memref<2x10240x128xf32, #tpu.memory_space<hbm>> -> memref<1x64x128xf32, #tpu.memory_space<hbm>>
    %dma_wait3A_465 = tpu.memref_squeeze %dma_wait3A_464 : memref<1x64x128xf32, #tpu.memory_space<hbm>> -> memref<64x128xf32, #tpu.memory_space<hbm>>
    %dma_wait3A_466 = arith.constant 0 : i32
    %dma_wait3A_467 = arith.constant 0 : i32
    %dma_wait3A_468 = tpu.memref_slice %arg11[%dma_wait3A_466, %dma_wait3A_467] : memref<128x128xf32, #tpu.memory_space<vmem>> -> memref<64x128xf32, #tpu.memory_space<vmem>>
    tpu.wait_dma2 semaphore(%arg16 : memref<!tpu.dma_semaphore, #tpu.memory_space<semaphore_mem>>) src(%dma_wait3A_468 : memref<64x128xf32, #tpu.memory_space<vmem>>) dst(%dma_wait3A_465 : memref<64x128xf32, #tpu.memory_space<hbm>>)
    %mul3A_469 = arith.constant 640 : i32
    %mul3A_470 = arith.muli %arg1, %mul3A_469 : i32
    %add3A_471 = arith.constant 576 : i32
    %add3A_472 = arith.addi %mul3A_470, %add3A_471 : i32
    "tpu.region"() ({
      %run_scoped3A = tpu.sem_alloc : memref<!tpu.dma_semaphore, #tpu.memory_space<semaphore_mem>>
      %dma_start3A_515 = arith.constant 0 : i32
      %dma_start3A_516 = arith.constant 0 : i32
      %dma_start3A_517 = tpu.memref_slice %arg11[%dma_start3A_515, %dma_start3A_516] : memref<128x128xf32, #tpu.memory_space<vmem>> -> memref<64x128xf32, #tpu.memory_space<vmem>>
      %dma_start3A_518 = arith.constant 0 : i32
      %dma_start3A_519 = tpu.memref_slice %arg14[%add3A_472, %dma_start3A_518] : memref<10240x128xf32, #tpu.memory_space<vmem_shared>> -> memref<64x128xf32, #tpu.memory_space<vmem_shared>>
      %dma_start3A_520 = arith.constant 0 : i32
      %dma_start3A_521 = arith.constant 0 : i32
      %dma_start3A_522 = tpu.memref_slice %arg11[%dma_start3A_520, %dma_start3A_521] : memref<128x128xf32, #tpu.memory_space<vmem>> -> memref<64x128xf32, #tpu.memory_space<vmem>>
      %dma_start3A_523 = arith.constant 0 : i32
      %dma_start3A_524 = tpu.memref_slice %arg14[%add3A_472, %dma_start3A_523] : memref<10240x128xf32, #tpu.memory_space<vmem_shared>> -> memref<64x128xf32, #tpu.memory_space<vmem_shared>>
      tpu.enqueue_dma source(%dma_start3A_524 : memref<64x128xf32, #tpu.memory_space<vmem_shared>>) target(%dma_start3A_522 : memref<64x128xf32, #tpu.memory_space<vmem>>) target_semaphore(%run_scoped3A : memref<!tpu.dma_semaphore, #tpu.memory_space<semaphore_mem>>)
      %dma_wait3A_525 = arith.constant 0 : i32
      %dma_wait3A_526 = arith.constant 0 : i32
      %dma_wait3A_527 = tpu.memref_slice %arg11[%dma_wait3A_525, %dma_wait3A_526] : memref<128x128xf32, #tpu.memory_space<vmem>> -> memref<64x128xf32, #tpu.memory_space<vmem>>
      %dma_wait3A_528 = arith.constant 0 : i32
      %dma_wait3A_529 = tpu.memref_slice %arg14[%add3A_472, %dma_wait3A_528] : memref<10240x128xf32, #tpu.memory_space<vmem_shared>> -> memref<64x128xf32, #tpu.memory_space<vmem_shared>>
      %dma_wait3A_530 = arith.constant 0 : i32
      %dma_wait3A_531 = arith.constant 0 : i32
      %dma_wait3A_532 = tpu.memref_slice %arg11[%dma_wait3A_530, %dma_wait3A_531] : memref<128x128xf32, #tpu.memory_space<vmem>> -> memref<64x128xf32, #tpu.memory_space<vmem>>
      %dma_wait3A_533 = arith.constant 0 : i32
      %dma_wait3A_534 = tpu.memref_slice %arg14[%add3A_472, %dma_wait3A_533] : memref<10240x128xf32, #tpu.memory_space<vmem_shared>> -> memref<64x128xf32, #tpu.memory_space<vmem_shared>>
      tpu.wait_dma2 semaphore(%run_scoped3A : memref<!tpu.dma_semaphore, #tpu.memory_space<semaphore_mem>>) src(%dma_wait3A_534 : memref<64x128xf32, #tpu.memory_space<vmem_shared>>) dst(%dma_wait3A_532 : memref<64x128xf32, #tpu.memory_space<vmem>>)
      tpu.yield
    }) : () -> ()
    %mul3A_473 = arith.constant 640 : i32
    %mul3A_474 = arith.muli %arg1, %mul3A_473 : i32
    %add3A_475 = arith.constant 576 : i32
    %add3A_476 = arith.addi %mul3A_474, %add3A_475 : i32
    %dma_start3A_477 = arith.constant 0 : i32
    %dma_start3A_478 = arith.constant 0 : i32
    %dma_start3A_479 = tpu.memref_slice %arg11[%dma_start3A_477, %dma_start3A_478] : memref<128x128xf32, #tpu.memory_space<vmem>> -> memref<64x128xf32, #tpu.memory_space<vmem>>
    %dma_start3A_480 = arith.constant 0 : i32
    %dma_start3A_481 = tpu.memref_slice %arg6[%arg0, %add3A_476, %dma_start3A_480] : memref<2x10240x128xf32, #tpu.memory_space<hbm>> -> memref<1x64x128xf32, #tpu.memory_space<hbm>>
    %dma_start3A_482 = tpu.memref_squeeze %dma_start3A_481 : memref<1x64x128xf32, #tpu.memory_space<hbm>> -> memref<64x128xf32, #tpu.memory_space<hbm>>
    %dma_start3A_483 = arith.constant 0 : i32
    %dma_start3A_484 = tpu.memref_slice %arg6[%arg0, %add3A_476, %dma_start3A_483] : memref<2x10240x128xf32, #tpu.memory_space<hbm>> -> memref<1x64x128xf32, #tpu.memory_space<hbm>>
    %dma_start3A_485 = tpu.memref_squeeze %dma_start3A_484 : memref<1x64x128xf32, #tpu.memory_space<hbm>> -> memref<64x128xf32, #tpu.memory_space<hbm>>
    %dma_start3A_486 = arith.constant 0 : i32
    %dma_start3A_487 = arith.constant 0 : i32
    %dma_start3A_488 = tpu.memref_slice %arg11[%dma_start3A_486, %dma_start3A_487] : memref<128x128xf32, #tpu.memory_space<vmem>> -> memref<64x128xf32, #tpu.memory_space<vmem>>
    tpu.enqueue_dma source(%dma_start3A_488 : memref<64x128xf32, #tpu.memory_space<vmem>>) target(%dma_start3A_485 : memref<64x128xf32, #tpu.memory_space<hbm>>) target_semaphore(%arg16 : memref<!tpu.dma_semaphore, #tpu.memory_space<semaphore_mem>>)
    %mul3A_489 = arith.constant 640 : i32
    %mul3A_490 = arith.muli %arg1, %mul3A_489 : i32
    %add3A_491 = arith.constant 512 : i32
    %add3A_492 = arith.addi %mul3A_490, %add3A_491 : i32
    %dma_wait3A_493 = arith.constant 0 : i32
    %dma_wait3A_494 = tpu.memref_slice %arg6[%arg0, %add3A_492, %dma_wait3A_493] : memref<2x10240x128xf32, #tpu.memory_space<hbm>> -> memref<1x64x128xf32, #tpu.memory_space<hbm>>
    %dma_wait3A_495 = tpu.memref_squeeze %dma_wait3A_494 : memref<1x64x128xf32, #tpu.memory_space<hbm>> -> memref<64x128xf32, #tpu.memory_space<hbm>>
    %dma_wait3A_496 = arith.constant 0 : i32
    %dma_wait3A_497 = tpu.memref_slice %arg6[%arg0, %add3A_492, %dma_wait3A_496] : memref<2x10240x128xf32, #tpu.memory_space<hbm>> -> memref<1x64x128xf32, #tpu.memory_space<hbm>>
    %dma_wait3A_498 = tpu.memref_squeeze %dma_wait3A_497 : memref<1x64x128xf32, #tpu.memory_space<hbm>> -> memref<64x128xf32, #tpu.memory_space<hbm>>
    tpu.wait_dma2 semaphore(%arg15 : memref<!tpu.dma_semaphore, #tpu.memory_space<semaphore_mem>>) src(%arg13 : memref<64x128xf32, #tpu.memory_space<vmem>>) dst(%dma_wait3A_498 : memref<64x128xf32, #tpu.memory_space<hbm>>)
    %mul3A_499 = arith.constant 640 : i32
    %mul3A_500 = arith.muli %arg1, %mul3A_499 : i32
    %add3A_501 = arith.constant 576 : i32
    %add3A_502 = arith.addi %mul3A_500, %add3A_501 : i32
    %dma_wait3A_503 = arith.constant 0 : i32
    %dma_wait3A_504 = arith.constant 0 : i32
    %dma_wait3A_505 = tpu.memref_slice %arg11[%dma_wait3A_503, %dma_wait3A_504] : memref<128x128xf32, #tpu.memory_space<vmem>> -> memref<64x128xf32, #tpu.memory_space<vmem>>
    %dma_wait3A_506 = arith.constant 0 : i32
    %dma_wait3A_507 = tpu.memref_slice %arg6[%arg0, %add3A_502, %dma_wait3A_506] : memref<2x10240x128xf32, #tpu.memory_space<hbm>> -> memref<1x64x128xf32, #tpu.memory_space<hbm>>
    %dma_wait3A_508 = tpu.memref_squeeze %dma_wait3A_507 : memref<1x64x128xf32, #tpu.memory_space<hbm>> -> memref<64x128xf32, #tpu.memory_space<hbm>>
    %dma_wait3A_509 = arith.constant 0 : i32
    %dma_wait3A_510 = tpu.memref_slice %arg6[%arg0, %add3A_502, %dma_wait3A_509] : memref<2x10240x128xf32, #tpu.memory_space<hbm>> -> memref<1x64x128xf32, #tpu.memory_space<hbm>>
    %dma_wait3A_511 = tpu.memref_squeeze %dma_wait3A_510 : memref<1x64x128xf32, #tpu.memory_space<hbm>> -> memref<64x128xf32, #tpu.memory_space<hbm>>
    %dma_wait3A_512 = arith.constant 0 : i32
    %dma_wait3A_513 = arith.constant 0 : i32
    %dma_wait3A_514 = tpu.memref_slice %arg11[%dma_wait3A_512, %dma_wait3A_513] : memref<128x128xf32, #tpu.memory_space<vmem>> -> memref<64x128xf32, #tpu.memory_space<vmem>>
    tpu.wait_dma2 semaphore(%arg16 : memref<!tpu.dma_semaphore, #tpu.memory_space<semaphore_mem>>) src(%dma_wait3A_514 : memref<64x128xf32, #tpu.memory_space<vmem>>) dst(%dma_wait3A_511 : memref<64x128xf32, #tpu.memory_space<hbm>>)
    return
  }
}

module attributes {stable_mosaic.version = 14 : i64} {
  func.func @_mm_body(%arg0: i32, %arg1: memref<1024x128xf32, #tpu.memory_space<vmem>>, %arg2: memref<128x128xf32, #tpu.memory_space<vmem>>, %arg3: memref<1024x128xf32, #tpu.memory_space<vmem>>) attributes {dimension_semantics = [#tpu.dimension_semantics<arbitrary>], iteration_bounds = array<i64: 10>, scalar_prefetch = 0 : i64, scratch_operands = 0 : i64, tpu.core_type = #tpu.core_type<tc>, window_params = [{transform_indices = @transform_0, window_bounds = array<i64: 1024, 128>}, {pipeline_mode = #tpu.pipeline_mode<synchronous>, transform_indices = @transform_1, window_bounds = array<i64: 128, 128>}, {transform_indices = @transform_2, window_bounds = array<i64: 1024, 128>}]} {
    %get3A = arith.constant 0 : index
    %get3A_0 = arith.constant 0 : index
    %get3A_1 = vector.load %arg1[%get3A, %get3A_0] : memref<1024x128xf32, #tpu.memory_space<vmem>>, vector<1024x128xf32>
    %get3A_2 = arith.constant 0 : index
    %get3A_3 = arith.constant 0 : index
    %get3A_4 = vector.load %arg2[%get3A_2, %get3A_3] : memref<128x128xf32, #tpu.memory_space<vmem>>, vector<128x128xf32>
    %dot_general3A = arith.constant dense<0.000000e+00> : vector<1024x128xf32>
    %dot_general3A_5 = tpu.matmul %get3A_1, %get3A_4, %dot_general3A {dimension_numbers = #tpu.dot_dimension_numbers<[1], [1], [0], [0], [0, 0, 1, 0], [], []>, transpose_lhs_hint = false} : vector<1024x128xf32>, vector<128x128xf32>, vector<1024x128xf32> -> vector<1024x128xf32>
    %swap3A = arith.constant 0 : index
    %swap3A_6 = arith.constant 0 : index
    %swap3A_7 = vector.load %arg3[%swap3A, %swap3A_6] : memref<1024x128xf32, #tpu.memory_space<vmem>>, vector<1024x128xf32>
    tpu.vector_store %arg3[%swap3A, %swap3A_6], %dot_general3A_5 {strides = array<i32>} : memref<1024x128xf32, #tpu.memory_space<vmem>>, vector<1024x128xf32>,
    return
  }
  func.func @transform_0(%arg0: i32) -> (i32, i32) {
    %c0_i32 = arith.constant 0 : i32
    %c0_i32_0 = arith.constant 0 : i32
    return %arg0, %c0_i32 : i32, i32
  }
  func.func @transform_1(%arg0: i32) -> (i32, i32) {
    %c0_i32 = arith.constant 0 : i32
    %c0_i32_0 = arith.constant 0 : i32
    %c0_i32_1 = arith.constant 0 : i32
    return %c0_i32, %c0_i32_0 : i32, i32
  }
  func.func @transform_2(%arg0: i32) -> (i32, i32) {
    %c0_i32 = arith.constant 0 : i32
    %c0_i32_0 = arith.constant 0 : i32
    return %arg0, %c0_i32 : i32, i32
  }
}

module attributes {stable_mosaic.version = 14 : i64} {
  func.func @_scale_body(%arg0: i32, %arg1: memref<1024x128xf32, #tpu.memory_space<vmem>>, %arg2: memref<2x8x128xf32, #tpu.memory_space<vmem>>, %arg3: memref<128x128xf32, #tpu.memory_space<vmem>>, %arg4: memref<1024x128xf32, #tpu.memory_space<vmem>>) attributes {dimension_semantics = [#tpu.dimension_semantics<arbitrary>], iteration_bounds = array<i64: 10>, scalar_prefetch = 0 : i64, scratch_operands = 0 : i64, tpu.core_type = #tpu.core_type<tc>, window_params = [{transform_indices = @transform_0, window_bounds = array<i64: 1024, 128>}, {transform_indices = @transform_1, window_bounds = array<i64: 2, 8, 128>}, {pipeline_mode = #tpu.pipeline_mode<synchronous>, transform_indices = @transform_2, window_bounds = array<i64: 128, 128>}, {transform_indices = @transform_3, window_bounds = array<i64: 1024, 128>}]} {
    %get3A = arith.constant 0 : index
    %get3A_0 = arith.constant 0 : index
    %get3A_1 = arith.constant 0 : index
    %get3A_2 = vector.load %arg2[%get3A, %get3A_0, %get3A_1] : memref<2x8x128xf32, #tpu.memory_space<vmem>>, vector<1x8x128xf32>
    %get3A_3 = vector.shape_cast %get3A_2 : vector<1x8x128xf32> to vector<8x128xf32>
    %get3A_4 = arith.constant 1 : index
    %get3A_5 = arith.constant 0 : index
    %get3A_6 = arith.constant 0 : index
    %get3A_7 = vector.load %arg2[%get3A_4, %get3A_5, %get3A_6] : memref<2x8x128xf32, #tpu.memory_space<vmem>>, vector<1x8x128xf32>
    %get3A_8 = vector.shape_cast %get3A_7 : vector<1x8x128xf32> to vector<8x128xf32>
    %add3A = arith.addf %get3A_3, %get3A_8 : vector<8x128xf32>
    %add3A_9 = arith.constant 1.000000e+00 : f32
    %add3A_10 = vector.broadcast %add3A_9 : f32 to vector<8x128xf32>
    %add3A_11 = arith.addf %add3A, %add3A_10 : vector<8x128xf32>
    %rsqrt3A = math.rsqrt %add3A_11 : vector<8x128xf32>
    %get3A_12 = arith.constant 0 : index
    %get3A_13 = arith.constant 0 : index
    %get3A_14 = vector.load %arg3[%get3A_12, %get3A_13] : memref<128x128xf32, #tpu.memory_space<vmem>>, vector<128x128xf32>
    %slice3A = vector.extract_strided_slice %rsqrt3A {offsets = [0, 0], sizes = [1, 128], strides = [1, 1]} : vector<8x128xf32> to vector<1x128xf32>
    %mul3A = vector.broadcast %slice3A : vector<1x128xf32> to vector<128x128xf32>
    %mul3A_15 = arith.mulf %mul3A, %get3A_14 : vector<128x128xf32>
    %get3A_16 = arith.constant 0 : index
    %get3A_17 = arith.constant 0 : index
    %get3A_18 = vector.load %arg1[%get3A_16, %get3A_17] : memref<1024x128xf32, #tpu.memory_space<vmem>>, vector<128x128xf32>
    %dot_general3A = arith.constant dense<0.000000e+00> : vector<128x128xf32>
    %dot_general3A_19 = tpu.matmul %mul3A_15, %get3A_18, %dot_general3A {dimension_numbers = #tpu.dot_dimension_numbers<[1], [0], [0], [1], [0, 0, 1, 1], [], []>, transpose_lhs_hint = false} : vector<128x128xf32>, vector<128x128xf32>, vector<128x128xf32> -> vector<128x128xf32>
    %swap3A = arith.constant 0 : index
    %swap3A_20 = arith.constant 0 : index
    %swap3A_21 = vector.load %arg4[%swap3A, %swap3A_20] : memref<1024x128xf32, #tpu.memory_space<vmem>>, vector<128x128xf32>
    tpu.vector_store %arg4[%swap3A, %swap3A_20], %dot_general3A_19 {strides = array<i32>} : memref<1024x128xf32, #tpu.memory_space<vmem>>, vector<128x128xf32>,
    %slice3A_22 = vector.extract_strided_slice %rsqrt3A {offsets = [1, 0], sizes = [1, 128], strides = [1, 1]} : vector<8x128xf32> to vector<1x128xf32>
    %mul3A_23 = vector.broadcast %slice3A_22 : vector<1x128xf32> to vector<128x128xf32>
    %mul3A_24 = arith.mulf %mul3A_23, %get3A_14 : vector<128x128xf32>
    %get3A_25 = arith.constant 128 : index
    %get3A_26 = arith.constant 0 : index
    %get3A_27 = vector.load %arg1[%get3A_25, %get3A_26] : memref<1024x128xf32, #tpu.memory_space<vmem>>, vector<128x128xf32>
    %dot_general3A_28 = arith.constant dense<0.000000e+00> : vector<128x128xf32>
    %dot_general3A_29 = tpu.matmul %mul3A_24, %get3A_27, %dot_general3A_28 {dimension_numbers = #tpu.dot_dimension_numbers<[1], [0], [0], [1], [0, 0, 1, 1], [], []>, transpose_lhs_hint = false} : vector<128x128xf32>, vector<128x128xf32>, vector<128x128xf32> -> vector<128x128xf32>
    %swap3A_30 = arith.constant 128 : index
    %swap3A_31 = arith.constant 0 : index
    %swap3A_32 = vector.load %arg4[%swap3A_30, %swap3A_31] : memref<1024x128xf32, #tpu.memory_space<vmem>>, vector<128x128xf32>
    tpu.vector_store %arg4[%swap3A_30, %swap3A_31], %dot_general3A_29 {strides = array<i32>} : memref<1024x128xf32, #tpu.memory_space<vmem>>, vector<128x128xf32>,
    %slice3A_33 = vector.extract_strided_slice %rsqrt3A {offsets = [2, 0], sizes = [1, 128], strides = [1, 1]} : vector<8x128xf32> to vector<1x128xf32>
    %mul3A_34 = vector.broadcast %slice3A_33 : vector<1x128xf32> to vector<128x128xf32>
    %mul3A_35 = arith.mulf %mul3A_34, %get3A_14 : vector<128x128xf32>
    %get3A_36 = arith.constant 256 : index
    %get3A_37 = arith.constant 0 : index
    %get3A_38 = vector.load %arg1[%get3A_36, %get3A_37] : memref<1024x128xf32, #tpu.memory_space<vmem>>, vector<128x128xf32>
    %dot_general3A_39 = arith.constant dense<0.000000e+00> : vector<128x128xf32>
    %dot_general3A_40 = tpu.matmul %mul3A_35, %get3A_38, %dot_general3A_39 {dimension_numbers = #tpu.dot_dimension_numbers<[1], [0], [0], [1], [0, 0, 1, 1], [], []>, transpose_lhs_hint = false} : vector<128x128xf32>, vector<128x128xf32>, vector<128x128xf32> -> vector<128x128xf32>
    %swap3A_41 = arith.constant 256 : index
    %swap3A_42 = arith.constant 0 : index
    %swap3A_43 = vector.load %arg4[%swap3A_41, %swap3A_42] : memref<1024x128xf32, #tpu.memory_space<vmem>>, vector<128x128xf32>
    tpu.vector_store %arg4[%swap3A_41, %swap3A_42], %dot_general3A_40 {strides = array<i32>} : memref<1024x128xf32, #tpu.memory_space<vmem>>, vector<128x128xf32>,
    %slice3A_44 = vector.extract_strided_slice %rsqrt3A {offsets = [3, 0], sizes = [1, 128], strides = [1, 1]} : vector<8x128xf32> to vector<1x128xf32>
    %mul3A_45 = vector.broadcast %slice3A_44 : vector<1x128xf32> to vector<128x128xf32>
    %mul3A_46 = arith.mulf %mul3A_45, %get3A_14 : vector<128x128xf32>
    %get3A_47 = arith.constant 384 : index
    %get3A_48 = arith.constant 0 : index
    %get3A_49 = vector.load %arg1[%get3A_47, %get3A_48] : memref<1024x128xf32, #tpu.memory_space<vmem>>, vector<128x128xf32>
    %dot_general3A_50 = arith.constant dense<0.000000e+00> : vector<128x128xf32>
    %dot_general3A_51 = tpu.matmul %mul3A_46, %get3A_49, %dot_general3A_50 {dimension_numbers = #tpu.dot_dimension_numbers<[1], [0], [0], [1], [0, 0, 1, 1], [], []>, transpose_lhs_hint = false} : vector<128x128xf32>, vector<128x128xf32>, vector<128x128xf32> -> vector<128x128xf32>
    %swap3A_52 = arith.constant 384 : index
    %swap3A_53 = arith.constant 0 : index
    %swap3A_54 = vector.load %arg4[%swap3A_52, %swap3A_53] : memref<1024x128xf32, #tpu.memory_space<vmem>>, vector<128x128xf32>
    tpu.vector_store %arg4[%swap3A_52, %swap3A_53], %dot_general3A_51 {strides = array<i32>} : memref<1024x128xf32, #tpu.memory_space<vmem>>, vector<128x128xf32>,
    %slice3A_55 = vector.extract_strided_slice %rsqrt3A {offsets = [4, 0], sizes = [1, 128], strides = [1, 1]} : vector<8x128xf32> to vector<1x128xf32>
    %mul3A_56 = vector.broadcast %slice3A_55 : vector<1x128xf32> to vector<128x128xf32>
    %mul3A_57 = arith.mulf %mul3A_56, %get3A_14 : vector<128x128xf32>
    %get3A_58 = arith.constant 512 : index
    %get3A_59 = arith.constant 0 : index
    %get3A_60 = vector.load %arg1[%get3A_58, %get3A_59] : memref<1024x128xf32, #tpu.memory_space<vmem>>, vector<128x128xf32>
    %dot_general3A_61 = arith.constant dense<0.000000e+00> : vector<128x128xf32>
    %dot_general3A_62 = tpu.matmul %mul3A_57, %get3A_60, %dot_general3A_61 {dimension_numbers = #tpu.dot_dimension_numbers<[1], [0], [0], [1], [0, 0, 1, 1], [], []>, transpose_lhs_hint = false} : vector<128x128xf32>, vector<128x128xf32>, vector<128x128xf32> -> vector<128x128xf32>
    %swap3A_63 = arith.constant 512 : index
    %swap3A_64 = arith.constant 0 : index
    %swap3A_65 = vector.load %arg4[%swap3A_63, %swap3A_64] : memref<1024x128xf32, #tpu.memory_space<vmem>>, vector<128x128xf32>
    tpu.vector_store %arg4[%swap3A_63, %swap3A_64], %dot_general3A_62 {strides = array<i32>} : memref<1024x128xf32, #tpu.memory_space<vmem>>, vector<128x128xf32>,
    %slice3A_66 = vector.extract_strided_slice %rsqrt3A {offsets = [5, 0], sizes = [1, 128], strides = [1, 1]} : vector<8x128xf32> to vector<1x128xf32>
    %mul3A_67 = vector.broadcast %slice3A_66 : vector<1x128xf32> to vector<128x128xf32>
    %mul3A_68 = arith.mulf %mul3A_67, %get3A_14 : vector<128x128xf32>
    %get3A_69 = arith.constant 640 : index
    %get3A_70 = arith.constant 0 : index
    %get3A_71 = vector.load %arg1[%get3A_69, %get3A_70] : memref<1024x128xf32, #tpu.memory_space<vmem>>, vector<128x128xf32>
    %dot_general3A_72 = arith.constant dense<0.000000e+00> : vector<128x128xf32>
    %dot_general3A_73 = tpu.matmul %mul3A_68, %get3A_71, %dot_general3A_72 {dimension_numbers = #tpu.dot_dimension_numbers<[1], [0], [0], [1], [0, 0, 1, 1], [], []>, transpose_lhs_hint = false} : vector<128x128xf32>, vector<128x128xf32>, vector<128x128xf32> -> vector<128x128xf32>
    %swap3A_74 = arith.constant 640 : index
    %swap3A_75 = arith.constant 0 : index
    %swap3A_76 = vector.load %arg4[%swap3A_74, %swap3A_75] : memref<1024x128xf32, #tpu.memory_space<vmem>>, vector<128x128xf32>
    tpu.vector_store %arg4[%swap3A_74, %swap3A_75], %dot_general3A_73 {strides = array<i32>} : memref<1024x128xf32, #tpu.memory_space<vmem>>, vector<128x128xf32>,
    %slice3A_77 = vector.extract_strided_slice %rsqrt3A {offsets = [6, 0], sizes = [1, 128], strides = [1, 1]} : vector<8x128xf32> to vector<1x128xf32>
    %mul3A_78 = vector.broadcast %slice3A_77 : vector<1x128xf32> to vector<128x128xf32>
    %mul3A_79 = arith.mulf %mul3A_78, %get3A_14 : vector<128x128xf32>
    %get3A_80 = arith.constant 768 : index
    %get3A_81 = arith.constant 0 : index
    %get3A_82 = vector.load %arg1[%get3A_80, %get3A_81] : memref<1024x128xf32, #tpu.memory_space<vmem>>, vector<128x128xf32>
    %dot_general3A_83 = arith.constant dense<0.000000e+00> : vector<128x128xf32>
    %dot_general3A_84 = tpu.matmul %mul3A_79, %get3A_82, %dot_general3A_83 {dimension_numbers = #tpu.dot_dimension_numbers<[1], [0], [0], [1], [0, 0, 1, 1], [], []>, transpose_lhs_hint = false} : vector<128x128xf32>, vector<128x128xf32>, vector<128x128xf32> -> vector<128x128xf32>
    %swap3A_85 = arith.constant 768 : index
    %swap3A_86 = arith.constant 0 : index
    %swap3A_87 = vector.load %arg4[%swap3A_85, %swap3A_86] : memref<1024x128xf32, #tpu.memory_space<vmem>>, vector<128x128xf32>
    tpu.vector_store %arg4[%swap3A_85, %swap3A_86], %dot_general3A_84 {strides = array<i32>} : memref<1024x128xf32, #tpu.memory_space<vmem>>, vector<128x128xf32>,
    %slice3A_88 = vector.extract_strided_slice %rsqrt3A {offsets = [7, 0], sizes = [1, 128], strides = [1, 1]} : vector<8x128xf32> to vector<1x128xf32>
    %mul3A_89 = vector.broadcast %slice3A_88 : vector<1x128xf32> to vector<128x128xf32>
    %mul3A_90 = arith.mulf %mul3A_89, %get3A_14 : vector<128x128xf32>
    %get3A_91 = arith.constant 896 : index
    %get3A_92 = arith.constant 0 : index
    %get3A_93 = vector.load %arg1[%get3A_91, %get3A_92] : memref<1024x128xf32, #tpu.memory_space<vmem>>, vector<128x128xf32>
    %dot_general3A_94 = arith.constant dense<0.000000e+00> : vector<128x128xf32>
    %dot_general3A_95 = tpu.matmul %mul3A_90, %get3A_93, %dot_general3A_94 {dimension_numbers = #tpu.dot_dimension_numbers<[1], [0], [0], [1], [0, 0, 1, 1], [], []>, transpose_lhs_hint = false} : vector<128x128xf32>, vector<128x128xf32>, vector<128x128xf32> -> vector<128x128xf32>
    %swap3A_96 = arith.constant 896 : index
    %swap3A_97 = arith.constant 0 : index
    %swap3A_98 = vector.load %arg4[%swap3A_96, %swap3A_97] : memref<1024x128xf32, #tpu.memory_space<vmem>>, vector<128x128xf32>
    tpu.vector_store %arg4[%swap3A_96, %swap3A_97], %dot_general3A_95 {strides = array<i32>} : memref<1024x128xf32, #tpu.memory_space<vmem>>, vector<128x128xf32>,
    return
  }
  func.func @transform_0(%arg0: i32) -> (i32, i32) {
    %c0_i32 = arith.constant 0 : i32
    %c0_i32_0 = arith.constant 0 : i32
    return %arg0, %c0_i32 : i32, i32
  }
  func.func @transform_1(%arg0: i32) -> (i32, i32, i32) {
    %c0_i32 = arith.constant 0 : i32
    %c0_i32_0 = arith.constant 0 : i32
    %c0_i32_1 = arith.constant 0 : i32
    return %c0_i32, %arg0, %c0_i32_0 : i32, i32, i32
  }
  func.func @transform_2(%arg0: i32) -> (i32, i32) {
    %c0_i32 = arith.constant 0 : i32
    %c0_i32_0 = arith.constant 0 : i32
    %c0_i32_1 = arith.constant 0 : i32
    return %c0_i32, %c0_i32_0 : i32, i32
  }
  func.func @transform_3(%arg0: i32) -> (i32, i32) {
    %c0_i32 = arith.constant 0 : i32
    %c0_i32_0 = arith.constant 0 : i32
    return %arg0, %c0_i32 : i32, i32
  }
}

module attributes {stable_mosaic.version = 14 : i64} {
  func.func @_ep_body(%arg0: i32, %arg1: memref<2x1024x128xf32, #tpu.memory_space<vmem>>, %arg2: memref<1024x128xf32, #tpu.memory_space<vmem>>, %arg3: memref<2x8x128xf32, #tpu.memory_space<vmem>>, %arg4: memref<8x128xf32, #tpu.memory_space<vmem>>, %arg5: memref<128x128xf32, #tpu.memory_space<vmem>>, %arg6: memref<1024x128xf32, #tpu.memory_space<vmem>>) attributes {dimension_semantics = [#tpu.dimension_semantics<arbitrary>], iteration_bounds = array<i64: 10>, scalar_prefetch = 0 : i64, scratch_operands = 0 : i64, tpu.core_type = #tpu.core_type<tc>, window_params = [{transform_indices = @transform_0, window_bounds = array<i64: 2, 1024, 128>}, {transform_indices = @transform_1, window_bounds = array<i64: 1024, 128>}, {transform_indices = @transform_2, window_bounds = array<i64: 2, 8, 128>}, {pipeline_mode = #tpu.pipeline_mode<synchronous>, transform_indices = @transform_3, window_bounds = array<i64: 8, 128>}, {pipeline_mode = #tpu.pipeline_mode<synchronous>, transform_indices = @transform_4, window_bounds = array<i64: 128, 128>}, {transform_indices = @transform_5, window_bounds = array<i64: 1024, 128>}]} {
    %get3A = arith.constant 0 : index
    %get3A_0 = arith.constant 0 : index
    %get3A_1 = arith.constant 0 : index
    %get3A_2 = vector.load %arg3[%get3A, %get3A_0, %get3A_1] : memref<2x8x128xf32, #tpu.memory_space<vmem>>, vector<1x8x128xf32>
    %get3A_3 = vector.shape_cast %get3A_2 : vector<1x8x128xf32> to vector<8x128xf32>
    %get3A_4 = arith.constant 1 : index
    %get3A_5 = arith.constant 0 : index
    %get3A_6 = arith.constant 0 : index
    %get3A_7 = vector.load %arg3[%get3A_4, %get3A_5, %get3A_6] : memref<2x8x128xf32, #tpu.memory_space<vmem>>, vector<1x8x128xf32>
    %get3A_8 = vector.shape_cast %get3A_7 : vector<1x8x128xf32> to vector<8x128xf32>
    %add3A = arith.addf %get3A_3, %get3A_8 : vector<8x128xf32>
    %add3A_9 = arith.constant 1.000000e+00 : f32
    %add3A_10 = vector.broadcast %add3A_9 : f32 to vector<8x128xf32>
    %add3A_11 = arith.addf %add3A, %add3A_10 : vector<8x128xf32>
    %rsqrt3A = math.rsqrt %add3A_11 : vector<8x128xf32>
    %div3A = arith.constant 1.000000e+00 : f32
    %div3A_12 = vector.broadcast %div3A : f32 to vector<8x128xf32>
    %div3A_13 = arith.divf %div3A_12, %add3A_11 : vector<8x128xf32>
    %get3A_14 = arith.constant 0 : index
    %get3A_15 = arith.constant 0 : index
    %get3A_16 = vector.load %arg5[%get3A_14, %get3A_15] : memref<128x128xf32, #tpu.memory_space<vmem>>, vector<128x128xf32>
    %get3A_17 = arith.constant 0 : index
    %get3A_18 = arith.constant 0 : index
    %get3A_19 = arith.constant 0 : index
    %get3A_20 = vector.load %arg1[%get3A_17, %get3A_18, %get3A_19] : memref<2x1024x128xf32, #tpu.memory_space<vmem>>, vector<1x1024x128xf32>
    %get3A_21 = vector.shape_cast %get3A_20 : vector<1x1024x128xf32> to vector<1024x128xf32>
    %get3A_22 = arith.constant 1 : index
    %get3A_23 = arith.constant 0 : index
    %get3A_24 = arith.constant 0 : index
    %get3A_25 = vector.load %arg1[%get3A_22, %get3A_23, %get3A_24] : memref<2x1024x128xf32, #tpu.memory_space<vmem>>, vector<1x1024x128xf32>
    %get3A_26 = vector.shape_cast %get3A_25 : vector<1x1024x128xf32> to vector<1024x128xf32>
    %add3A_27 = arith.addf %get3A_21, %get3A_26 : vector<1024x128xf32>
    %slice3A = vector.extract_strided_slice %rsqrt3A {offsets = [0, 0], sizes = [1, 128], strides = [1, 1]} : vector<8x128xf32> to vector<1x128xf32>
    %mul3A = vector.broadcast %slice3A : vector<1x128xf32> to vector<128x128xf32>
    %mul3A_28 = arith.mulf %mul3A, %get3A_16 : vector<128x128xf32>
    %slice3A_29 = vector.extract_strided_slice %div3A_13 {offsets = [0, 0], sizes = [1, 128], strides = [1, 1]} : vector<8x128xf32> to vector<1x128xf32>
    %mul3A_30 = vector.broadcast %slice3A_29 : vector<1x128xf32> to vector<128x128xf32>
    %mul3A_31 = arith.mulf %mul3A_30, %get3A_16 : vector<128x128xf32>
    %slice3A_32 = vector.extract_strided_slice %add3A_27 {offsets = [0, 0], sizes = [128, 128], strides = [1, 1]} : vector<1024x128xf32> to vector<128x128xf32>
    %dot_general3A = arith.constant dense<0.000000e+00> : vector<128x128xf32>
    %dot_general3A_33 = tpu.matmul %mul3A_28, %slice3A_32, %dot_general3A {dimension_numbers = #tpu.dot_dimension_numbers<[1], [0], [0], [1], [0, 0, 1, 1], [], []>, transpose_lhs_hint = false} : vector<128x128xf32>, vector<128x128xf32>, vector<128x128xf32> -> vector<128x128xf32>
    %get3A_34 = arith.constant 0 : index
    %get3A_35 = arith.constant 0 : index
    %get3A_36 = vector.load %arg2[%get3A_34, %get3A_35] : memref<1024x128xf32, #tpu.memory_space<vmem>>, vector<128x128xf32>
    %dot_general3A_37 = arith.constant dense<0.000000e+00> : vector<128x128xf32>
    %dot_general3A_38 = tpu.matmul %mul3A_31, %get3A_36, %dot_general3A_37 {dimension_numbers = #tpu.dot_dimension_numbers<[1], [0], [0], [1], [0, 0, 1, 1], [], []>, transpose_lhs_hint = false} : vector<128x128xf32>, vector<128x128xf32>, vector<128x128xf32> -> vector<128x128xf32>
    %add3A_39 = arith.addf %dot_general3A_33, %dot_general3A_38 : vector<128x128xf32>
    %get3A_40 = arith.constant 0 : index
    %get3A_41 = arith.constant 0 : index
    %get3A_42 = vector.load %arg4[%get3A_40, %get3A_41] : memref<8x128xf32, #tpu.memory_space<vmem>>, vector<1x128xf32>
    %add3A_43 = vector.broadcast %get3A_42 : vector<1x128xf32> to vector<128x128xf32>
    %add3A_44 = arith.addf %add3A_39, %add3A_43 : vector<128x128xf32>
    %max3A = arith.constant 0.000000e+00 : f32
    %max3A_45 = vector.broadcast %max3A : f32 to vector<128x128xf32>
    %max3A_46 = arith.maximumf %add3A_44, %max3A_45 : vector<128x128xf32>
    %swap3A = arith.constant 0 : index
    %swap3A_47 = arith.constant 0 : index
    %swap3A_48 = vector.load %arg6[%swap3A, %swap3A_47] : memref<1024x128xf32, #tpu.memory_space<vmem>>, vector<128x128xf32>
    tpu.vector_store %arg6[%swap3A, %swap3A_47], %max3A_46 {strides = array<i32>} : memref<1024x128xf32, #tpu.memory_space<vmem>>, vector<128x128xf32>,
    %slice3A_49 = vector.extract_strided_slice %rsqrt3A {offsets = [1, 0], sizes = [1, 128], strides = [1, 1]} : vector<8x128xf32> to vector<1x128xf32>
    %mul3A_50 = vector.broadcast %slice3A_49 : vector<1x128xf32> to vector<128x128xf32>
    %mul3A_51 = arith.mulf %mul3A_50, %get3A_16 : vector<128x128xf32>
    %slice3A_52 = vector.extract_strided_slice %div3A_13 {offsets = [1, 0], sizes = [1, 128], strides = [1, 1]} : vector<8x128xf32> to vector<1x128xf32>
    %mul3A_53 = vector.broadcast %slice3A_52 : vector<1x128xf32> to vector<128x128xf32>
    %mul3A_54 = arith.mulf %mul3A_53, %get3A_16 : vector<128x128xf32>
    %slice3A_55 = vector.extract_strided_slice %add3A_27 {offsets = [128, 0], sizes = [128, 128], strides = [1, 1]} : vector<1024x128xf32> to vector<128x128xf32>
    %dot_general3A_56 = arith.constant dense<0.000000e+00> : vector<128x128xf32>
    %dot_general3A_57 = tpu.matmul %mul3A_51, %slice3A_55, %dot_general3A_56 {dimension_numbers = #tpu.dot_dimension_numbers<[1], [0], [0], [1], [0, 0, 1, 1], [], []>, transpose_lhs_hint = false} : vector<128x128xf32>, vector<128x128xf32>, vector<128x128xf32> -> vector<128x128xf32>
    %get3A_58 = arith.constant 128 : index
    %get3A_59 = arith.constant 0 : index
    %get3A_60 = vector.load %arg2[%get3A_58, %get3A_59] : memref<1024x128xf32, #tpu.memory_space<vmem>>, vector<128x128xf32>
    %dot_general3A_61 = arith.constant dense<0.000000e+00> : vector<128x128xf32>
    %dot_general3A_62 = tpu.matmul %mul3A_54, %get3A_60, %dot_general3A_61 {dimension_numbers = #tpu.dot_dimension_numbers<[1], [0], [0], [1], [0, 0, 1, 1], [], []>, transpose_lhs_hint = false} : vector<128x128xf32>, vector<128x128xf32>, vector<128x128xf32> -> vector<128x128xf32>
    %add3A_63 = arith.addf %dot_general3A_57, %dot_general3A_62 : vector<128x128xf32>
    %get3A_64 = arith.constant 0 : index
    %get3A_65 = arith.constant 0 : index
    %get3A_66 = vector.load %arg4[%get3A_64, %get3A_65] : memref<8x128xf32, #tpu.memory_space<vmem>>, vector<1x128xf32>
    %add3A_67 = vector.broadcast %get3A_66 : vector<1x128xf32> to vector<128x128xf32>
    %add3A_68 = arith.addf %add3A_63, %add3A_67 : vector<128x128xf32>
    %max3A_69 = arith.constant 0.000000e+00 : f32
    %max3A_70 = vector.broadcast %max3A_69 : f32 to vector<128x128xf32>
    %max3A_71 = arith.maximumf %add3A_68, %max3A_70 : vector<128x128xf32>
    %swap3A_72 = arith.constant 128 : index
    %swap3A_73 = arith.constant 0 : index
    %swap3A_74 = vector.load %arg6[%swap3A_72, %swap3A_73] : memref<1024x128xf32, #tpu.memory_space<vmem>>, vector<128x128xf32>
    tpu.vector_store %arg6[%swap3A_72, %swap3A_73], %max3A_71 {strides = array<i32>} : memref<1024x128xf32, #tpu.memory_space<vmem>>, vector<128x128xf32>,
    %slice3A_75 = vector.extract_strided_slice %rsqrt3A {offsets = [2, 0], sizes = [1, 128], strides = [1, 1]} : vector<8x128xf32> to vector<1x128xf32>
    %mul3A_76 = vector.broadcast %slice3A_75 : vector<1x128xf32> to vector<128x128xf32>
    %mul3A_77 = arith.mulf %mul3A_76, %get3A_16 : vector<128x128xf32>
    %slice3A_78 = vector.extract_strided_slice %div3A_13 {offsets = [2, 0], sizes = [1, 128], strides = [1, 1]} : vector<8x128xf32> to vector<1x128xf32>
    %mul3A_79 = vector.broadcast %slice3A_78 : vector<1x128xf32> to vector<128x128xf32>
    %mul3A_80 = arith.mulf %mul3A_79, %get3A_16 : vector<128x128xf32>
    %slice3A_81 = vector.extract_strided_slice %add3A_27 {offsets = [256, 0], sizes = [128, 128], strides = [1, 1]} : vector<1024x128xf32> to vector<128x128xf32>
    %dot_general3A_82 = arith.constant dense<0.000000e+00> : vector<128x128xf32>
    %dot_general3A_83 = tpu.matmul %mul3A_77, %slice3A_81, %dot_general3A_82 {dimension_numbers = #tpu.dot_dimension_numbers<[1], [0], [0], [1], [0, 0, 1, 1], [], []>, transpose_lhs_hint = false} : vector<128x128xf32>, vector<128x128xf32>, vector<128x128xf32> -> vector<128x128xf32>
    %get3A_84 = arith.constant 256 : index
    %get3A_85 = arith.constant 0 : index
    %get3A_86 = vector.load %arg2[%get3A_84, %get3A_85] : memref<1024x128xf32, #tpu.memory_space<vmem>>, vector<128x128xf32>
    %dot_general3A_87 = arith.constant dense<0.000000e+00> : vector<128x128xf32>
    %dot_general3A_88 = tpu.matmul %mul3A_80, %get3A_86, %dot_general3A_87 {dimension_numbers = #tpu.dot_dimension_numbers<[1], [0], [0], [1], [0, 0, 1, 1], [], []>, transpose_lhs_hint = false} : vector<128x128xf32>, vector<128x128xf32>, vector<128x128xf32> -> vector<128x128xf32>
    %add3A_89 = arith.addf %dot_general3A_83, %dot_general3A_88 : vector<128x128xf32>
    %get3A_90 = arith.constant 0 : index
    %get3A_91 = arith.constant 0 : index
    %get3A_92 = vector.load %arg4[%get3A_90, %get3A_91] : memref<8x128xf32, #tpu.memory_space<vmem>>, vector<1x128xf32>
    %add3A_93 = vector.broadcast %get3A_92 : vector<1x128xf32> to vector<128x128xf32>
    %add3A_94 = arith.addf %add3A_89, %add3A_93 : vector<128x128xf32>
    %max3A_95 = arith.constant 0.000000e+00 : f32
    %max3A_96 = vector.broadcast %max3A_95 : f32 to vector<128x128xf32>
    %max3A_97 = arith.maximumf %add3A_94, %max3A_96 : vector<128x128xf32>
    %swap3A_98 = arith.constant 256 : index
    %swap3A_99 = arith.constant 0 : index
    %swap3A_100 = vector.load %arg6[%swap3A_98, %swap3A_99] : memref<1024x128xf32, #tpu.memory_space<vmem>>, vector<128x128xf32>
    tpu.vector_store %arg6[%swap3A_98, %swap3A_99], %max3A_97 {strides = array<i32>} : memref<1024x128xf32, #tpu.memory_space<vmem>>, vector<128x128xf32>,
    %slice3A_101 = vector.extract_strided_slice %rsqrt3A {offsets = [3, 0], sizes = [1, 128], strides = [1, 1]} : vector<8x128xf32> to vector<1x128xf32>
    %mul3A_102 = vector.broadcast %slice3A_101 : vector<1x128xf32> to vector<128x128xf32>
    %mul3A_103 = arith.mulf %mul3A_102, %get3A_16 : vector<128x128xf32>
    %slice3A_104 = vector.extract_strided_slice %div3A_13 {offsets = [3, 0], sizes = [1, 128], strides = [1, 1]} : vector<8x128xf32> to vector<1x128xf32>
    %mul3A_105 = vector.broadcast %slice3A_104 : vector<1x128xf32> to vector<128x128xf32>
    %mul3A_106 = arith.mulf %mul3A_105, %get3A_16 : vector<128x128xf32>
    %slice3A_107 = vector.extract_strided_slice %add3A_27 {offsets = [384, 0], sizes = [128, 128], strides = [1, 1]} : vector<1024x128xf32> to vector<128x128xf32>
    %dot_general3A_108 = arith.constant dense<0.000000e+00> : vector<128x128xf32>
    %dot_general3A_109 = tpu.matmul %mul3A_103, %slice3A_107, %dot_general3A_108 {dimension_numbers = #tpu.dot_dimension_numbers<[1], [0], [0], [1], [0, 0, 1, 1], [], []>, transpose_lhs_hint = false} : vector<128x128xf32>, vector<128x128xf32>, vector<128x128xf32> -> vector<128x128xf32>
    %get3A_110 = arith.constant 384 : index
    %get3A_111 = arith.constant 0 : index
    %get3A_112 = vector.load %arg2[%get3A_110, %get3A_111] : memref<1024x128xf32, #tpu.memory_space<vmem>>, vector<128x128xf32>
    %dot_general3A_113 = arith.constant dense<0.000000e+00> : vector<128x128xf32>
    %dot_general3A_114 = tpu.matmul %mul3A_106, %get3A_112, %dot_general3A_113 {dimension_numbers = #tpu.dot_dimension_numbers<[1], [0], [0], [1], [0, 0, 1, 1], [], []>, transpose_lhs_hint = false} : vector<128x128xf32>, vector<128x128xf32>, vector<128x128xf32> -> vector<128x128xf32>
    %add3A_115 = arith.addf %dot_general3A_109, %dot_general3A_114 : vector<128x128xf32>
    %get3A_116 = arith.constant 0 : index
    %get3A_117 = arith.constant 0 : index
    %get3A_118 = vector.load %arg4[%get3A_116, %get3A_117] : memref<8x128xf32, #tpu.memory_space<vmem>>, vector<1x128xf32>
    %add3A_119 = vector.broadcast %get3A_118 : vector<1x128xf32> to vector<128x128xf32>
    %add3A_120 = arith.addf %add3A_115, %add3A_119 : vector<128x128xf32>
    %max3A_121 = arith.constant 0.000000e+00 : f32
    %max3A_122 = vector.broadcast %max3A_121 : f32 to vector<128x128xf32>
    %max3A_123 = arith.maximumf %add3A_120, %max3A_122 : vector<128x128xf32>
    %swap3A_124 = arith.constant 384 : index
    %swap3A_125 = arith.constant 0 : index
    %swap3A_126 = vector.load %arg6[%swap3A_124, %swap3A_125] : memref<1024x128xf32, #tpu.memory_space<vmem>>, vector<128x128xf32>
    tpu.vector_store %arg6[%swap3A_124, %swap3A_125], %max3A_123 {strides = array<i32>} : memref<1024x128xf32, #tpu.memory_space<vmem>>, vector<128x128xf32>,
    %slice3A_127 = vector.extract_strided_slice %rsqrt3A {offsets = [4, 0], sizes = [1, 128], strides = [1, 1]} : vector<8x128xf32> to vector<1x128xf32>
    %mul3A_128 = vector.broadcast %slice3A_127 : vector<1x128xf32> to vector<128x128xf32>
    %mul3A_129 = arith.mulf %mul3A_128, %get3A_16 : vector<128x128xf32>
    %slice3A_130 = vector.extract_strided_slice %div3A_13 {offsets = [4, 0], sizes = [1, 128], strides = [1, 1]} : vector<8x128xf32> to vector<1x128xf32>
    %mul3A_131 = vector.broadcast %slice3A_130 : vector<1x128xf32> to vector<128x128xf32>
    %mul3A_132 = arith.mulf %mul3A_131, %get3A_16 : vector<128x128xf32>
    %slice3A_133 = vector.extract_strided_slice %add3A_27 {offsets = [512, 0], sizes = [128, 128], strides = [1, 1]} : vector<1024x128xf32> to vector<128x128xf32>
    %dot_general3A_134 = arith.constant dense<0.000000e+00> : vector<128x128xf32>
    %dot_general3A_135 = tpu.matmul %mul3A_129, %slice3A_133, %dot_general3A_134 {dimension_numbers = #tpu.dot_dimension_numbers<[1], [0], [0], [1], [0, 0, 1, 1], [], []>, transpose_lhs_hint = false} : vector<128x128xf32>, vector<128x128xf32>, vector<128x128xf32> -> vector<128x128xf32>
    %get3A_136 = arith.constant 512 : index
    %get3A_137 = arith.constant 0 : index
    %get3A_138 = vector.load %arg2[%get3A_136, %get3A_137] : memref<1024x128xf32, #tpu.memory_space<vmem>>, vector<128x128xf32>
    %dot_general3A_139 = arith.constant dense<0.000000e+00> : vector<128x128xf32>
    %dot_general3A_140 = tpu.matmul %mul3A_132, %get3A_138, %dot_general3A_139 {dimension_numbers = #tpu.dot_dimension_numbers<[1], [0], [0], [1], [0, 0, 1, 1], [], []>, transpose_lhs_hint = false} : vector<128x128xf32>, vector<128x128xf32>, vector<128x128xf32> -> vector<128x128xf32>
    %add3A_141 = arith.addf %dot_general3A_135, %dot_general3A_140 : vector<128x128xf32>
    %get3A_142 = arith.constant 0 : index
    %get3A_143 = arith.constant 0 : index
    %get3A_144 = vector.load %arg4[%get3A_142, %get3A_143] : memref<8x128xf32, #tpu.memory_space<vmem>>, vector<1x128xf32>
    %add3A_145 = vector.broadcast %get3A_144 : vector<1x128xf32> to vector<128x128xf32>
    %add3A_146 = arith.addf %add3A_141, %add3A_145 : vector<128x128xf32>
    %max3A_147 = arith.constant 0.000000e+00 : f32
    %max3A_148 = vector.broadcast %max3A_147 : f32 to vector<128x128xf32>
    %max3A_149 = arith.maximumf %add3A_146, %max3A_148 : vector<128x128xf32>
    %swap3A_150 = arith.constant 512 : index
    %swap3A_151 = arith.constant 0 : index
    %swap3A_152 = vector.load %arg6[%swap3A_150, %swap3A_151] : memref<1024x128xf32, #tpu.memory_space<vmem>>, vector<128x128xf32>
    tpu.vector_store %arg6[%swap3A_150, %swap3A_151], %max3A_149 {strides = array<i32>} : memref<1024x128xf32, #tpu.memory_space<vmem>>, vector<128x128xf32>,
    %slice3A_153 = vector.extract_strided_slice %rsqrt3A {offsets = [5, 0], sizes = [1, 128], strides = [1, 1]} : vector<8x128xf32> to vector<1x128xf32>
    %mul3A_154 = vector.broadcast %slice3A_153 : vector<1x128xf32> to vector<128x128xf32>
    %mul3A_155 = arith.mulf %mul3A_154, %get3A_16 : vector<128x128xf32>
    %slice3A_156 = vector.extract_strided_slice %div3A_13 {offsets = [5, 0], sizes = [1, 128], strides = [1, 1]} : vector<8x128xf32> to vector<1x128xf32>
    %mul3A_157 = vector.broadcast %slice3A_156 : vector<1x128xf32> to vector<128x128xf32>
    %mul3A_158 = arith.mulf %mul3A_157, %get3A_16 : vector<128x128xf32>
    %slice3A_159 = vector.extract_strided_slice %add3A_27 {offsets = [640, 0], sizes = [128, 128], strides = [1, 1]} : vector<1024x128xf32> to vector<128x128xf32>
    %dot_general3A_160 = arith.constant dense<0.000000e+00> : vector<128x128xf32>
    %dot_general3A_161 = tpu.matmul %mul3A_155, %slice3A_159, %dot_general3A_160 {dimension_numbers = #tpu.dot_dimension_numbers<[1], [0], [0], [1], [0, 0, 1, 1], [], []>, transpose_lhs_hint = false} : vector<128x128xf32>, vector<128x128xf32>, vector<128x128xf32> -> vector<128x128xf32>
    %get3A_162 = arith.constant 640 : index
    %get3A_163 = arith.constant 0 : index
    %get3A_164 = vector.load %arg2[%get3A_162, %get3A_163] : memref<1024x128xf32, #tpu.memory_space<vmem>>, vector<128x128xf32>
    %dot_general3A_165 = arith.constant dense<0.000000e+00> : vector<128x128xf32>
    %dot_general3A_166 = tpu.matmul %mul3A_158, %get3A_164, %dot_general3A_165 {dimension_numbers = #tpu.dot_dimension_numbers<[1], [0], [0], [1], [0, 0, 1, 1], [], []>, transpose_lhs_hint = false} : vector<128x128xf32>, vector<128x128xf32>, vector<128x128xf32> -> vector<128x128xf32>
    %add3A_167 = arith.addf %dot_general3A_161, %dot_general3A_166 : vector<128x128xf32>
    %get3A_168 = arith.constant 0 : index
    %get3A_169 = arith.constant 0 : index
    %get3A_170 = vector.load %arg4[%get3A_168, %get3A_169] : memref<8x128xf32, #tpu.memory_space<vmem>>, vector<1x128xf32>
    %add3A_171 = vector.broadcast %get3A_170 : vector<1x128xf32> to vector<128x128xf32>
    %add3A_172 = arith.addf %add3A_167, %add3A_171 : vector<128x128xf32>
    %max3A_173 = arith.constant 0.000000e+00 : f32
    %max3A_174 = vector.broadcast %max3A_173 : f32 to vector<128x128xf32>
    %max3A_175 = arith.maximumf %add3A_172, %max3A_174 : vector<128x128xf32>
    %swap3A_176 = arith.constant 640 : index
    %swap3A_177 = arith.constant 0 : index
    %swap3A_178 = vector.load %arg6[%swap3A_176, %swap3A_177] : memref<1024x128xf32, #tpu.memory_space<vmem>>, vector<128x128xf32>
    tpu.vector_store %arg6[%swap3A_176, %swap3A_177], %max3A_175 {strides = array<i32>} : memref<1024x128xf32, #tpu.memory_space<vmem>>, vector<128x128xf32>,
    %slice3A_179 = vector.extract_strided_slice %rsqrt3A {offsets = [6, 0], sizes = [1, 128], strides = [1, 1]} : vector<8x128xf32> to vector<1x128xf32>
    %mul3A_180 = vector.broadcast %slice3A_179 : vector<1x128xf32> to vector<128x128xf32>
    %mul3A_181 = arith.mulf %mul3A_180, %get3A_16 : vector<128x128xf32>
    %slice3A_182 = vector.extract_strided_slice %div3A_13 {offsets = [6, 0], sizes = [1, 128], strides = [1, 1]} : vector<8x128xf32> to vector<1x128xf32>
    %mul3A_183 = vector.broadcast %slice3A_182 : vector<1x128xf32> to vector<128x128xf32>
    %mul3A_184 = arith.mulf %mul3A_183, %get3A_16 : vector<128x128xf32>
    %slice3A_185 = vector.extract_strided_slice %add3A_27 {offsets = [768, 0], sizes = [128, 128], strides = [1, 1]} : vector<1024x128xf32> to vector<128x128xf32>
    %dot_general3A_186 = arith.constant dense<0.000000e+00> : vector<128x128xf32>
    %dot_general3A_187 = tpu.matmul %mul3A_181, %slice3A_185, %dot_general3A_186 {dimension_numbers = #tpu.dot_dimension_numbers<[1], [0], [0], [1], [0, 0, 1, 1], [], []>, transpose_lhs_hint = false} : vector<128x128xf32>, vector<128x128xf32>, vector<128x128xf32> -> vector<128x128xf32>
    %get3A_188 = arith.constant 768 : index
    %get3A_189 = arith.constant 0 : index
    %get3A_190 = vector.load %arg2[%get3A_188, %get3A_189] : memref<1024x128xf32, #tpu.memory_space<vmem>>, vector<128x128xf32>
    %dot_general3A_191 = arith.constant dense<0.000000e+00> : vector<128x128xf32>
    %dot_general3A_192 = tpu.matmul %mul3A_184, %get3A_190, %dot_general3A_191 {dimension_numbers = #tpu.dot_dimension_numbers<[1], [0], [0], [1], [0, 0, 1, 1], [], []>, transpose_lhs_hint = false} : vector<128x128xf32>, vector<128x128xf32>, vector<128x128xf32> -> vector<128x128xf32>
    %add3A_193 = arith.addf %dot_general3A_187, %dot_general3A_192 : vector<128x128xf32>
    %get3A_194 = arith.constant 0 : index
    %get3A_195 = arith.constant 0 : index
    %get3A_196 = vector.load %arg4[%get3A_194, %get3A_195] : memref<8x128xf32, #tpu.memory_space<vmem>>, vector<1x128xf32>
    %add3A_197 = vector.broadcast %get3A_196 : vector<1x128xf32> to vector<128x128xf32>
    %add3A_198 = arith.addf %add3A_193, %add3A_197 : vector<128x128xf32>
    %max3A_199 = arith.constant 0.000000e+00 : f32
    %max3A_200 = vector.broadcast %max3A_199 : f32 to vector<128x128xf32>
    %max3A_201 = arith.maximumf %add3A_198, %max3A_200 : vector<128x128xf32>
    %swap3A_202 = arith.constant 768 : index
    %swap3A_203 = arith.constant 0 : index
    %swap3A_204 = vector.load %arg6[%swap3A_202, %swap3A_203] : memref<1024x128xf32, #tpu.memory_space<vmem>>, vector<128x128xf32>
    tpu.vector_store %arg6[%swap3A_202, %swap3A_203], %max3A_201 {strides = array<i32>} : memref<1024x128xf32, #tpu.memory_space<vmem>>, vector<128x128xf32>,
    %slice3A_205 = vector.extract_strided_slice %rsqrt3A {offsets = [7, 0], sizes = [1, 128], strides = [1, 1]} : vector<8x128xf32> to vector<1x128xf32>
    %mul3A_206 = vector.broadcast %slice3A_205 : vector<1x128xf32> to vector<128x128xf32>
    %mul3A_207 = arith.mulf %mul3A_206, %get3A_16 : vector<128x128xf32>
    %slice3A_208 = vector.extract_strided_slice %div3A_13 {offsets = [7, 0], sizes = [1, 128], strides = [1, 1]} : vector<8x128xf32> to vector<1x128xf32>
    %mul3A_209 = vector.broadcast %slice3A_208 : vector<1x128xf32> to vector<128x128xf32>
    %mul3A_210 = arith.mulf %mul3A_209, %get3A_16 : vector<128x128xf32>
    %slice3A_211 = vector.extract_strided_slice %add3A_27 {offsets = [896, 0], sizes = [128, 128], strides = [1, 1]} : vector<1024x128xf32> to vector<128x128xf32>
    %dot_general3A_212 = arith.constant dense<0.000000e+00> : vector<128x128xf32>
    %dot_general3A_213 = tpu.matmul %mul3A_207, %slice3A_211, %dot_general3A_212 {dimension_numbers = #tpu.dot_dimension_numbers<[1], [0], [0], [1], [0, 0, 1, 1], [], []>, transpose_lhs_hint = false} : vector<128x128xf32>, vector<128x128xf32>, vector<128x128xf32> -> vector<128x128xf32>
    %get3A_214 = arith.constant 896 : index
    %get3A_215 = arith.constant 0 : index
    %get3A_216 = vector.load %arg2[%get3A_214, %get3A_215] : memref<1024x128xf32, #tpu.memory_space<vmem>>, vector<128x128xf32>
    %dot_general3A_217 = arith.constant dense<0.000000e+00> : vector<128x128xf32>
    %dot_general3A_218 = tpu.matmul %mul3A_210, %get3A_216, %dot_general3A_217 {dimension_numbers = #tpu.dot_dimension_numbers<[1], [0], [0], [1], [0, 0, 1, 1], [], []>, transpose_lhs_hint = false} : vector<128x128xf32>, vector<128x128xf32>, vector<128x128xf32> -> vector<128x128xf32>
    %add3A_219 = arith.addf %dot_general3A_213, %dot_general3A_218 : vector<128x128xf32>
    %get3A_220 = arith.constant 0 : index
    %get3A_221 = arith.constant 0 : index
    %get3A_222 = vector.load %arg4[%get3A_220, %get3A_221] : memref<8x128xf32, #tpu.memory_space<vmem>>, vector<1x128xf32>
    %add3A_223 = vector.broadcast %get3A_222 : vector<1x128xf32> to vector<128x128xf32>
    %add3A_224 = arith.addf %add3A_219, %add3A_223 : vector<128x128xf32>
    %max3A_225 = arith.constant 0.000000e+00 : f32
    %max3A_226 = vector.broadcast %max3A_225 : f32 to vector<128x128xf32>
    %max3A_227 = arith.maximumf %add3A_224, %max3A_226 : vector<128x128xf32>
    %swap3A_228 = arith.constant 896 : index
    %swap3A_229 = arith.constant 0 : index
    %swap3A_230 = vector.load %arg6[%swap3A_228, %swap3A_229] : memref<1024x128xf32, #tpu.memory_space<vmem>>, vector<128x128xf32>
    tpu.vector_store %arg6[%swap3A_228, %swap3A_229], %max3A_227 {strides = array<i32>} : memref<1024x128xf32, #tpu.memory_space<vmem>>, vector<128x128xf32>,
    return
  }
  func.func @transform_0(%arg0: i32) -> (i32, i32, i32) {
    %c0_i32 = arith.constant 0 : i32
    %c0_i32_0 = arith.constant 0 : i32
    %c0_i32_1 = arith.constant 0 : i32
    return %c0_i32, %arg0, %c0_i32_0 : i32, i32, i32
  }
  func.func @transform_1(%arg0: i32) -> (i32, i32) {
    %c0_i32 = arith.constant 0 : i32
    %c0_i32_0 = arith.constant 0 : i32
    return %arg0, %c0_i32 : i32, i32
  }
  func.func @transform_2(%arg0: i32) -> (i32, i32, i32) {
    %c0_i32 = arith.constant 0 : i32
    %c0_i32_0 = arith.constant 0 : i32
    %c0_i32_1 = arith.constant 0 : i32
    return %c0_i32, %arg0, %c0_i32_0 : i32, i32, i32
  }
  func.func @transform_3(%arg0: i32) -> (i32, i32) {
    %c0_i32 = arith.constant 0 : i32
    %c0_i32_0 = arith.constant 0 : i32
    %c0_i32_1 = arith.constant 0 : i32
    return %c0_i32, %c0_i32_0 : i32, i32
  }
  func.func @transform_4(%arg0: i32) -> (i32, i32) {
    %c0_i32 = arith.constant 0 : i32
    %c0_i32_0 = arith.constant 0 : i32
    %c0_i32_1 = arith.constant 0 : i32
    return %c0_i32, %c0_i32_0 : i32, i32
  }
  func.func @transform_5(%arg0: i32) -> (i32, i32) {
    %c0_i32 = arith.constant 0 : i32
    %c0_i32_0 = arith.constant 0 : i32
    return %arg0, %c0_i32 : i32, i32
  }
}

</mosaic_0001>

<sc_bundles>
// kernel: kernel.10.cloned.1.call-start
scs
__scs_entry_jumppad:
0x0: {  	(pc) =	sbr.rel $0x88, $3  }
0x1: {  	(tag) =	ssettag $0x0;
	lr =	simm.s32 $0x1  }
0x2: {  	[smem:$0x3F9D] =	sst lr;
	_ =	strace $0xD0000000  }
0x3: {  	_ = 	snop  }
0x4: {  	_ = 	snop  }
0x5: {  	_ = 	snop  }
0x6: {  	_ = 	snop  }
0x7: {  	_ = 	snop  }
__scs_overlays_trampoline_lowered:
0x8: {  	[smem:$0x3FAC] =	sst s0  }
0x9: {  	[smem:$0x3FAD] =	sst s1  }
0xa: {  	[smem:$0x3FAE] =	sst s2  }
0xb: {  	[smem:$0x3FAF] =	sst s3  }
0xc: {  	[smem:$0x3FB0] =	sst s4  }
0xd: {  	[smem:$0x3FB1] =	sst s5  }
0xe: {  	[smem:$0x3FB2] =	sst s6  }
0xf: {  	[smem:$0x3FB3] =	sst s7  }
0x10: {  	[smem:$0x3FB4] =	sst s8  }
0x11: {  	[smem:$0x3FB5] =	sst s9;
	s0 =	simm.s32 @!p0 $0x0  }
0x12: {  	s1 =	sld [smem:$0x3F9B];
	s0 =	simm.s32 @p0 $0x1  }
0x13: {  	[smem:$0x3FB6] =	sst s0;
	s0 =	simm.s32 @!p1 $0x0  }
0x14: {  	s2 =	sld [smem:$0x3F9A];
	s0 =	simm.s32 @p1 $0x1  }
0x15: {  	[smem:$0x3FB7] =	sst s0;
	s0 =	simm.s32 @!p2 $0x0  }
0x16: {  	s3 =	sld [smem:$0x3FDB];
	s0 =	simm.s32 @p2 $0x1  }
0x17: {  	s4 =	simm.s32 $0x1BF5;
	[smem:$0x3FB9] =	sst s0  }
0x18: {  	s0 =	sld [smem:$0x3F9C];
	_ =	swait.ge [sflag:s4], $0x0  }
0x19: {  	s7 =	sld [smem:$0x3F9D]  }
0x1a: {  	s8 =	sadd.s32 $0xFFFFE003, lr  }
0x1b: {  	s9 =	sadd.s32 $0xFFFFFEF7, lr;
	s5 =	simm.s32 $0xFFFFFFFF;
	p2 =	slt.u32 s8, $0xFFFFF086  }
0x1c: {  	p1 =	slt.u32 s9, $0xF7A;
	s5 =	simm.s32 @!p2 $0x0  }
0x1d: {  	s5 =	simm.s32 @p1 $0x1;
	p0 =	seq.s32 s7, s2  }
0x1e: {  	s7 =	smul.u32 @!p0 $0xF7A, s2;
	p2 =	seq.s32 @!p0 s5, $0x0  }
0x1f: {  	s9 =	smul.u32 $0xF7A, s1;
	s8 =	simm.s32 @!p0 $0x1BF5;
	p2 =	por !p2, p0  }
0x20: {  	[sflag:s8] =	ssyncset.s32 @!p0 $0xFFFFF086;
	s6 =	sadd.s32 @!p0 s3, s7;
	s7 =	simm.s32 @!p0 $0x108  }
0x21: {  	s3 =	sadd.s32 s3, s9;
	s6 =	sadd.s32 @!p0 $0x88, s6;
	s7 =	simm.s32 @p2 $0x1082  }
0x22: {  	[simem:s7], [sflag:s8] =	dma.local @!p0 [hbm:s6], $0xF7A  }
0x23: {  	s9 =	sor.u32 $0xD0000000, s2;
	s6 =	simm.s32 $0x108;
	_ =	swait.ge @!p0 [sflag:s8], $0x0  }
0x24: {  	s3 =	sadd.s32 $0x88, s3;
	s6 =	simm.s32 @!p1 $0x1082;
	[sflag:s4] =	ssyncset.s32 $0xFFFFF086  }
0x25: {  	[simem:s6], [sflag:s4] =	dma.local [hbm:s3], $0xF7A  }
0x26: {  	[smem:$0x3F9D] =	sst s1;
	(tag) =	ssettag s2;
	_ =	strace s9  }
0x27: {  	s1 =	sld [smem:$0x3FAD]  }
0x28: {  	s2 =	sld [smem:$0x3FAE]  }
0x29: {  	s4 =	sld [smem:$0x3FB0]  }
0x2a: {  	p0 =	seq.s32 s5, $0x0;
	s5 =	sld [smem:$0x3FB1]  }
0x2b: {  	s6 =	sld [smem:$0x3FB2]  }
0x2c: {  	s7 =	sld [smem:$0x3FB3]  }
0x2d: {  	s3 =	simm.s32 $0x108;
	s8 =	sld [smem:$0x3FB4]  }
0x2e: {  	s3 =	simm.s32 @!p0 $0x1082;
	s9 =	sld [smem:$0x3FB5]  }
0x2f: {  	lr =	sadd.s32 s0, s3;
	s0 =	sld [smem:$0x3FAC]  }
0x30: {  	s3 =	sld [smem:$0x3FAF]  }
0x31: {  	[smem:$0x3FB8] =	sst s10  }
0x32: {  	s10 =	sld [smem:$0x3FB6];
	_ =	sdelay $0x3  }
0x33: {  	p0 =	seq.s32 s10, $0x1;
	s10 =	sld [smem:$0x3FB8];
	_ =	sdelay $0x3  }
0x34: {  	[smem:$0x3FB8] =	sst s10  }
0x35: {  	s10 =	sld [smem:$0x3FB7];
	_ =	sdelay $0x3  }
0x36: {  	p1 =	seq.s32 s10, $0x1;
	s10 =	sld [smem:$0x3FB8];
	_ =	sdelay $0x3  }
0x37: {  	[smem:$0x3FB8] =	sst s10  }
0x38: {  	s10 =	sld [smem:$0x3FB9]  }
0x39: {  	_ = 	snop;
	(pc) =	sbr.ind lr, $3  }
0x3a: {  	_ = 	snop  }
0x3b: {  	_ = 	snop  }
0x3c: {  	p2 =	seq.s32 s10, $0x1;
	s10 =	sld [smem:$0x3FB8]  }
0x3d: {  	_ =	shalt  }
0x3e: {  	_ =	shalt  }
0x3f: {  	_ =	shalt  }
0x40: {  	_ =	shalt  }
0x41: {  	_ =	shalt  }
0x42: {  	_ =	shalt  }
0x43: {  	_ =	shalt  }
0x44: {  	_ =	shalt  }
0x45: {  	_ =	shalt  }
0x46: {  	_ =	shalt  }
0x47: {  	_ =	shalt  }
0x48: {  	_ =	shalt  }
0x49: {  	_ =	shalt  }
0x4a: {  	_ =	shalt  }
0x4b: {  	_ =	shalt  }
0x4c: {  	_ =	shalt  }
0x4d: {  	_ =	shalt  }
0x4e: {  	_ =	shalt  }
0x4f: {  	_ =	shalt  }
0x50: {  	_ =	shalt  }
0x51: {  	_ =	shalt  }
0x52: {  	_ =	shalt  }
0x53: {  	_ =	shalt  }
0x54: {  	_ =	shalt  }
0x55: {  	_ =	shalt  }
0x56: {  	_ =	shalt  }
0x57: {  	_ =	shalt  }
0x58: {  	_ =	shalt  }
0x59: {  	_ =	shalt  }
0x5a: {  	_ =	shalt  }
0x5b: {  	_ =	shalt  }
0x5c: {  	_ =	shalt  }
0x5d: {  	_ =	shalt  }
0x5e: {  	_ =	shalt  }
0x5f: {  	_ =	shalt  }
0x60: {  	_ =	shalt  }
0x61: {  	_ =	shalt  }
0x62: {  	_ =	shalt  }
0x63: {  	_ =	shalt  }
0x64: {  	_ =	shalt  }
0x65: {  	_ =	shalt  }
0x66: {  	_ =	shalt  }
0x67: {  	_ =	shalt  }
0x68: {  	_ =	shalt  }
0x69: {  	_ =	shalt  }
0x6a: {  	_ =	shalt  }
0x6b: {  	_ =	shalt  }
0x6c: {  	_ =	shalt  }
0x6d: {  	_ =	shalt  }
0x6e: {  	_ =	shalt  }
0x6f: {  	_ =	shalt  }
0x70: {  	_ =	shalt  }
0x71: {  	_ =	shalt  }
0x72: {  	_ =	shalt  }
0x73: {  	_ =	shalt  }
0x74: {  	_ =	shalt  }
0x75: {  	_ =	shalt  }
0x76: {  	_ =	shalt  }
0x77: {  	_ =	shalt  }
0x78: {  	_ =	shalt  }
0x79: {  	_ =	shalt  }
0x7a: {  	_ =	shalt  }
0x7b: {  	_ =	shalt  }
0x7c: {  	_ =	shalt  }
0x7d: {  	_ =	shalt  }
0x7e: {  	_ =	shalt  }
0x7f: {  	_ =	shalt  }
0x80: {  	_ =	shalt  }
0x81: {  	_ =	shalt  }
0x82: {  	_ =	shalt  }
0x83: {  	_ =	shalt  }
0x84: {  	_ =	shalt  }
0x85: {  	_ =	shalt  }
0x86: {  	_ =	shalt  }
0x87: {  	_ =	shalt  }
.Lfunc_end0:
.L_simem_size_0:
called_computation.1_lowered:
.L_overlay_start_0:
0x88: {  	s2 =	sld [smem:$0x3FD9]  }
0x89: {  	s3 =	sld [smem:$0x3FFE];
	_ =	sdelay $0x1  }
0x8a: {  	s1 =	srdreg.scid  }
0x8b: {  	s0 =	sand.u32 $0x1, s1  }
0x8c: {  	s17 =	sshll.u32 s0, $0xA;
	s2 =	sadd.s32 s3, s2  }
0x8d: {  	s2 =	sadd.s32 s2, s17  }
0x8e: {  	[smem:$0x3FC4] =	sst s2  }
0x8f: {  	_ = 	snop  }
0x90: {  	s2 =	sld [smem:$0x3FD0];
	(tm) =	ssettm $0x1  }
0x91: {  	s18 =	sld [smem:$0x3FFB];
	_ =	sdelay $0x3  }
0x92: {  	_ =	strace s18  }
0x93: {  	s3 =	sld [smem:$0x3FFC];
	_ =	sdelay $0x3  }
0x94: {  	_ =	strace s3  }
0x95: {  	s3 =	sld [smem:$0x3FFD];
	_ =	sdelay $0x3  }
0x96: {  	_ =	strace s3  }
0x97: {  	_ =	strace $0x8FFFFFFF  }
0x98: {  	s19 =	sld [smem:$0x3FDB];
	_ =	sdelay $0x1  }
0x99: {  	s4 =	simm.s32 $_scs_section_size  }
0x9a: {  	s5 =	simm.s32 $_size__tile_overlayer_lowered;
	s6 =	simm.s32 $_tile_overlayer_lowered  }
0x9b: {  	s22 =	simm.s32 $0x1BFF;
	s21 =	sshll.u32 s6, $0x1;
	s3 =	sadd.s32 s4, s19  }
0x9c: {  	s7 =	simm.s32 $0x0;
	s20 =	sshll.u32 s5, $0x1;
	s5 =	sadd.s32 s21, s3  }
0x9d: {  	[timem:s7], [sflag:s22] =	dma.local [hbm:s5], s20  }
0x9e: {  	_ =	swait.ge [sflag:s22], s20  }
0x9f: {  	s4 =	ssub.s32 $0x0, s20;
	[sflag:s22] =	ssyncset.done $0x0  }
0xa0: {  	[sflag:s22] =	ssyncadd.s32 s4;
	_ =	sdelay $0x1  }
0xa1: {  	s23 =	simm.s32 $0x1B8B  }
0xa2: {  	_ =	swait.ge [sflag:s23], $0x1  }
0xa3: {  	[sflag:s23] =	ssyncset.done $0x0  }
0xa4: {  	s25 =	simm.s32 $0x1B8E;
	s24 =	sld [smem:$0x3FFE];
	[sflag:s23] =	ssyncadd.s32 $0xFFFFFFFF  }
0xa5: {  	s26 =	simm.s32 $execute0_lowered;
	[smem:$0x3FD2] =	sst s25  }
0xa6: {  	s5 =	sshll.u32 s26, $0x1;
	_ =	strace $0x80000049;
	[dreg:$0x1] =	wrdreg $0xFFFFFFFF  }
0xa7: {  	s28 =	simm.s32 $_size_execute0_lowered;
	s3 =	sadd.s32 s3, s5;
	[dreg:$0x0] =	wrdreg $0x0  }
0xa8: {  	s5 =	sshll.u32 s28, $0x1;
	[dreg:$0x2] =	wrdreg s3  }
0xa9: {  	[dreg:$0x3] =	wrdreg s5  }
0xaa: {  	[dreg:$0x4] =	wrdreg $0xC0  }
0xab: {  	_ =	task [dreg:s7], $0x5FFFF  }
0xac: {  	[dreg:$0x1] =	wrdreg $0xFFFFFFFF  }
0xad: {  	[dreg:$0x0] =	wrdreg $0x60  }
0xae: {  	[dreg:$0x2] =	wrdreg s24  }
0xaf: {  	[dreg:$0x3] =	wrdreg s2  }
0xb0: {  	[dreg:$0x4] =	wrdreg $0xA2000  }
0xb1: {  	[dreg:$0x5] =	wrdreg $0x9  }
0xb2: {  	_ =	task.clear_ibuf [dreg:s7], $0x6FFFF;
	_ =	strace $0x90000049  }
0xb3: {  	s29 =	simm.s32 $0x9;
	_ =	strace $0x8000004B  }
0xb4: {  	_ =	swait.ge [sflag:s29], $0x1  }
0xb5: {  	[sflag:s29] =	ssyncadd.s32 $0xFFFFFFFF  }
0xb6: {  	_ =	strace $0x9000004B  }
0xb7: {  	_ =	sfence  }
0xb8: {  	s30 =	sld [smem:$0x0];
	_ =	sdelay $0x2  }
0xb9: {  	s31 =	sshll.u32 s1, $0xD;
	s1 =	sshrl.u32 s1, $0x2  }
0xba: {  	s3 =	sand.u32 $0x4000, s31;
	s1 =	sadd.s32 s1, s30  }
0xbb: {  	s0 =	sor.u32 s3, s0;
	s1 =	sshll.u32 s1, $0x11  }
0xbc: {  	s0 =	sor.u32 s1, s0  }
0xbd: {  	s0 =	sadd.s32 $0x8F2B, s0  }
0xbe: {  	[sflag:s0] =	ssyncadd.remote.s32 $0x1  }
0xbf: {  	_ =	sfence.sel $0xFFFF  }
0xc0: {  	[dreg:$0x0] =	wrdreg $0xFFFFFFFF;
	(pc) =	sbr.abs _section_cstart, $3  }
0xc1: {  	[dreg:$0x1] =	wrdreg $0xFFFFFFFF  }
0xc2: {  	_ =	task.clear_ibuf [dreg:s7], $0x2FFFF;
	_ =	strace $0x9FFFFFFF  }
0xc3: {  	(tm) =	ssettm $0x7FFFFFFF  }
tec
execute0_lowered:
.L_overlay_start_1:
0x0: {  	(tag) =	ssettag $0x1  }
0x1: {  	s0 =	srdreg.scid  }
0x2: {  	s1 =	rddreg [dreg:$0x0];
	s18 =	stileid.u32;
	s11 =	sand.u32 $0x1, s0  }
0x3: {  	s12 =	smul.u32 $0x14000, s18;
	s13 =	sadd.s32 $0x29C00, s1;
	s0 =	ssub.s32 $0x2, s11  }
0x4: {  	s3 =	sshll.u32 s11, $0x4;
	s15 =	smul.u32 $0x140000, s11;
	s2 =	sshrl.u32 s0, $0x1  }
0x5: {  	s14 =	sor.u32 s18, s3;
	s3 =	sadd.s32 $0x4000, s12;
	s4 =	sadd.s32 $0x6000, s12  }
0x6: {  	s5 =	sadd.s32 $0x8000, s12;
	s6 =	sadd.s32 $0xA000, s12;
	s7 =	sadd.s32 $0xC000, s12  }
0x7: {  	s8 =	sadd.s32 $0xE000, s12;
	s9 =	sadd.s32 $0x10000, s12;
	s10 =	sadd.s32 $0x12000, s12  }
0x8: {  	s0 =	ssub.s32 s0, s2;
	s2 =	sor.u32 $0x2000, s12;
	s12 =	sadd.s32 s12, s15  }
0x9: {  	s14 =	smul.u32 $0x5000, s14;
	s23 =	sadd.s32 s15, s3;
	s24 =	sadd.s32 s15, s4  }
0xa: {  	s17 =	sadd.s32 s15, s5;
	s19 =	sadd.s32 s15, s6;
	s20 =	sadd.s32 s15, s7  }
0xb: {  	s21 =	sadd.s32 s15, s8;
	s16 =	sadd.s32 s15, s2;
	s12 =	sshrl.u32 s12, $0x3  }
0xc: {  	s25 =	sshrl.u32 s24, $0x3;
	s26 =	sshrl.u32 s17, $0x3;
	s12 =	sadd.s32 s13, s12  }
0xd: {  	s16 =	sshrl.u32 s16, $0x3;
	s17 =	sadd.s32 s13, s26;
	[dreg:$0x4] =	wrdreg s12  }
0xe: {  	s0 =	smax.u32 s0, $0x1;
	s22 =	sadd.s32 s13, s16;
	[dreg:$0x8] =	wrdreg s17  }
0xf: {  	s12 =	sshrl.u32 s23, $0x3;
	s23 =	sshrl.u32 s21, $0x3;
	s21 =	rddreg [dreg:$0x1]  }
0x10: {  	s26 =	smul.u32 $0x50000, s11;
	[dreg:$0x5] =	wrdreg s22;
	s12 =	sadd.s32 s13, s12  }
0x11: {  	s22 =	sshrl.u32 s20, $0x3;
	s24 =	sadd.s32 s13, s23;
	s20 =	smul.u32 $0x5000, s18  }
0x12: {  	[dreg:$0x6] =	wrdreg s12;
	s12 =	sadd.s32 s13, s25;
	s25 =	sadd.s32 s15, s9  }
0x13: {  	s15 =	sadd.s32 s15, s10;
	[dreg:$0x7] =	wrdreg s12;
	s12 =	sshrl.u32 s19, $0x3  }
0x14: {  	[dreg:$0xb] =	wrdreg s24;
	s19 =	sshrl.u32 s15, $0x3;
	s12 =	sadd.s32 s13, s12  }
0x15: {  	s11 =	sadd.s32 s13, s19;
	s19 =	smul.u32 $0x50000, s18;
	[dreg:$0x9] =	wrdreg s12  }
0x16: {  	s12 =	sadd.s32 s13, s22;
	[dreg:$0xd] =	wrdreg s11;
	s11 =	simm.s32 $0x0  }
0x17: {  	s22 =	sshrl.u32 s14, $0x3;
	[dreg:$0xa] =	wrdreg s12;
	s12 =	sshrl.u32 s25, $0x3  }
0x18: {  	[smem:$0x7FF] =	sst s11;
	s17 =	sadd.s32 s13, s12;
	s12 =	sadd.s32 s20, s26  }
0x19: {  	s20 =	sadd.s32 s21, s22;
	s26 =	sshrl.u32 s19, $0x2;
	s19 =	sadd.s32 $0x1800, s1  }
0x1a: {  	s1 =	sadd.s32 $0x29800, s1;
	[dreg:$0xc] =	wrdreg s17;
	s16 =	sor.u32 $0x380, s12  }
0x1b: {  	s23 =	sor.u32 $0x280, s12;
	s25 =	sshrl.u32 s16, $0x3;
	s16 =	rddreg [dreg:$0x2]  }
0x1c: {  	s24 =	sor.u32 $0x200, s12;
	_ =	strace $0x8000004A;
	[dreg:$0xf] =	wrdreg s1  }
0x1d: {  	s12 =	sor.u32 $0x300, s12;
	s15 =	sadd.s32 $0x20, s20;
	[dreg:$0x17] =	wrdreg s0  }
0x1e: {  	s13 =	sshrl.u32 s23, $0x3;
	s14 =	sshrl.u32 s24, $0x3;
	[dreg:$0x19] =	wrdreg s15  }
0x1f: {  	s12 =	sshrl.u32 s12, $0x3;
	[dreg:$0xe] =	wrdreg s20;
	s15 =	simm.s32 $0x3  }
0x20: {  	s0 =	simm.s32 $0x6;
	s1 =	simm.s32 $0x4;
	s13 =	sadd.s32 s13, s21  }
0x21: {  	s14 =	sadd.s32 s14, s21;
	s17 =	sadd.s32 s25, s21;
	s18 =	sadd.s32 s12, s21  }
0x22: {  	s22 =	sadd.s32 s26, s16;
	s23 =	sadd.s32 s2, s16;
	s12 =	sadd.s32 $0x10, s20  }
0x23: {  	s26 =	sadd.s32 s3, s16;
	s21 =	sadd.s32 $0x30, s20;
	[dreg:$0x18] =	wrdreg s12  }
0x24: {  	s28 =	sadd.s32 s4, s16;
	s24 =	sadd.s32 s6, s16;
	[dreg:$0x1a] =	wrdreg s21  }
0x25: {  	s30 =	sadd.s32 s5, s16;
	s25 =	sadd.s32 s7, s16;
	[dreg:$0x10] =	wrdreg s24  }
0x26: {  	s29 =	sadd.s32 s8, s16;
	s31 =	sadd.s32 s9, s16;
	[dreg:$0x11] =	wrdreg s30  }
0x27: {  	s2 =	sadd.s32 s10, s16;
	s3 =	simm.s32 $0x8200;
	[dreg:$0x12] =	wrdreg s25  }
0x28: {  	s4 =	simm.s32 $0x7;
	s5 =	simm.s32 $0x5;
	[dreg:$0x13] =	wrdreg s29  }
0x29: {  	s6 =	simm.s32 $0x100;
	s7 =	simm.s32 $0x80;
	[dreg:$0x14] =	wrdreg s31  }
0x2a: {  	s8 =	simm.s32 $0x180;
	s9 =	simm.s32 $0x1;
	[dreg:$0x15] =	wrdreg s26  }
0x2b: {  	s10 =	simm.s32 $0x200;
	s21 =	simm.s32 $0x0;
	[dreg:$0x16] =	wrdreg s2  }
0x2c: {  	s20 =	simm.s32 $0x2;
	s12 =	simm.s32 $0x4200;
	[dreg:$0x1b] =	wrdreg s21  }
.LBB2_1:
0x2d: {  	s21 =	rddreg [dreg:$0xf]  }
0x2e: {  	[tilespmem:s3], [sflag:$0x7] =	stream.linear.gather [hbm4b:s21+s11], $0x2000, $0x38;
	[tilespmem:$0x1E200] =	vst v63  }
0x2f: {  	_ =	swait.ge [sflag:s4], $0x2000  }
0x30: {  	[sflag:s4] =	ssyncset.done $0x0  }
0x31: {  	[sflag:s4] =	ssyncadd.s32 $0xFFFFE000  }
0x32: {  	[spmem:s22] =	stream.linear.scatter [tilespmem:s3], [sflag:$0x5], $0x2000, $0x38;
	[tilespmem:$0x1E200] =	vst v63  }
0x33: {  	_ = 	snop  }
0x34: {  	[spmem:s23] =	stream.linear.scatter [tilespmem:s3], [sflag:$0x5], $0x2000, $0x38;
	[tilespmem:$0x1E200] =	vst v63  }
0x35: {  	s21 =	smov.u32 s26  }
0x36: {  	[spmem:s21] =	stream.linear.scatter [tilespmem:s3], [sflag:$0x5], $0x2000, $0x38;
	[tilespmem:$0x1E200] =	vst v63  }
0x37: {  	_ = 	snop  }
0x38: {  	[spmem:s28] =	stream.linear.scatter [tilespmem:s3], [sflag:$0x5], $0x2000, $0x38;
	[tilespmem:$0x1E200] =	vst v63  }
0x39: {  	_ = 	snop  }
0x3a: {  	[spmem:s30] =	stream.linear.scatter [tilespmem:s3], [sflag:$0x5], $0x2000, $0x38;
	[tilespmem:$0x1E200] =	vst v63  }
0x3b: {  	_ = 	snop  }
0x3c: {  	[spmem:s24] =	stream.linear.scatter [tilespmem:s3], [sflag:$0x5], $0x2000, $0x38;
	[tilespmem:$0x1E200] =	vst v63  }
0x3d: {  	s26 =	smov.u32 s22;
	s22 =	smov.u32 s25  }
0x3e: {  	[spmem:s22] =	stream.linear.scatter [tilespmem:s3], [sflag:$0x5], $0x2000, $0x38;
	[tilespmem:$0x1E200] =	vst v63  }
0x3f: {  	s25 =	smov.u32 s23;
	s23 =	smov.u32 s29  }
0x40: {  	[spmem:s23] =	stream.linear.scatter [tilespmem:s3], [sflag:$0x5], $0x2000, $0x38;
	[tilespmem:$0x1E200] =	vst v63  }
0x41: {  	_ = 	snop  }
0x42: {  	[spmem:s31] =	stream.linear.scatter [tilespmem:s3], [sflag:$0x5], $0x2000, $0x38;
	[tilespmem:$0x1E200] =	vst v63  }
0x43: {  	_ = 	snop  }
0x44: {  	[spmem:s2] =	stream.linear.scatter [tilespmem:s3], [sflag:$0x5], $0x2000, $0x38;
	[tilespmem:$0x1E200] =	vst v63  }
0x45: {  	_ =	swait.ge [sflag:s5], $0x2000  }
0x46: {  	[sflag:s5] =	ssyncset.done $0x0  }
0x47: {  	[sflag:s5] =	ssyncadd.s32 $0xFFFFE000  }
0x48: {  	_ =	swait.ge [sflag:s5], $0x2000  }
0x49: {  	[sflag:s5] =	ssyncset.done $0x0  }
0x4a: {  	[sflag:s5] =	ssyncadd.s32 $0xFFFFE000  }
0x4b: {  	_ =	swait.ge [sflag:s5], $0x2000  }
0x4c: {  	[sflag:s5] =	ssyncset.done $0x0  }
0x4d: {  	[sflag:s5] =	ssyncadd.s32 $0xFFFFE000  }
0x4e: {  	_ =	swait.ge [sflag:s5], $0x2000  }
0x4f: {  	[sflag:s5] =	ssyncset.done $0x0  }
0x50: {  	[sflag:s5] =	ssyncadd.s32 $0xFFFFE000  }
0x51: {  	_ =	swait.ge [sflag:s5], $0x2000  }
0x52: {  	[sflag:s5] =	ssyncset.done $0x0  }
0x53: {  	[sflag:s5] =	ssyncadd.s32 $0xFFFFE000  }
0x54: {  	_ =	swait.ge [sflag:s5], $0x2000  }
0x55: {  	[sflag:s5] =	ssyncset.done $0x0  }
0x56: {  	[sflag:s5] =	ssyncadd.s32 $0xFFFFE000  }
0x57: {  	_ =	swait.ge [sflag:s5], $0x2000  }
0x58: {  	[sflag:s5] =	ssyncset.done $0x0  }
0x59: {  	[sflag:s5] =	ssyncadd.s32 $0xFFFFE000  }
0x5a: {  	_ =	swait.ge [sflag:s5], $0x2000  }
0x5b: {  	[sflag:s5] =	ssyncset.done $0x0  }
0x5c: {  	[sflag:s5] =	ssyncadd.s32 $0xFFFFE000  }
0x5d: {  	_ =	swait.ge [sflag:s5], $0x2000  }
0x5e: {  	[sflag:s5] =	ssyncset.done $0x0  }
0x5f: {  	[sflag:s5] =	ssyncadd.s32 $0xFFFFE000  }
0x60: {  	_ =	swait.ge [sflag:s5], $0x2000  }
0x61: {  	[sflag:s5] =	ssyncset.done $0x0  }
0x62: {  	[sflag:s5] =	ssyncadd.s32 $0xFFFFE000  }
0x63: {  	[bflag:$0x0] =	sbarrier.arrive $0xFFFF  }
0x64: {  	s2 =	rddreg [dreg:$0xe]  }
0x65: {  	[tilespmem:s11], [sflag:$0x1] =	stream.linear.gather [hbm4b:s2+s11], $0x80, $0x38;
	[tilespmem:$0x1E200] =	vst v63  }
0x66: {  	s22 =	rddreg [dreg:$0x18]  }
0x67: {  	[tilespmem:s6], [sflag:$0x3] =	stream.linear.gather [hbm4b:s22+s11], $0x80, $0x38;
	[tilespmem:$0x1E200] =	vst v63  }
0x68: {  	s23 =	rddreg [dreg:$0x19]  }
0x69: {  	[tilespmem:s7], [sflag:$0x2] =	stream.linear.gather [hbm4b:s23+s11], $0x80, $0x38;
	[tilespmem:$0x1E200] =	vst v63  }
0x6a: {  	s24 =	rddreg [dreg:$0x1a]  }
0x6b: {  	[tilespmem:s8], [sflag:$0x4] =	stream.linear.gather [hbm4b:s24+s11], $0x80, $0x38;
	[tilespmem:$0x1E200] =	vst v63  }
0x6c: {  	_ =	swait.ge [sflag:s9], $0x80  }
0x6d: {  	[sflag:s9] =	ssyncset.done $0x0  }
0x6e: {  	[sflag:s9] =	ssyncadd.s32 $0xFFFFFF80  }
0x6f: {  	[tilespmem:s10], [sflag:$0x5] =	stream.indirect.gather [hbm4b:s19+s7], $0x80, s11, s7, $0xb8;
	[tilespmem:$0x1E200] =	vst v63  }
0x70: {  	_ =	swait.ge [sflag:s20], $0x80  }
0x71: {  	[sflag:s20] =	ssyncset.done $0x0  }
0x72: {  	[sflag:s20] =	ssyncadd.s32 $0xFFFFFF80  }
0x73: {  	[tilespmem:s12], [sflag:$0x6] =	stream.indirect.gather [hbm4b:s19+s7], $0x80, s7, s7, $0xb8;
	[tilespmem:$0x1E200] =	vst v63  }
0x74: {  	_ =	swait.ge [sflag:s5], $0x4000  }
0x75: {  	[sflag:s5] =	ssyncset.done $0x0  }
0x76: {  	s29 =	smov.u32 s28;
	s28 =	sadd.s32 $0x0, s14;
	[sflag:s5] =	ssyncadd.s32 $0xFFFFC000  }
0x77: {  	[tilespmem:s11], [sflag:$0x1] =	stream.linear.gather [hbm4b:s28+s11], $0x80, $0x38;
	[tilespmem:$0x1E200] =	vst v63  }
0x78: {  	_ =	swait.ge [sflag:s15], $0x80  }
0x79: {  	[sflag:s15] =	ssyncset.done $0x0  }
0x7a: {  	[sflag:s15] =	ssyncadd.s32 $0xFFFFFF80  }
0x7b: {  	[spmem:s16] =	stream.indirect.scatter.add.f32 [tilespmem:s10], [sflag:$0x7], $0x80, s6, s7, $0xb8;
	[tilespmem:$0x1E200] =	vst v63  }
0x7c: {  	_ =	swait.ge [sflag:s4], $0x4000  }
0x7d: {  	[sflag:s4] =	ssyncset.done $0x0  }
0x7e: {  	s30 =	sadd.s32 $0x0, s13;
	[sflag:s4] =	ssyncadd.s32 $0xFFFFC000  }
0x7f: {  	[tilespmem:s6], [sflag:$0x3] =	stream.linear.gather [hbm4b:s30+s11], $0x80, $0x38;
	[tilespmem:$0x1E200] =	vst v63  }
0x80: {  	_ =	swait.ge [sflag:s9], $0x80  }
0x81: {  	[sflag:s9] =	ssyncset.done $0x0  }
0x82: {  	[sflag:s9] =	ssyncadd.s32 $0xFFFFFF80  }
0x83: {  	[tilespmem:s10], [sflag:$0x5] =	stream.indirect.gather [hbm4b:s19+s7], $0x80, s11, s7, $0xb8;
	[tilespmem:$0x1E200] =	vst v63  }
0x84: {  	_ =	swait.ge [sflag:s0], $0x4000  }
0x85: {  	[sflag:s0] =	ssyncset.done $0x0  }
0x86: {  	s31 =	sadd.s32 $0x0, s18;
	[sflag:s0] =	ssyncadd.s32 $0xFFFFC000  }
0x87: {  	[tilespmem:s7], [sflag:$0x2] =	stream.linear.gather [hbm4b:s31+s11], $0x80, $0x38;
	[tilespmem:$0x1E200] =	vst v63  }
0x88: {  	_ =	swait.ge [sflag:s1], $0x80  }
0x89: {  	[sflag:s1] =	ssyncset.done $0x0  }
0x8a: {  	[sflag:s1] =	ssyncadd.s32 $0xFFFFFF80  }
0x8b: {  	[spmem:s16] =	stream.indirect.scatter.add.f32 [tilespmem:s12], [sflag:$0x7], $0x80, s8, s7, $0xb8;
	[tilespmem:$0x1E200] =	vst v63  }
0x8c: {  	_ =	swait.ge [sflag:s4], $0x4000  }
0x8d: {  	[sflag:s4] =	ssyncset.done $0x0  }
0x8e: {  	s21 =	simm.s32 $0x40;
	s22 =	sadd.s32 $0x0, s17;
	[sflag:s4] =	ssyncadd.s32 $0xFFFFC000  }
.LBB2_2:
0x8f: {  	[tilespmem:s8], [sflag:$0x4] =	stream.linear.gather [hbm4b:s22+s11], $0x80, $0x38;
	[tilespmem:$0x1E200] =	vst v63  }
0x90: {  	s22 =	smov.u32 s21  }
0x91: {  	p0 =	sne.s32 s21, $0x980;
	s21 =	sadd.s32 $0x40, s21;
	_ =	swait.ge [sflag:s20], $0x80  }
0x92: {  	[sflag:s20] =	ssyncset.done $0x0  }
0x93: {  	[sflag:s20] =	ssyncadd.s32 $0xFFFFFF80  }
0x94: {  	[tilespmem:s12], [sflag:$0x6] =	stream.indirect.gather [hbm4b:s19+s7], $0x80, s7, s7, $0xb8;
	[tilespmem:$0x1E200] =	vst v63  }
0x95: {  	_ =	swait.ge [sflag:s5], $0x4000  }
0x96: {  	[sflag:s5] =	ssyncset.done $0x0  }
0x97: {  	s23 =	sadd.s32 s22, s14;
	[sflag:s5] =	ssyncadd.s32 $0xFFFFC000  }
0x98: {  	[tilespmem:s11], [sflag:$0x1] =	stream.linear.gather [hbm4b:s23+s11], $0x80, $0x38;
	[tilespmem:$0x1E200] =	vst v63  }
0x99: {  	_ =	swait.ge [sflag:s15], $0x80  }
0x9a: {  	[sflag:s15] =	ssyncset.done $0x0  }
0x9b: {  	[sflag:s15] =	ssyncadd.s32 $0xFFFFFF80  }
0x9c: {  	[spmem:s16] =	stream.indirect.scatter.add.f32 [tilespmem:s10], [sflag:$0x7], $0x80, s6, s7, $0xb8;
	[tilespmem:$0x1E200] =	vst v63  }
0x9d: {  	_ =	swait.ge [sflag:s4], $0x4000  }
0x9e: {  	[sflag:s4] =	ssyncset.done $0x0  }
0x9f: {  	s23 =	sadd.s32 s22, s13;
	[sflag:s4] =	ssyncadd.s32 $0xFFFFC000  }
0xa0: {  	[tilespmem:s6], [sflag:$0x3] =	stream.linear.gather [hbm4b:s23+s11], $0x80, $0x38;
	[tilespmem:$0x1E200] =	vst v63  }
0xa1: {  	_ =	swait.ge [sflag:s9], $0x80  }
0xa2: {  	[sflag:s9] =	ssyncset.done $0x0  }
0xa3: {  	[sflag:s9] =	ssyncadd.s32 $0xFFFFFF80  }
0xa4: {  	[tilespmem:s10], [sflag:$0x5] =	stream.indirect.gather [hbm4b:s19+s7], $0x80, s11, s7, $0xb8;
	[tilespmem:$0x1E200] =	vst v63  }
0xa5: {  	_ =	swait.ge [sflag:s0], $0x4000  }
0xa6: {  	[sflag:s0] =	ssyncset.done $0x0  }
0xa7: {  	s23 =	sadd.s32 s22, s18;
	[sflag:s0] =	ssyncadd.s32 $0xFFFFC000  }
0xa8: {  	[tilespmem:s7], [sflag:$0x2] =	stream.linear.gather [hbm4b:s23+s11], $0x80, $0x38;
	[tilespmem:$0x1E200] =	vst v63  }
0xa9: {  	_ =	swait.ge [sflag:s1], $0x80  }
0xaa: {  	[sflag:s1] =	ssyncset.done $0x0  }
.Ltmp0:
0xab: {  	[sflag:s1] =	ssyncadd.s32 $0xFFFFFF80;
	(pc) =	sbr.rel @p0 .LBB2_2-.Ltmp0, $4  }
0xac: {  	[spmem:s16] =	stream.indirect.scatter.add.f32 [tilespmem:s12], [sflag:$0x7], $0x80, s8, s7, $0xb8;
	[tilespmem:$0x1E200] =	vst v63  }
0xad: {  	_ =	swait.ge [sflag:s4], $0x4000  }
0xae: {  	[sflag:s4] =	ssyncset.done $0x0  }
0xaf: {  	s22 =	sadd.s32 s22, s17;
	[sflag:s4] =	ssyncadd.s32 $0xFFFFC000  }
0xb0: {  	[tilespmem:s8], [sflag:$0x4] =	stream.linear.gather [hbm4b:s22+s11], $0x80, $0x38;
	[tilespmem:$0x1E200] =	vst v63  }
0xb1: {  	_ =	swait.ge [sflag:s20], $0x80  }
0xb2: {  	[sflag:s20] =	ssyncset.done $0x0  }
0xb3: {  	[sflag:s20] =	ssyncadd.s32 $0xFFFFFF80  }
0xb4: {  	[tilespmem:s12], [sflag:$0x6] =	stream.indirect.gather [hbm4b:s19+s7], $0x80, s7, s7, $0xb8;
	[tilespmem:$0x1E200] =	vst v63  }
0xb5: {  	_ =	swait.ge [sflag:s5], $0x4000  }
0xb6: {  	[sflag:s5] =	ssyncset.done $0x0  }
0xb7: {  	[sflag:s5] =	ssyncadd.s32 $0xFFFFC000  }
0xb8: {  	_ =	swait.ge [sflag:s15], $0x80  }
0xb9: {  	[sflag:s15] =	ssyncset.done $0x0  }
0xba: {  	[sflag:s15] =	ssyncadd.s32 $0xFFFFFF80  }
0xbb: {  	[spmem:s16] =	stream.indirect.scatter.add.f32 [tilespmem:s10], [sflag:$0x7], $0x80, s6, s7, $0xb8;
	[tilespmem:$0x1E200] =	vst v63  }
0xbc: {  	_ =	swait.ge [sflag:s4], $0x4000  }
0xbd: {  	[sflag:s4] =	ssyncset.done $0x0  }
0xbe: {  	[sflag:s4] =	ssyncadd.s32 $0xFFFFC000  }
0xbf: {  	_ =	swait.ge [sflag:s0], $0x4000  }
0xc0: {  	[sflag:s0] =	ssyncset.done $0x0  }
0xc1: {  	[sflag:s0] =	ssyncadd.s32 $0xFFFFC000  }
0xc2: {  	_ =	swait.ge [sflag:s1], $0x80  }
0xc3: {  	[sflag:s1] =	ssyncset.done $0x0  }
0xc4: {  	[sflag:s1] =	ssyncadd.s32 $0xFFFFFF80  }
0xc5: {  	[spmem:s16] =	stream.indirect.scatter.add.f32 [tilespmem:s12], [sflag:$0x7], $0x80, s8, s7, $0xb8;
	[tilespmem:$0x1E200] =	vst v63  }
0xc6: {  	_ =	swait.ge [sflag:s4], $0x4000  }
0xc7: {  	[sflag:s4] =	ssyncset.done $0x0  }
0xc8: {  	[sflag:s4] =	ssyncadd.s32 $0xFFFFC000  }
0xc9: {  	[bflag:$0x0] =	sbarrier.arrive $0xFFFF  }
0xca: {  	[tilespmem:s3], [sflag:$0x7] =	stream.linear.gather [spmem:s26], $0x2000, $0x38;
	[tilespmem:$0x1E200] =	vst v63  }
0xcb: {  	_ =	swait.ge [sflag:s4], $0x2000  }
0xcc: {  	[sflag:s4] =	ssyncset.done $0x0  }
0xcd: {  	s21 =	rddreg [dreg:$0x4];
	[sflag:s4] =	ssyncadd.s32 $0xFFFFE000  }
0xce: {  	[hbm4b:s21+s11] =	stream.linear.scatter [tilespmem:s3], [sflag:$0x1], $0x2000, $0x38;
	[tilespmem:$0x1E200] =	vst v63  }
0xcf: {  	_ = 	snop  }
0xd0: {  	[tilespmem:s10], [sflag:$0x7] =	stream.linear.gather [spmem:s25], $0x2000, $0x38;
	[tilespmem:$0x1E200] =	vst v63  }
0xd1: {  	_ =	swait.ge [sflag:s4], $0x2000  }
0xd2: {  	[sflag:s4] =	ssyncset.done $0x0  }
0xd3: {  	s24 =	rddreg [dreg:$0x5];
	[sflag:s4] =	ssyncadd.s32 $0xFFFFE000  }
0xd4: {  	[hbm4b:s24+s11] =	stream.linear.scatter [tilespmem:s10], [sflag:$0x2], $0x2000, $0x38;
	[tilespmem:$0x1E200] =	vst v63  }
0xd5: {  	_ =	swait.ge [sflag:s9], $0x2000  }
0xd6: {  	[sflag:s9] =	ssyncset.done $0x0  }
0xd7: {  	s22 =	smov.u32 s26;
	s26 =	rddreg [dreg:$0x15];
	[sflag:s9] =	ssyncadd.s32 $0xFFFFE000  }
0xd8: {  	[tilespmem:s3], [sflag:$0x7] =	stream.linear.gather [spmem:s26], $0x2000, $0x38;
	[tilespmem:$0x1E200] =	vst v63  }
0xd9: {  	_ =	swait.ge [sflag:s4], $0x2000  }
0xda: {  	[sflag:s4] =	ssyncset.done $0x0  }
0xdb: {  	s23 =	smov.u32 s25;
	s25 =	rddreg [dreg:$0x6];
	[sflag:s4] =	ssyncadd.s32 $0xFFFFE000  }
0xdc: {  	[hbm4b:s25+s11] =	stream.linear.scatter [tilespmem:s3], [sflag:$0x1], $0x2000, $0x38;
	[tilespmem:$0x1E200] =	vst v63  }
0xdd: {  	_ =	swait.ge [sflag:s20], $0x2000  }
0xde: {  	[sflag:s20] =	ssyncset.done $0x0  }
0xdf: {  	[sflag:s20] =	ssyncadd.s32 $0xFFFFE000  }
0xe0: {  	[tilespmem:s10], [sflag:$0x7] =	stream.linear.gather [spmem:s29], $0x2000, $0x38;
	[tilespmem:$0x1E200] =	vst v63  }
0xe1: {  	_ =	swait.ge [sflag:s4], $0x2000  }
0xe2: {  	[sflag:s4] =	ssyncset.done $0x0  }
0xe3: {  	s2 =	rddreg [dreg:$0x7];
	[sflag:s4] =	ssyncadd.s32 $0xFFFFE000  }
0xe4: {  	[hbm4b:s2+s11] =	stream.linear.scatter [tilespmem:s10], [sflag:$0x2], $0x2000, $0x38;
	[tilespmem:$0x1E200] =	vst v63  }
0xe5: {  	_ =	swait.ge [sflag:s9], $0x2000  }
0xe6: {  	[sflag:s9] =	ssyncset.done $0x0  }
0xe7: {  	s30 =	rddreg [dreg:$0x11];
	[sflag:s9] =	ssyncadd.s32 $0xFFFFE000  }
0xe8: {  	[tilespmem:s3], [sflag:$0x7] =	stream.linear.gather [spmem:s30], $0x2000, $0x38;
	[tilespmem:$0x1E200] =	vst v63  }
0xe9: {  	_ =	swait.ge [sflag:s4], $0x2000  }
0xea: {  	[sflag:s4] =	ssyncset.done $0x0  }
0xeb: {  	s24 =	rddreg [dreg:$0x8];
	[sflag:s4] =	ssyncadd.s32 $0xFFFFE000  }
0xec: {  	[hbm4b:s24+s11] =	stream.linear.scatter [tilespmem:s3], [sflag:$0x1], $0x2000, $0x38;
	[tilespmem:$0x1E200] =	vst v63  }
0xed: {  	_ =	swait.ge [sflag:s20], $0x2000  }
0xee: {  	[sflag:s20] =	ssyncset.done $0x0  }
0xef: {  	s24 =	rddreg [dreg:$0x10];
	[sflag:s20] =	ssyncadd.s32 $0xFFFFE000  }
0xf0: {  	[tilespmem:s10], [sflag:$0x7] =	stream.linear.gather [spmem:s24], $0x2000, $0x38;
	[tilespmem:$0x1E200] =	vst v63  }
0xf1: {  	_ =	swait.ge [sflag:s4], $0x2000  }
0xf2: {  	[sflag:s4] =	ssyncset.done $0x0  }
0xf3: {  	s25 =	rddreg [dreg:$0x9];
	[sflag:s4] =	ssyncadd.s32 $0xFFFFE000  }
0xf4: {  	[hbm4b:s25+s11] =	stream.linear.scatter [tilespmem:s10], [sflag:$0x2], $0x2000, $0x38;
	[tilespmem:$0x1E200] =	vst v63  }
0xf5: {  	_ =	swait.ge [sflag:s9], $0x2000  }
0xf6: {  	[sflag:s9] =	ssyncset.done $0x0  }
0xf7: {  	s25 =	rddreg [dreg:$0x12];
	[sflag:s9] =	ssyncadd.s32 $0xFFFFE000  }
0xf8: {  	[tilespmem:s3], [sflag:$0x7] =	stream.linear.gather [spmem:s25], $0x2000, $0x38;
	[tilespmem:$0x1E200] =	vst v63  }
0xf9: {  	_ =	swait.ge [sflag:s4], $0x2000  }
0xfa: {  	[sflag:s4] =	ssyncset.done $0x0  }
0xfb: {  	s2 =	rddreg [dreg:$0xa];
	[sflag:s4] =	ssyncadd.s32 $0xFFFFE000  }
0xfc: {  	[hbm4b:s2+s11] =	stream.linear.scatter [tilespmem:s3], [sflag:$0x1], $0x2000, $0x38;
	[tilespmem:$0x1E200] =	vst v63  }
0xfd: {  	_ =	swait.ge [sflag:s20], $0x2000  }
0xfe: {  	[sflag:s20] =	ssyncset.done $0x0  }
0xff: {  	s28 =	smov.u32 s29;
	s29 =	rddreg [dreg:$0x13];
	[sflag:s20] =	ssyncadd.s32 $0xFFFFE000  }
0x100: {  	[tilespmem:s10], [sflag:$0x7] =	stream.linear.gather [spmem:s29], $0x2000, $0x38;
	[tilespmem:$0x1E200] =	vst v63  }
0x101: {  	_ =	swait.ge [sflag:s4], $0x2000  }
0x102: {  	[sflag:s4] =	ssyncset.done $0x0  }
0x103: {  	s2 =	rddreg [dreg:$0xb];
	[sflag:s4] =	ssyncadd.s32 $0xFFFFE000  }
0x104: {  	[hbm4b:s2+s11] =	stream.linear.scatter [tilespmem:s10], [sflag:$0x2], $0x2000, $0x38;
	[tilespmem:$0x1E200] =	vst v63  }
0x105: {  	_ =	swait.ge [sflag:s9], $0x2000  }
0x106: {  	[sflag:s9] =	ssyncset.done $0x0  }
0x107: {  	s31 =	rddreg [dreg:$0x14];
	[sflag:s9] =	ssyncadd.s32 $0xFFFFE000  }
0x108: {  	[tilespmem:s3], [sflag:$0x7] =	stream.linear.gather [spmem:s31], $0x2000, $0x38;
	[tilespmem:$0x1E200] =	vst v63  }
0x109: {  	_ =	swait.ge [sflag:s4], $0x2000  }
0x10a: {  	[sflag:s4] =	ssyncset.done $0x0  }
0x10b: {  	s2 =	rddreg [dreg:$0xc];
	[sflag:s4] =	ssyncadd.s32 $0xFFFFE000  }
0x10c: {  	[hbm4b:s2+s11] =	stream.linear.scatter [tilespmem:s3], [sflag:$0x1], $0x2000, $0x38;
	[tilespmem:$0x1E200] =	vst v63  }
0x10d: {  	_ =	swait.ge [sflag:s20], $0x2000  }
0x10e: {  	[sflag:s20] =	ssyncset.done $0x0  }
0x10f: {  	s2 =	rddreg [dreg:$0x16];
	[sflag:s20] =	ssyncadd.s32 $0xFFFFE000  }
0x110: {  	[tilespmem:s10], [sflag:$0x7] =	stream.linear.gather [spmem:s2], $0x2000, $0x38;
	[tilespmem:$0x1E200] =	vst v63  }
0x111: {  	_ =	swait.ge [sflag:s4], $0x2000  }
0x112: {  	[sflag:s4] =	ssyncset.done $0x0  }
0x113: {  	s3 =	rddreg [dreg:$0xd];
	[sflag:s4] =	ssyncadd.s32 $0xFFFFE000  }
0x114: {  	[hbm4b:s3+s11] =	stream.linear.scatter [tilespmem:s10], [sflag:$0x2], $0x2000, $0x38;
	[tilespmem:$0x1E200] =	vst v63  }
0x115: {  	_ =	swait.ge [sflag:s9], $0x2000  }
0x116: {  	[sflag:s9] =	ssyncset.done $0x0  }
0x117: {  	[sflag:s9] =	ssyncadd.s32 $0xFFFFE000  }
0x118: {  	_ =	swait.ge [sflag:s20], $0x2000  }
0x119: {  	s21 =	rddreg [dreg:$0x1b]  }
0x11a: {  	s3 =	sadd.s32 $0x1, s21;
	s21 =	rddreg [dreg:$0x17]  }
0x11b: {  	p0 =	sne.s32 s3, s21  }
.Ltmp1:
0x11c: {  	_ = 	snop;
	(pc) =	sbr.rel @p0 .LBB2_1-.Ltmp1, $3  }
0x11d: {  	_ =	sdelay $0x1  }
0x11e: {  	[sflag:s20] =	ssyncset.done $0x0  }
0x11f: {  	[sflag:s20] =	ssyncadd.s32 $0xFFFFE000;
	[dreg:$0x1b] =	wrdreg s3;
	s3 =	simm.s32 $0x8200  }
0x120: {  	_ =	sfence.sel $0x180000  }
0x121: {  	[bflag:$0x0] =	sbarrier.arrive $0xFFFF  }
0x122: {  	_ =	strace $0x9000004A  }
0x123: {  	s0 =	stileid.u32;
	[bflag:$0x2] =	sbarrier.arrive $0xFFFF  }
0x124: {  	p0 =	sne.s32 s0, $0x0;
	s0 =	rddreg [dreg:$0x3]  }
0x125: {  	s0 =	sadd.s32 @!p0 $0x100000, s0  }
0x126: {  	[sflag:s0] =	ssyncadd.tile.s32 @!p0 $0x1;
	_ =	shalt  }
.Lfunc_end2:
_tile_overlayer_lowered:
.L_overlay_start_2:
0x127: {  	(tag) =	ssettag $0x2  }
0x128: {  	s0 =	rddreg [dreg:$0x0];
	s2 =	stileid.u32  }
0x129: {  	s1 =	rddreg [dreg:$0x1];
	p0 =	sne.s32 s2, $0x0  }
0x12a: {  	s3 =	rddreg [dreg:$0x2];
	[bflag:$0x3] =	sbarrier.arrive $0xFFFF;
	s2 =	simm.s32 @!p0 $0x1C07  }
0x12b: {  	[timem:s3], [sflag:s2] =	dma.local @!p0 [hbm:s0], s1  }
0x12c: {  	s0 =	simm.s32 @!p0 $0x7  }
0x12d: {  	_ =	swait.ge @!p0 [sflag:s0], s1  }
0x12e: {  	s1 =	ssub.s32 @!p0 $0x0, s1;
	[sflag:s0] =	ssyncset.done @!p0 $0x0  }
0x12f: {  	[sflag:s0] =	ssyncadd.s32 @!p0 s1  }
0x130: {  	[bflag:$0x3] =	sbarrier.arrive $0xFFFF  }
0x131: {  	_ =	shalt  }

// kernel: kernel.7.cloned.1.call-start
scs
__scs_entry_jumppad:
0x0: {  	(pc) =	sbr.rel $0x88, $3  }
0x1: {  	(tag) =	ssettag $0x0;
	lr =	simm.s32 $0x1  }
0x2: {  	[smem:$0x3F9D] =	sst lr;
	_ =	strace $0xD0000000  }
0x3: {  	_ = 	snop  }
0x4: {  	_ = 	snop  }
0x5: {  	_ = 	snop  }
0x6: {  	_ = 	snop  }
0x7: {  	_ = 	snop  }
__scs_overlays_trampoline_lowered:
0x8: {  	[smem:$0x3FAC] =	sst s0  }
0x9: {  	[smem:$0x3FAD] =	sst s1  }
0xa: {  	[smem:$0x3FAE] =	sst s2  }
0xb: {  	[smem:$0x3FAF] =	sst s3  }
0xc: {  	[smem:$0x3FB0] =	sst s4  }
0xd: {  	[smem:$0x3FB1] =	sst s5  }
0xe: {  	[smem:$0x3FB2] =	sst s6  }
0xf: {  	[smem:$0x3FB3] =	sst s7  }
0x10: {  	[smem:$0x3FB4] =	sst s8  }
0x11: {  	[smem:$0x3FB5] =	sst s9;
	s0 =	simm.s32 @!p0 $0x0  }
0x12: {  	s1 =	sld [smem:$0x3F9B];
	s0 =	simm.s32 @p0 $0x1  }
0x13: {  	[smem:$0x3FB6] =	sst s0;
	s0 =	simm.s32 @!p1 $0x0  }
0x14: {  	s2 =	sld [smem:$0x3F9A];
	s0 =	simm.s32 @p1 $0x1  }
0x15: {  	[smem:$0x3FB7] =	sst s0;
	s0 =	simm.s32 @!p2 $0x0  }
0x16: {  	s3 =	sld [smem:$0x3FDB];
	s0 =	simm.s32 @p2 $0x1  }
0x17: {  	s4 =	simm.s32 $0x1BF5;
	[smem:$0x3FB9] =	sst s0  }
0x18: {  	s0 =	sld [smem:$0x3F9C];
	_ =	swait.ge [sflag:s4], $0x0  }
0x19: {  	s7 =	sld [smem:$0x3F9D]  }
0x1a: {  	s8 =	sadd.s32 $0xFFFFE003, lr  }
0x1b: {  	s9 =	sadd.s32 $0xFFFFFEF7, lr;
	s5 =	simm.s32 $0xFFFFFFFF;
	p2 =	slt.u32 s8, $0xFFFFF086  }
0x1c: {  	p1 =	slt.u32 s9, $0xF7A;
	s5 =	simm.s32 @!p2 $0x0  }
0x1d: {  	s5 =	simm.s32 @p1 $0x1;
	p0 =	seq.s32 s7, s2  }
0x1e: {  	s7 =	smul.u32 @!p0 $0xF7A, s2;
	p2 =	seq.s32 @!p0 s5, $0x0  }
0x1f: {  	s9 =	smul.u32 $0xF7A, s1;
	s8 =	simm.s32 @!p0 $0x1BF5;
	p2 =	por !p2, p0  }
0x20: {  	[sflag:s8] =	ssyncset.s32 @!p0 $0xFFFFF086;
	s6 =	sadd.s32 @!p0 s3, s7;
	s7 =	simm.s32 @!p0 $0x108  }
0x21: {  	s3 =	sadd.s32 s3, s9;
	s6 =	sadd.s32 @!p0 $0x88, s6;
	s7 =	simm.s32 @p2 $0x1082  }
0x22: {  	[simem:s7], [sflag:s8] =	dma.local @!p0 [hbm:s6], $0xF7A  }
0x23: {  	s9 =	sor.u32 $0xD0000000, s2;
	s6 =	simm.s32 $0x108;
	_ =	swait.ge @!p0 [sflag:s8], $0x0  }
0x24: {  	s3 =	sadd.s32 $0x88, s3;
	s6 =	simm.s32 @!p1 $0x1082;
	[sflag:s4] =	ssyncset.s32 $0xFFFFF086  }
0x25: {  	[simem:s6], [sflag:s4] =	dma.local [hbm:s3], $0xF7A  }
0x26: {  	[smem:$0x3F9D] =	sst s1;
	(tag) =	ssettag s2;
	_ =	strace s9  }
0x27: {  	s1 =	sld [smem:$0x3FAD]  }
0x28: {  	s2 =	sld [smem:$0x3FAE]  }
0x29: {  	s4 =	sld [smem:$0x3FB0]  }
0x2a: {  	p0 =	seq.s32 s5, $0x0;
	s5 =	sld [smem:$0x3FB1]  }
0x2b: {  	s6 =	sld [smem:$0x3FB2]  }
0x2c: {  	s7 =	sld [smem:$0x3FB3]  }
0x2d: {  	s3 =	simm.s32 $0x108;
	s8 =	sld [smem:$0x3FB4]  }
0x2e: {  	s3 =	simm.s32 @!p0 $0x1082;
	s9 =	sld [smem:$0x3FB5]  }
0x2f: {  	lr =	sadd.s32 s0, s3;
	s0 =	sld [smem:$0x3FAC]  }
0x30: {  	s3 =	sld [smem:$0x3FAF]  }
0x31: {  	[smem:$0x3FB8] =	sst s10  }
0x32: {  	s10 =	sld [smem:$0x3FB6];
	_ =	sdelay $0x3  }
0x33: {  	p0 =	seq.s32 s10, $0x1;
	s10 =	sld [smem:$0x3FB8];
	_ =	sdelay $0x3  }
0x34: {  	[smem:$0x3FB8] =	sst s10  }
0x35: {  	s10 =	sld [smem:$0x3FB7];
	_ =	sdelay $0x3  }
0x36: {  	p1 =	seq.s32 s10, $0x1;
	s10 =	sld [smem:$0x3FB8];
	_ =	sdelay $0x3  }
0x37: {  	[smem:$0x3FB8] =	sst s10  }
0x38: {  	s10 =	sld [smem:$0x3FB9]  }
0x39: {  	_ = 	snop;
	(pc) =	sbr.ind lr, $3  }
0x3a: {  	_ = 	snop  }
0x3b: {  	_ = 	snop  }
0x3c: {  	p2 =	seq.s32 s10, $0x1;
	s10 =	sld [smem:$0x3FB8]  }
0x3d: {  	_ =	shalt  }
0x3e: {  	_ =	shalt  }
0x3f: {  	_ =	shalt  }
0x40: {  	_ =	shalt  }
0x41: {  	_ =	shalt  }
0x42: {  	_ =	shalt  }
0x43: {  	_ =	shalt  }
0x44: {  	_ =	shalt  }
0x45: {  	_ =	shalt  }
0x46: {  	_ =	shalt  }
0x47: {  	_ =	shalt  }
0x48: {  	_ =	shalt  }
0x49: {  	_ =	shalt  }
0x4a: {  	_ =	shalt  }
0x4b: {  	_ =	shalt  }
0x4c: {  	_ =	shalt  }
0x4d: {  	_ =	shalt  }
0x4e: {  	_ =	shalt  }
0x4f: {  	_ =	shalt  }
0x50: {  	_ =	shalt  }
0x51: {  	_ =	shalt  }
0x52: {  	_ =	shalt  }
0x53: {  	_ =	shalt  }
0x54: {  	_ =	shalt  }
0x55: {  	_ =	shalt  }
0x56: {  	_ =	shalt  }
0x57: {  	_ =	shalt  }
0x58: {  	_ =	shalt  }
0x59: {  	_ =	shalt  }
0x5a: {  	_ =	shalt  }
0x5b: {  	_ =	shalt  }
0x5c: {  	_ =	shalt  }
0x5d: {  	_ =	shalt  }
0x5e: {  	_ =	shalt  }
0x5f: {  	_ =	shalt  }
0x60: {  	_ =	shalt  }
0x61: {  	_ =	shalt  }
0x62: {  	_ =	shalt  }
0x63: {  	_ =	shalt  }
0x64: {  	_ =	shalt  }
0x65: {  	_ =	shalt  }
0x66: {  	_ =	shalt  }
0x67: {  	_ =	shalt  }
0x68: {  	_ =	shalt  }
0x69: {  	_ =	shalt  }
0x6a: {  	_ =	shalt  }
0x6b: {  	_ =	shalt  }
0x6c: {  	_ =	shalt  }
0x6d: {  	_ =	shalt  }
0x6e: {  	_ =	shalt  }
0x6f: {  	_ =	shalt  }
0x70: {  	_ =	shalt  }
0x71: {  	_ =	shalt  }
0x72: {  	_ =	shalt  }
0x73: {  	_ =	shalt  }
0x74: {  	_ =	shalt  }
0x75: {  	_ =	shalt  }
0x76: {  	_ =	shalt  }
0x77: {  	_ =	shalt  }
0x78: {  	_ =	shalt  }
0x79: {  	_ =	shalt  }
0x7a: {  	_ =	shalt  }
0x7b: {  	_ =	shalt  }
0x7c: {  	_ =	shalt  }
0x7d: {  	_ =	shalt  }
0x7e: {  	_ =	shalt  }
0x7f: {  	_ =	shalt  }
0x80: {  	_ =	shalt  }
0x81: {  	_ =	shalt  }
0x82: {  	_ =	shalt  }
0x83: {  	_ =	shalt  }
0x84: {  	_ =	shalt  }
0x85: {  	_ =	shalt  }
0x86: {  	_ =	shalt  }
0x87: {  	_ =	shalt  }
.Lfunc_end0:
.L_simem_size_0:
called_computation_lowered:
.L_overlay_start_0:
0x88: {  	s2 =	sld [smem:$0x3FD9]  }
0x89: {  	s3 =	sld [smem:$0x3FFE];
	_ =	sdelay $0x1  }
0x8a: {  	s1 =	srdreg.scid  }
0x8b: {  	s0 =	sand.u32 $0x1, s1  }
0x8c: {  	s17 =	sshll.u32 s0, $0xA;
	s2 =	sadd.s32 s3, s2  }
0x8d: {  	s2 =	sadd.s32 s2, s17  }
0x8e: {  	[smem:$0x3FC4] =	sst s2  }
0x8f: {  	_ = 	snop  }
0x90: {  	s2 =	sld [smem:$0x3FD0];
	(tm) =	ssettm $0x1  }
0x91: {  	s18 =	sld [smem:$0x3FFB];
	_ =	sdelay $0x3  }
0x92: {  	_ =	strace s18  }
0x93: {  	s3 =	sld [smem:$0x3FFC];
	_ =	sdelay $0x3  }
0x94: {  	_ =	strace s3  }
0x95: {  	s3 =	sld [smem:$0x3FFD];
	_ =	sdelay $0x3  }
0x96: {  	_ =	strace s3  }
0x97: {  	_ =	strace $0x8FFFFFFF  }
0x98: {  	s19 =	sld [smem:$0x3FDB];
	_ =	sdelay $0x1  }
0x99: {  	s4 =	simm.s32 $_scs_section_size  }
0x9a: {  	s5 =	simm.s32 $_size__tile_overlayer_lowered;
	s6 =	simm.s32 $_tile_overlayer_lowered  }
0x9b: {  	s22 =	simm.s32 $0x1BFF;
	s21 =	sshll.u32 s6, $0x1;
	s3 =	sadd.s32 s4, s19  }
0x9c: {  	s7 =	simm.s32 $0x0;
	s20 =	sshll.u32 s5, $0x1;
	s5 =	sadd.s32 s21, s3  }
0x9d: {  	[timem:s7], [sflag:s22] =	dma.local [hbm:s5], s20  }
0x9e: {  	_ =	swait.ge [sflag:s22], s20  }
0x9f: {  	s4 =	ssub.s32 $0x0, s20;
	[sflag:s22] =	ssyncset.done $0x0  }
0xa0: {  	[sflag:s22] =	ssyncadd.s32 s4;
	_ =	sdelay $0x1  }
0xa1: {  	s23 =	simm.s32 $0x1B8B  }
0xa2: {  	_ =	swait.ge [sflag:s23], $0x1  }
0xa3: {  	[sflag:s23] =	ssyncset.done $0x0  }
0xa4: {  	s25 =	simm.s32 $0x1B8E;
	s24 =	sld [smem:$0x3FFE];
	[sflag:s23] =	ssyncadd.s32 $0xFFFFFFFF  }
0xa5: {  	s26 =	simm.s32 $execute0_lowered;
	[smem:$0x3FD2] =	sst s25  }
0xa6: {  	s5 =	sshll.u32 s26, $0x1;
	_ =	strace $0x80000046;
	[dreg:$0x1] =	wrdreg $0xFFFFFFFF  }
0xa7: {  	s28 =	simm.s32 $_size_execute0_lowered;
	s3 =	sadd.s32 s3, s5;
	[dreg:$0x0] =	wrdreg $0x0  }
0xa8: {  	s5 =	sshll.u32 s28, $0x1;
	[dreg:$0x2] =	wrdreg s3  }
0xa9: {  	[dreg:$0x3] =	wrdreg s5  }
0xaa: {  	[dreg:$0x4] =	wrdreg $0xC0  }
0xab: {  	_ =	task [dreg:s7], $0x5FFFF  }
0xac: {  	[dreg:$0x1] =	wrdreg $0xFFFFFFFF  }
0xad: {  	[dreg:$0x0] =	wrdreg $0x60  }
0xae: {  	[dreg:$0x2] =	wrdreg s2  }
0xaf: {  	[dreg:$0x3] =	wrdreg s24  }
0xb0: {  	[dreg:$0x4] =	wrdreg $0x7000  }
0xb1: {  	[dreg:$0x5] =	wrdreg $0x9  }
0xb2: {  	_ =	task.clear_ibuf [dreg:s7], $0x6FFFF;
	_ =	strace $0x90000046  }
0xb3: {  	s29 =	simm.s32 $0x9;
	_ =	strace $0x80000048  }
0xb4: {  	_ =	swait.ge [sflag:s29], $0x1  }
0xb5: {  	[sflag:s29] =	ssyncadd.s32 $0xFFFFFFFF  }
0xb6: {  	_ =	strace $0x90000048  }
0xb7: {  	_ =	sfence  }
0xb8: {  	s30 =	sld [smem:$0x0];
	_ =	sdelay $0x2  }
0xb9: {  	s31 =	sshll.u32 s1, $0xD;
	s1 =	sshrl.u32 s1, $0x2  }
0xba: {  	s3 =	sand.u32 $0x4000, s31;
	s1 =	sadd.s32 s1, s30  }
0xbb: {  	s0 =	sor.u32 s3, s0;
	s1 =	sshll.u32 s1, $0x11  }
0xbc: {  	s0 =	sor.u32 s1, s0  }
0xbd: {  	s0 =	sadd.s32 $0x8F2B, s0  }
0xbe: {  	[sflag:s0] =	ssyncadd.remote.s32 $0x1  }
0xbf: {  	_ =	sfence.sel $0xFFFF  }
0xc0: {  	[dreg:$0x0] =	wrdreg $0xFFFFFFFF;
	(pc) =	sbr.abs _section_cstart, $3  }
0xc1: {  	[dreg:$0x1] =	wrdreg $0xFFFFFFFF  }
0xc2: {  	_ =	task.clear_ibuf [dreg:s7], $0x2FFFF;
	_ =	strace $0x9FFFFFFF  }
0xc3: {  	(tm) =	ssettm $0x7FFFFFFF  }
tec
execute0_lowered:
.L_overlay_start_1:
0x0: {  	(tag) =	ssettag $0x1  }
0x1: {  	s0 =	rddreg [dreg:$0x0]  }
0x2: {  	s1 =	rddreg [dreg:$0x1]  }
0x3: {  	s2 =	rddreg [dreg:$0x2];
	s3 =	simm.s32 $0x0  }
0x4: {  	s4 =	srdreg.scid;
	s9 =	stileid.u32;
	s28 =	simm.s32 $0x1  }
0x5: {  	s29 =	simm.s32 $0x2;
	s30 =	simm.s32 $0x3;
	s31 =	simm.s32 $0x4  }
0x6: {  	[smem:$0x7FF] =	sst s3;
	s4 =	sand.u32 $0x1, s4;
	s5 =	smul.u32 $0x500, s9  }
0x7: {  	s8 =	sadd.s32 $0x1A00, s1;
	s19 =	sadd.s32 $0x1800, s1;
	s21 =	smul.u32 $0xA00, s9  }
0x8: {  	_ =	strace $0x80000047;
	s6 =	sshll.u32 s4, $0x7;
	[dreg:$0xc] =	wrdreg s8  }
0x9: {  	s7 =	sshll.u32 s4, $0x4;
	[dreg:$0xd] =	wrdreg s19;
	s20 =	ssub.s32 $0x2, s4  }
0xa: {  	s4 =	smul.u32 $0x50000, s4;
	s5 =	sor.u32 s6, s5;
	s18 =	sor.u32 s9, s7  }
0xb: {  	s22 =	sshrl.u32 s20, $0x1;
	s7 =	sshrl.u32 s21, $0x2;
	s9 =	smul.u32 $0x5000, s9  }
0xc: {  	s5 =	sshrl.u32 s5, $0x3;
	s6 =	smul.u32 $0x5000, s18;
	s16 =	sadd.s32 s7, s2  }
0xd: {  	s1 =	sadd.s32 s5, s1;
	s5 =	ssub.s32 s20, s22;
	s4 =	sadd.s32 s9, s4  }
0xe: {  	[dreg:$0xe] =	wrdreg s16;
	s6 =	sshrl.u32 s6, $0x3;
	s9 =	sor.u32 $0xF80, s4  }
0xf: {  	s11 =	sor.u32 $0xE80, s4;
	s14 =	sor.u32 $0xD80, s4;
	s17 =	sor.u32 $0xC80, s4  }
0x10: {  	s18 =	sor.u32 $0xB80, s4;
	s22 =	sor.u32 $0xA80, s4;
	s1 =	sadd.s32 $0x1C00, s1  }
0x11: {  	s6 =	sadd.s32 s6, s0;
	s7 =	sshrl.u32 s9, $0x3;
	s15 =	sshrl.u32 s14, $0x3  }
0x12: {  	s20 =	sshrl.u32 s18, $0x3;
	[dreg:$0x17] =	wrdreg s1;
	s23 =	sadd.s32 $0x10, s6  }
0x13: {  	s18 =	simm.s32 $0x11;
	s24 =	sadd.s32 $0x30, s6;
	[dreg:$0xf] =	wrdreg s23  }
0x14: {  	s1 =	simm.s32 $0x6;
	s25 =	sadd.s32 $0x50, s6;
	[dreg:$0x10] =	wrdreg s24  }
0x15: {  	s9 =	simm.s32 $0xB;
	s26 =	sadd.s32 $0x70, s6;
	[dreg:$0x11] =	wrdreg s25  }
0x16: {  	s14 =	simm.s32 $0x10;
	s8 =	sadd.s32 $0x90, s6;
	[dreg:$0x12] =	wrdreg s26  }
0x17: {  	s10 =	sadd.s32 $0xB0, s6;
	s12 =	sadd.s32 $0xD0, s6;
	[dreg:$0x13] =	wrdreg s8  }
0x18: {  	s7 =	sadd.s32 s7, s0;
	s21 =	sadd.s32 s20, s0;
	[dreg:$0x14] =	wrdreg s10  }
0x19: {  	s6 =	sadd.s32 $0xF0, s6;
	s20 =	simm.s32 $0x80;
	[dreg:$0x15] =	wrdreg s12  }
0x1a: {  	s8 =	sshrl.u32 s11, $0x3;
	[dreg:$0x4] =	wrdreg s7;
	s7 =	sadd.s32 s15, s0  }
0x1b: {  	[dreg:$0x8] =	wrdreg s21;
	s23 =	sshrl.u32 s22, $0x3;
	s24 =	sor.u32 $0x980, s4  }
0x1c: {  	s4 =	sor.u32 $0x880, s4;
	[dreg:$0x16] =	wrdreg s6;
	s26 =	smax.u32 s5, $0x1  }
0x1d: {  	s21 =	simm.s32 $0x100;
	s22 =	simm.s32 $0x180;
	s5 =	simm.s32 $0x8  }
0x1e: {  	s10 =	simm.s32 $0xC;
	s11 =	simm.s32 $0xD;
	s12 =	simm.s32 $0xE  }
0x1f: {  	s15 =	simm.s32 $0x0;
	s13 =	sadd.s32 s8, s0;
	s8 =	sshrl.u32 s17, $0x3  }
0x20: {  	[dreg:$0x6] =	wrdreg s7;
	s7 =	sadd.s32 s23, s0;
	s4 =	sshrl.u32 s4, $0x3  }
0x21: {  	[dreg:$0x18] =	wrdreg s26;
	s17 =	simm.s32 $0x400;
	s23 =	simm.s32 $0x200  }
0x22: {  	s26 =	simm.s32 $0x380;
	[dreg:$0x5] =	wrdreg s13;
	s19 =	sadd.s32 s8, s0  }
0x23: {  	s8 =	sshrl.u32 s24, $0x3;
	[dreg:$0x9] =	wrdreg s7;
	s24 =	simm.s32 $0x280  }
0x24: {  	s7 =	simm.s32 $0x9;
	s13 =	simm.s32 $0xF;
	[dreg:$0x7] =	wrdreg s19  }
0x25: {  	s25 =	sadd.s32 s8, s0;
	s0 =	sadd.s32 s4, s0;
	s19 =	simm.s32 $0x480  }
0x26: {  	s4 =	simm.s32 $0x7;
	s8 =	simm.s32 $0xA;
	[dreg:$0xa] =	wrdreg s25  }
0x27: {  	[dreg:$0xb] =	wrdreg s0;
	s25 =	simm.s32 $0x300;
	s0 =	simm.s32 $0x5  }
.LBB2_1:
0x28: {  	s6 =	rddreg [dreg:$0xc]  }
0x29: {  	[tilespmem:s17], [sflag:$0x11] =	stream.linear.gather [hbm4b:s6+s3], $0x80, $0x38;
	[tilespmem:$0x980] =	vst v63  }
0x2a: {  	_ =	swait.ge [sflag:s18], $0x80  }
0x2b: {  	[sflag:s18] =	ssyncset.done $0x0  }
0x2c: {  	s6 =	rddreg [dreg:$0xd];
	[sflag:s18] =	ssyncadd.s32 $0xFFFFFF80  }
0x2d: {  	[tilespmem:s19], [sflag:$0x11] =	stream.linear.gather [hbm4b:s6+s3], $0x280, $0x38;
	[tilespmem:$0x980] =	vst v63  }
0x2e: {  	_ =	swait.ge [sflag:s18], $0x280  }
0x2f: {  	[sflag:s18] =	ssyncset.done $0x0  }
0x30: {  	[sflag:s18] =	ssyncadd.s32 $0xFFFFFD80  }
0x31: {  	[spmem:s16] =	stream.linear.scatter [tilespmem:s19], [sflag:$0x11], $0x280, $0x38;
	[tilespmem:$0x980] =	vst v63  }
0x32: {  	_ =	swait.ge [sflag:s18], $0x280  }
0x33: {  	[sflag:s18] =	ssyncset.done $0x0  }
0x34: {  	[sflag:s18] =	ssyncadd.s32 $0xFFFFFD80  }
0x35: {  	[bflag:$0x0] =	sbarrier.arrive $0xFFFF  }
0x36: {  	s16 =	rddreg [dreg:$0xf]  }
0x37: {  	[tilespmem:s3], [sflag:$0x1] =	stream.linear.gather [hbm4b:s16+s3], $0x80, $0x38;
	[tilespmem:$0x980] =	vst v63  }
0x38: {  	s19 =	rddreg [dreg:$0x10]  }
0x39: {  	[tilespmem:s20], [sflag:$0x2] =	stream.linear.gather [hbm4b:s19+s3], $0x80, $0x38;
	[tilespmem:$0x980] =	vst v63  }
0x3a: {  	s16 =	rddreg [dreg:$0x11]  }
0x3b: {  	[tilespmem:s21], [sflag:$0x3] =	stream.linear.gather [hbm4b:s16+s3], $0x80, $0x38;
	[tilespmem:$0x980] =	vst v63  }
0x3c: {  	s19 =	rddreg [dreg:$0x12]  }
0x3d: {  	[tilespmem:s22], [sflag:$0x4] =	stream.linear.gather [hbm4b:s19+s3], $0x80, $0x38;
	[tilespmem:$0x980] =	vst v63  }
0x3e: {  	s16 =	rddreg [dreg:$0x13]  }
0x3f: {  	[tilespmem:s23], [sflag:$0x5] =	stream.linear.gather [hbm4b:s16+s3], $0x80, $0x38;
	[tilespmem:$0x980] =	vst v63  }
0x40: {  	s19 =	rddreg [dreg:$0x14]  }
0x41: {  	[tilespmem:s24], [sflag:$0x6] =	stream.linear.gather [hbm4b:s19+s3], $0x80, $0x38;
	[tilespmem:$0x980] =	vst v63  }
0x42: {  	s16 =	rddreg [dreg:$0x15]  }
0x43: {  	[tilespmem:s25], [sflag:$0x7] =	stream.linear.gather [hbm4b:s16+s3], $0x80, $0x38;
	[tilespmem:$0x980] =	vst v63  }
0x44: {  	s19 =	rddreg [dreg:$0x16]  }
0x45: {  	[tilespmem:s26], [sflag:$0x8] =	stream.linear.gather [hbm4b:s19+s3], $0x80, $0x38;
	[tilespmem:$0x980] =	vst v63  }
0x46: {  	_ =	swait.ge [sflag:s28], $0x80  }
0x47: {  	[sflag:s28] =	ssyncset.done $0x0  }
0x48: {  	[sflag:s28] =	ssyncadd.s32 $0xFFFFFF80  }
0x49: {  	[spmem:s2] =	stream.indirect.scatter.add.f32 [tilespmem:s17], [sflag:$0x9], $0x1, s3, s20, $0xb8;
	[tilespmem:$0x980] =	vst v63  }
0x4a: {  	_ =	swait.ge [sflag:s29], $0x80  }
0x4b: {  	[sflag:s29] =	ssyncset.done $0x0  }
0x4c: {  	[sflag:s29] =	ssyncadd.s32 $0xFFFFFF80  }
0x4d: {  	[spmem:s2] =	stream.indirect.scatter.add.f32 [tilespmem:s17], [sflag:$0xA], $0x1, s20, s20, $0xb8;
	[tilespmem:$0x980] =	vst v63  }
0x4e: {  	_ =	swait.ge [sflag:s30], $0x80  }
0x4f: {  	[sflag:s30] =	ssyncset.done $0x0  }
0x50: {  	[sflag:s30] =	ssyncadd.s32 $0xFFFFFF80  }
0x51: {  	[spmem:s2] =	stream.indirect.scatter.add.f32 [tilespmem:s17], [sflag:$0xB], $0x1, s21, s20, $0xb8;
	[tilespmem:$0x980] =	vst v63  }
0x52: {  	_ =	swait.ge [sflag:s31], $0x80  }
0x53: {  	[sflag:s31] =	ssyncset.done $0x0  }
0x54: {  	[sflag:s31] =	ssyncadd.s32 $0xFFFFFF80  }
0x55: {  	[spmem:s2] =	stream.indirect.scatter.add.f32 [tilespmem:s17], [sflag:$0xC], $0x1, s22, s20, $0xb8;
	[tilespmem:$0x980] =	vst v63  }
0x56: {  	_ =	swait.ge [sflag:s0], $0x80  }
0x57: {  	[sflag:s0] =	ssyncset.done $0x0  }
0x58: {  	[sflag:s0] =	ssyncadd.s32 $0xFFFFFF80  }
0x59: {  	[spmem:s2] =	stream.indirect.scatter.add.f32 [tilespmem:s17], [sflag:$0xD], $0x1, s23, s20, $0xb8;
	[tilespmem:$0x980] =	vst v63  }
0x5a: {  	_ =	swait.ge [sflag:s1], $0x80  }
0x5b: {  	[sflag:s1] =	ssyncset.done $0x0  }
0x5c: {  	[sflag:s1] =	ssyncadd.s32 $0xFFFFFF80  }
0x5d: {  	[spmem:s2] =	stream.indirect.scatter.add.f32 [tilespmem:s17], [sflag:$0xE], $0x1, s24, s20, $0xb8;
	[tilespmem:$0x980] =	vst v63  }
0x5e: {  	_ =	swait.ge [sflag:s4], $0x80  }
0x5f: {  	[sflag:s4] =	ssyncset.done $0x0  }
0x60: {  	[sflag:s4] =	ssyncadd.s32 $0xFFFFFF80  }
0x61: {  	[spmem:s2] =	stream.indirect.scatter.add.f32 [tilespmem:s17], [sflag:$0xF], $0x1, s25, s20, $0xb8;
	[tilespmem:$0x980] =	vst v63  }
0x62: {  	_ =	swait.ge [sflag:s5], $0x80  }
0x63: {  	[sflag:s5] =	ssyncset.done $0x0  }
0x64: {  	[sflag:s5] =	ssyncadd.s32 $0xFFFFFF80  }
0x65: {  	[spmem:s2] =	stream.indirect.scatter.add.f32 [tilespmem:s17], [sflag:$0x10], $0x1, s26, s20, $0xb8;
	[tilespmem:$0x980] =	vst v63  }
0x66: {  	_ =	swait.ge [sflag:s7], $0x80  }
0x67: {  	s16 =	rddreg [dreg:$0xb];
	[sflag:s7] =	ssyncset.done $0x0  }
0x68: {  	[sflag:s7] =	ssyncadd.s32 $0xFFFFFF80;
	s6 =	sadd.s32 $0x0, s16  }
0x69: {  	[tilespmem:s3], [sflag:$0x1] =	stream.linear.gather [hbm4b:s6+s3], $0x80, $0x38;
	[tilespmem:$0x980] =	vst v63  }
0x6a: {  	_ =	swait.ge [sflag:s8], $0x80  }
0x6b: {  	s19 =	rddreg [dreg:$0xa];
	[sflag:s8] =	ssyncset.done $0x0  }
0x6c: {  	[sflag:s8] =	ssyncadd.s32 $0xFFFFFF80;
	s6 =	sadd.s32 $0x0, s19  }
0x6d: {  	[tilespmem:s20], [sflag:$0x2] =	stream.linear.gather [hbm4b:s6+s3], $0x80, $0x38;
	[tilespmem:$0x980] =	vst v63  }
0x6e: {  	_ =	swait.ge [sflag:s9], $0x80  }
0x6f: {  	s16 =	rddreg [dreg:$0x9];
	[sflag:s9] =	ssyncset.done $0x0  }
0x70: {  	[sflag:s9] =	ssyncadd.s32 $0xFFFFFF80;
	s6 =	sadd.s32 $0x0, s16  }
0x71: {  	[tilespmem:s21], [sflag:$0x3] =	stream.linear.gather [hbm4b:s6+s3], $0x80, $0x38;
	[tilespmem:$0x980] =	vst v63  }
0x72: {  	_ =	swait.ge [sflag:s10], $0x80  }
0x73: {  	s19 =	rddreg [dreg:$0x8];
	[sflag:s10] =	ssyncset.done $0x0  }
0x74: {  	[sflag:s10] =	ssyncadd.s32 $0xFFFFFF80;
	s6 =	sadd.s32 $0x0, s19  }
0x75: {  	[tilespmem:s22], [sflag:$0x4] =	stream.linear.gather [hbm4b:s6+s3], $0x80, $0x38;
	[tilespmem:$0x980] =	vst v63  }
0x76: {  	_ =	swait.ge [sflag:s11], $0x80  }
0x77: {  	s16 =	rddreg [dreg:$0x7];
	[sflag:s11] =	ssyncset.done $0x0  }
0x78: {  	[sflag:s11] =	ssyncadd.s32 $0xFFFFFF80;
	s6 =	sadd.s32 $0x0, s16  }
0x79: {  	[tilespmem:s23], [sflag:$0x5] =	stream.linear.gather [hbm4b:s6+s3], $0x80, $0x38;
	[tilespmem:$0x980] =	vst v63  }
0x7a: {  	_ =	swait.ge [sflag:s12], $0x80  }
0x7b: {  	s19 =	rddreg [dreg:$0x6];
	[sflag:s12] =	ssyncset.done $0x0  }
0x7c: {  	[sflag:s12] =	ssyncadd.s32 $0xFFFFFF80;
	s6 =	sadd.s32 $0x0, s19  }
0x7d: {  	[tilespmem:s24], [sflag:$0x6] =	stream.linear.gather [hbm4b:s6+s3], $0x80, $0x38;
	[tilespmem:$0x980] =	vst v63  }
0x7e: {  	_ =	swait.ge [sflag:s13], $0x80  }
0x7f: {  	s16 =	rddreg [dreg:$0x5];
	[sflag:s13] =	ssyncset.done $0x0  }
0x80: {  	[sflag:s13] =	ssyncadd.s32 $0xFFFFFF80;
	s6 =	sadd.s32 $0x0, s16  }
0x81: {  	[tilespmem:s25], [sflag:$0x7] =	stream.linear.gather [hbm4b:s6+s3], $0x80, $0x38;
	[tilespmem:$0x980] =	vst v63  }
0x82: {  	_ =	swait.ge [sflag:s14], $0x80  }
0x83: {  	s19 =	rddreg [dreg:$0x4];
	[sflag:s14] =	ssyncset.done $0x0  }
0x84: {  	s16 =	simm.s32 $0x100;
	[sflag:s14] =	ssyncadd.s32 $0xFFFFFF80;
	s6 =	sadd.s32 $0x0, s19  }
.LBB2_2:
0x85: {  	[tilespmem:s26], [sflag:$0x8] =	stream.linear.gather [hbm4b:s6+s3], $0x80, $0x38;
	[tilespmem:$0x980] =	vst v63  }
0x86: {  	_ =	swait.ge [sflag:s28], $0x80  }
0x87: {  	[sflag:s28] =	ssyncset.done $0x0  }
0x88: {  	[sflag:s28] =	ssyncadd.s32 $0xFFFFFF80  }
0x89: {  	[spmem:s2] =	stream.indirect.scatter.add.f32 [tilespmem:s17], [sflag:$0x9], $0x1, s3, s20, $0xb8;
	[tilespmem:$0x980] =	vst v63  }
0x8a: {  	_ =	swait.ge [sflag:s29], $0x80  }
0x8b: {  	[sflag:s29] =	ssyncset.done $0x0  }
0x8c: {  	[sflag:s29] =	ssyncadd.s32 $0xFFFFFF80  }
0x8d: {  	[spmem:s2] =	stream.indirect.scatter.add.f32 [tilespmem:s17], [sflag:$0xA], $0x1, s20, s20, $0xb8;
	[tilespmem:$0x980] =	vst v63  }
0x8e: {  	_ =	swait.ge [sflag:s30], $0x80  }
0x8f: {  	[sflag:s30] =	ssyncset.done $0x0  }
0x90: {  	[sflag:s30] =	ssyncadd.s32 $0xFFFFFF80  }
0x91: {  	[spmem:s2] =	stream.indirect.scatter.add.f32 [tilespmem:s17], [sflag:$0xB], $0x1, s21, s20, $0xb8;
	[tilespmem:$0x980] =	vst v63  }
0x92: {  	_ =	swait.ge [sflag:s31], $0x80  }
0x93: {  	[sflag:s31] =	ssyncset.done $0x0  }
0x94: {  	[sflag:s31] =	ssyncadd.s32 $0xFFFFFF80  }
0x95: {  	[spmem:s2] =	stream.indirect.scatter.add.f32 [tilespmem:s17], [sflag:$0xC], $0x1, s22, s20, $0xb8;
	[tilespmem:$0x980] =	vst v63  }
0x96: {  	_ =	swait.ge [sflag:s0], $0x80  }
0x97: {  	[sflag:s0] =	ssyncset.done $0x0  }
0x98: {  	[sflag:s0] =	ssyncadd.s32 $0xFFFFFF80  }
0x99: {  	[spmem:s2] =	stream.indirect.scatter.add.f32 [tilespmem:s17], [sflag:$0xD], $0x1, s23, s20, $0xb8;
	[tilespmem:$0x980] =	vst v63  }
0x9a: {  	_ =	swait.ge [sflag:s1], $0x80  }
0x9b: {  	[sflag:s1] =	ssyncset.done $0x0  }
0x9c: {  	[sflag:s1] =	ssyncadd.s32 $0xFFFFFF80  }
0x9d: {  	[spmem:s2] =	stream.indirect.scatter.add.f32 [tilespmem:s17], [sflag:$0xE], $0x1, s24, s20, $0xb8;
	[tilespmem:$0x980] =	vst v63  }
0x9e: {  	_ =	swait.ge [sflag:s4], $0x80  }
0x9f: {  	[sflag:s4] =	ssyncset.done $0x0  }
0xa0: {  	[sflag:s4] =	ssyncadd.s32 $0xFFFFFF80  }
0xa1: {  	[spmem:s2] =	stream.indirect.scatter.add.f32 [tilespmem:s17], [sflag:$0xF], $0x1, s25, s20, $0xb8;
	[tilespmem:$0x980] =	vst v63  }
0xa2: {  	_ =	swait.ge [sflag:s5], $0x80  }
0xa3: {  	[sflag:s5] =	ssyncset.done $0x0  }
0xa4: {  	[sflag:s5] =	ssyncadd.s32 $0xFFFFFF80  }
0xa5: {  	[spmem:s2] =	stream.indirect.scatter.add.f32 [tilespmem:s17], [sflag:$0x10], $0x1, s26, s20, $0xb8;
	[tilespmem:$0x980] =	vst v63  }
0xa6: {  	_ =	swait.ge [sflag:s7], $0x80  }
0xa7: {  	s6 =	smov.u32 s16;
	s19 =	rddreg [dreg:$0xb];
	[sflag:s7] =	ssyncset.done $0x0  }
0xa8: {  	[sflag:s7] =	ssyncadd.s32 $0xFFFFFF80;
	s19 =	sadd.s32 s6, s19  }
0xa9: {  	[tilespmem:s3], [sflag:$0x1] =	stream.linear.gather [hbm4b:s19+s3], $0x80, $0x38;
	[tilespmem:$0x980] =	vst v63  }
0xaa: {  	_ =	swait.ge [sflag:s8], $0x80  }
0xab: {  	s19 =	rddreg [dreg:$0xa];
	[sflag:s8] =	ssyncset.done $0x0  }
0xac: {  	[sflag:s8] =	ssyncadd.s32 $0xFFFFFF80;
	s19 =	sadd.s32 s6, s19  }
0xad: {  	[tilespmem:s20], [sflag:$0x2] =	stream.linear.gather [hbm4b:s19+s3], $0x80, $0x38;
	[tilespmem:$0x980] =	vst v63  }
0xae: {  	_ =	swait.ge [sflag:s9], $0x80  }
0xaf: {  	s19 =	rddreg [dreg:$0x9];
	[sflag:s9] =	ssyncset.done $0x0  }
0xb0: {  	[sflag:s9] =	ssyncadd.s32 $0xFFFFFF80;
	s19 =	sadd.s32 s6, s19  }
0xb1: {  	[tilespmem:s21], [sflag:$0x3] =	stream.linear.gather [hbm4b:s19+s3], $0x80, $0x38;
	[tilespmem:$0x980] =	vst v63  }
0xb2: {  	_ =	swait.ge [sflag:s10], $0x80  }
0xb3: {  	s19 =	rddreg [dreg:$0x8];
	[sflag:s10] =	ssyncset.done $0x0  }
0xb4: {  	[sflag:s10] =	ssyncadd.s32 $0xFFFFFF80;
	s19 =	sadd.s32 s6, s19  }
0xb5: {  	[tilespmem:s22], [sflag:$0x4] =	stream.linear.gather [hbm4b:s19+s3], $0x80, $0x38;
	[tilespmem:$0x980] =	vst v63  }
0xb6: {  	_ =	swait.ge [sflag:s11], $0x80  }
0xb7: {  	s19 =	rddreg [dreg:$0x7];
	[sflag:s11] =	ssyncset.done $0x0  }
0xb8: {  	[sflag:s11] =	ssyncadd.s32 $0xFFFFFF80;
	s19 =	sadd.s32 s6, s19  }
0xb9: {  	[tilespmem:s23], [sflag:$0x5] =	stream.linear.gather [hbm4b:s19+s3], $0x80, $0x38;
	[tilespmem:$0x980] =	vst v63  }
0xba: {  	_ =	swait.ge [sflag:s12], $0x80  }
0xbb: {  	s19 =	rddreg [dreg:$0x6];
	[sflag:s12] =	ssyncset.done $0x0  }
0xbc: {  	[sflag:s12] =	ssyncadd.s32 $0xFFFFFF80;
	s19 =	sadd.s32 s6, s19  }
0xbd: {  	[tilespmem:s24], [sflag:$0x6] =	stream.linear.gather [hbm4b:s19+s3], $0x80, $0x38;
	[tilespmem:$0x980] =	vst v63  }
0xbe: {  	_ =	swait.ge [sflag:s13], $0x80  }
0xbf: {  	p0 =	sne.s32 s16, $0x800;
	s19 =	rddreg [dreg:$0x5];
	[sflag:s13] =	ssyncset.done $0x0  }
.Ltmp0:
0xc0: {  	[sflag:s13] =	ssyncadd.s32 $0xFFFFFF80;
	s19 =	sadd.s32 s6, s19;
	(pc) =	sbr.rel @p0 .LBB2_2-.Ltmp0, $4  }
0xc1: {  	[tilespmem:s25], [sflag:$0x7] =	stream.linear.gather [hbm4b:s19+s3], $0x80, $0x38;
	[tilespmem:$0x980] =	vst v63  }
0xc2: {  	_ =	swait.ge [sflag:s14], $0x80  }
0xc3: {  	[sflag:s14] =	ssyncset.done $0x0;
	s19 =	rddreg [dreg:$0x4]  }
0xc4: {  	s16 =	sadd.s32 $0x100, s16;
	[sflag:s14] =	ssyncadd.s32 $0xFFFFFF80;
	s6 =	sadd.s32 s6, s19  }
0xc5: {  	[tilespmem:s26], [sflag:$0x8] =	stream.linear.gather [hbm4b:s6+s3], $0x80, $0x38;
	[tilespmem:$0x980] =	vst v63  }
0xc6: {  	_ =	swait.ge [sflag:s28], $0x80  }
0xc7: {  	[sflag:s28] =	ssyncset.done $0x0  }
0xc8: {  	[sflag:s28] =	ssyncadd.s32 $0xFFFFFF80  }
0xc9: {  	[spmem:s2] =	stream.indirect.scatter.add.f32 [tilespmem:s17], [sflag:$0x9], $0x1, s3, s20, $0xb8;
	[tilespmem:$0x980] =	vst v63  }
0xca: {  	_ =	swait.ge [sflag:s29], $0x80  }
0xcb: {  	[sflag:s29] =	ssyncset.done $0x0  }
0xcc: {  	[sflag:s29] =	ssyncadd.s32 $0xFFFFFF80  }
0xcd: {  	[spmem:s2] =	stream.indirect.scatter.add.f32 [tilespmem:s17], [sflag:$0xA], $0x1, s20, s20, $0xb8;
	[tilespmem:$0x980] =	vst v63  }
0xce: {  	_ =	swait.ge [sflag:s30], $0x80  }
0xcf: {  	[sflag:s30] =	ssyncset.done $0x0  }
0xd0: {  	[sflag:s30] =	ssyncadd.s32 $0xFFFFFF80  }
0xd1: {  	[spmem:s2] =	stream.indirect.scatter.add.f32 [tilespmem:s17], [sflag:$0xB], $0x1, s21, s20, $0xb8;
	[tilespmem:$0x980] =	vst v63  }
0xd2: {  	_ =	swait.ge [sflag:s31], $0x80  }
0xd3: {  	[sflag:s31] =	ssyncset.done $0x0  }
0xd4: {  	[sflag:s31] =	ssyncadd.s32 $0xFFFFFF80  }
0xd5: {  	[spmem:s2] =	stream.indirect.scatter.add.f32 [tilespmem:s17], [sflag:$0xC], $0x1, s22, s20, $0xb8;
	[tilespmem:$0x980] =	vst v63  }
0xd6: {  	_ =	swait.ge [sflag:s0], $0x80  }
0xd7: {  	[sflag:s0] =	ssyncset.done $0x0  }
0xd8: {  	[sflag:s0] =	ssyncadd.s32 $0xFFFFFF80  }
0xd9: {  	[spmem:s2] =	stream.indirect.scatter.add.f32 [tilespmem:s17], [sflag:$0xD], $0x1, s23, s20, $0xb8;
	[tilespmem:$0x980] =	vst v63  }
0xda: {  	_ =	swait.ge [sflag:s1], $0x80  }
0xdb: {  	[sflag:s1] =	ssyncset.done $0x0  }
0xdc: {  	[sflag:s1] =	ssyncadd.s32 $0xFFFFFF80  }
0xdd: {  	[spmem:s2] =	stream.indirect.scatter.add.f32 [tilespmem:s17], [sflag:$0xE], $0x1, s24, s20, $0xb8;
	[tilespmem:$0x980] =	vst v63  }
0xde: {  	_ =	swait.ge [sflag:s4], $0x80  }
0xdf: {  	[sflag:s4] =	ssyncset.done $0x0  }
0xe0: {  	[sflag:s4] =	ssyncadd.s32 $0xFFFFFF80  }
0xe1: {  	[spmem:s2] =	stream.indirect.scatter.add.f32 [tilespmem:s17], [sflag:$0xF], $0x1, s25, s20, $0xb8;
	[tilespmem:$0x980] =	vst v63  }
0xe2: {  	_ =	swait.ge [sflag:s5], $0x80  }
0xe3: {  	[sflag:s5] =	ssyncset.done $0x0  }
0xe4: {  	[sflag:s5] =	ssyncadd.s32 $0xFFFFFF80  }
0xe5: {  	[spmem:s2] =	stream.indirect.scatter.add.f32 [tilespmem:s17], [sflag:$0x10], $0x1, s26, s20, $0xb8;
	[tilespmem:$0x980] =	vst v63  }
0xe6: {  	_ =	swait.ge [sflag:s7], $0x80  }
0xe7: {  	[sflag:s7] =	ssyncset.done $0x0  }
0xe8: {  	[sflag:s7] =	ssyncadd.s32 $0xFFFFFF80  }
0xe9: {  	_ =	swait.ge [sflag:s8], $0x80  }
0xea: {  	[sflag:s8] =	ssyncset.done $0x0  }
0xeb: {  	[sflag:s8] =	ssyncadd.s32 $0xFFFFFF80  }
0xec: {  	_ =	swait.ge [sflag:s9], $0x80  }
0xed: {  	[sflag:s9] =	ssyncset.done $0x0  }
0xee: {  	[sflag:s9] =	ssyncadd.s32 $0xFFFFFF80  }
0xef: {  	_ =	swait.ge [sflag:s10], $0x80  }
0xf0: {  	[sflag:s10] =	ssyncset.done $0x0  }
0xf1: {  	[sflag:s10] =	ssyncadd.s32 $0xFFFFFF80  }
0xf2: {  	_ =	swait.ge [sflag:s11], $0x80  }
0xf3: {  	[sflag:s11] =	ssyncset.done $0x0  }
0xf4: {  	[sflag:s11] =	ssyncadd.s32 $0xFFFFFF80  }
0xf5: {  	_ =	swait.ge [sflag:s12], $0x80  }
0xf6: {  	[sflag:s12] =	ssyncset.done $0x0  }
0xf7: {  	[sflag:s12] =	ssyncadd.s32 $0xFFFFFF80  }
0xf8: {  	_ =	swait.ge [sflag:s13], $0x80  }
0xf9: {  	[sflag:s13] =	ssyncset.done $0x0  }
0xfa: {  	[sflag:s13] =	ssyncadd.s32 $0xFFFFFF80  }
0xfb: {  	_ =	swait.ge [sflag:s14], $0x80  }
0xfc: {  	[sflag:s14] =	ssyncset.done $0x0  }
0xfd: {  	[sflag:s14] =	ssyncadd.s32 $0xFFFFFF80  }
0xfe: {  	[bflag:$0x0] =	sbarrier.arrive $0xFFFF  }
0xff: {  	s19 =	simm.s32 $0x480;
	s16 =	rddreg [dreg:$0xe]  }
0x100: {  	[tilespmem:s19], [sflag:$0x11] =	stream.linear.gather [spmem:s16], $0x280, $0x38;
	[tilespmem:$0x980] =	vst v63  }
0x101: {  	_ =	swait.ge [sflag:s18], $0x280  }
0x102: {  	[sflag:s18] =	ssyncset.done $0x0  }
0x103: {  	s6 =	rddreg [dreg:$0x17];
	[sflag:s18] =	ssyncadd.s32 $0xFFFFFD80  }
0x104: {  	[hbm4b:s6+s20] =	stream.strided.scatter [tilespmem:s19], [sflag:$0x11], $0x280, s21, s20, $0x38;
	[tilespmem:$0x980] =	vst v63  }
0x105: {  	_ =	swait.ge [sflag:s18], $0x280  }
0x106: {  	s15 =	sadd.s32 $0x1, s15;
	s6 =	rddreg [dreg:$0x18]  }
0x107: {  	p0 =	sne.s32 s15, s6  }
.Ltmp1:
0x108: {  	_ = 	snop;
	(pc) =	sbr.rel @p0 .LBB2_1-.Ltmp1, $3  }
0x109: {  	_ =	sdelay $0x1  }
0x10a: {  	[sflag:s18] =	ssyncset.done $0x0  }
0x10b: {  	[sflag:s18] =	ssyncadd.s32 $0xFFFFFD80  }
0x10c: {  	_ =	sfence.sel $0x180000  }
0x10d: {  	[bflag:$0x0] =	sbarrier.arrive $0xFFFF  }
0x10e: {  	_ =	strace $0x90000047  }
0x10f: {  	s0 =	stileid.u32;
	[bflag:$0x2] =	sbarrier.arrive $0xFFFF  }
0x110: {  	p0 =	sne.s32 s0, $0x0;
	s0 =	rddreg [dreg:$0x3]  }
0x111: {  	s0 =	sadd.s32 @!p0 $0x100000, s0  }
0x112: {  	[sflag:s0] =	ssyncadd.tile.s32 @!p0 $0x1;
	_ =	shalt  }
.Lfunc_end2:
_tile_overlayer_lowered:
.L_overlay_start_2:
0x113: {  	(tag) =	ssettag $0x2  }
0x114: {  	s0 =	rddreg [dreg:$0x0];
	s2 =	stileid.u32  }
0x115: {  	s1 =	rddreg [dreg:$0x1];
	p0 =	sne.s32 s2, $0x0  }
0x116: {  	s3 =	rddreg [dreg:$0x2];
	[bflag:$0x3] =	sbarrier.arrive $0xFFFF;
	s2 =	simm.s32 @!p0 $0x1C11  }
0x117: {  	[timem:s3], [sflag:s2] =	dma.local @!p0 [hbm:s0], s1  }
0x118: {  	s0 =	simm.s32 @!p0 $0x11  }
0x119: {  	_ =	swait.ge @!p0 [sflag:s0], s1  }
0x11a: {  	s1 =	ssub.s32 @!p0 $0x0, s1;
	[sflag:s0] =	ssyncset.done @!p0 $0x0  }
0x11b: {  	[sflag:s0] =	ssyncadd.s32 @!p0 s1  }
0x11c: {  	[bflag:$0x3] =	sbarrier.arrive $0xFFFF  }
0x11d: {  	_ =	shalt  }

</sc_bundles>
